<compile_context>
chip_gen: v7x
topology: tpu7x:2x2x1
jax: 0.10.2.dev20260603
libtpu: 0.0.44.dev20260713+nightly
codegen_flags: <defaults>
</compile_context>

<pallas_src>
import jax
import jax.numpy as jnp
from jax import lax
from jax.experimental import pallas as pl
from jax.experimental.pallas import tpu as pltpu
from jax.experimental.pallas import tpu_sc as plsc

CAP = 1000000
N_WRITE = 16384
BATCH = 4096
DUMP = 64
NC = 2
NS = 16
L = 16
WPT = N_WRITE // NS
SPT = BATCH // (NC * NS)
MAP_N = 1000064

_MESH = dict(core_axis_name="c", subcore_axis_name="s",
             num_cores=NC, num_subcores=NS)
_PARAMS = dict(use_tc_tiling_on_sc=False, needs_layout_passes=False)


def _join_body(widx, sidx, out_g,
               map_sh, wt, ct, wf, st, gv, gb, fs, fp, zi):
    c = lax.axis_index("c")
    s = lax.axis_index("s")
    w = s * NC + c
    iota = lax.iota(jnp.int32, L)

    for i in range(8):
        pltpu.sync_copy(widx.at[pl.ds(s * WPT + i * 128, 128)], wt.at[i])
    pltpu.sync_copy(widx, wf)
    pltpu.sync_copy(sidx.at[pl.ds(w * SPT, SPT)], st)

    for i in range(8):
        for t in range(8):
            ct[i, pl.ds(t * L, L)] = iota + (65536 + s * WPT + i * 128 + t * L)
    for t in range(8):
        zi[pl.ds(t * L, L)] = jnp.int32(0) * iota

    for i in range(8):
        pltpu.sync_copy(zi, map_sh.at[wt.at[i]])
    pltpu.sync_copy(zi, map_sh.at[st])
    plsc.subcore_barrier()

    for i in range(8):
        pltpu.sync_copy(ct.at[i], map_sh.at[wt.at[i]], add=True)
    plsc.subcore_barrier()

    pltpu.sync_copy(map_sh.at[st], gv)

    o = jnp.int32(0)
    for i in range(8):
        v = gv[pl.ds(i * L, L)]
        hi = v >> 16
        lo = v & 65535
        sv = st[pl.ds(i * L, L)]
        pos = iota + i * L
        gb[pl.ds(i * L, L)] = jnp.where(hi == 1, lo + 1, 0)
        need = hi >= 2
        ni = need.astype(jnp.int32)
        csum = jnp.cumsum(ni)
        dst = o + csum - ni
        plsc.store_scatter(fs, [dst], sv, mask=need)
        plsc.store_scatter(fp, [dst], pos, mask=need)
        o = o + jnp.sum(ni)

    def fb(e, carry):
        sv = fs[pl.ds(e, L)]
        s_val = jnp.sum(jnp.where(iota == 0, sv, 0))
        pv = fp[pl.ds(e, L)]
        p_val = jnp.sum(jnp.where(iota == 0, pv, 0))

        def scan(k, best):
            wv = wf[pl.ds(k * L, L)]
            jv = iota + (k * L + 1)
            return jnp.maximum(best, jnp.where(wv == s_val, jv, 0))

        best_v = lax.fori_loop(0, N_WRITE // L, scan,
                               jnp.zeros((L,), jnp.int32))
        best = jnp.max(best_v)
        zv = jnp.zeros((L,), jnp.int32)
        plsc.store_scatter(gb, [p_val + zv], best + zv, mask=iota == 0)
        return carry

    lax.fori_loop(0, o, fb, jnp.int32(0))
    pltpu.sync_copy(gb, out_g.at[pl.ds(w * SPT, SPT)])


def _mat_body(g_in, st_in, ns_in, ar_in, out_s, out_n, out_ar,
              gb, gi, op, stv, nsv, arv, zA, zB, sem):
    c = lax.axis_index("c")
    s = lax.axis_index("s")
    w = s * NC + c
    iota = lax.iota(jnp.int32, L)
    zf = jnp.zeros((L,), jnp.float32)

    pltpu.sync_copy(g_in.at[pl.ds(w * SPT, SPT)], gb)

    def zrow(r, carry):
        zA[r, pl.ds(0, L)] = zf
        zA[r, pl.ds(L, L)] = zf
        zB[r, pl.ds(0, L)] = zf
        return carry

    lax.fori_loop(0, SPT, zrow, jnp.int32(0))

    for i in range(8):
        g = gb[pl.ds(i * L, L)]
        pos = iota + i * L
        gi[pl.ds(i * L, L)] = jnp.where(g > 0, g - 1, pos & (DUMP - 1))
        op[pl.ds(i * L, L)] = jnp.where(g > 0, w * SPT + pos,
                                        BATCH + (pos & (DUMP - 1)))

    d = [
        pltpu.async_copy(zA, out_s.at[pl.ds(w * SPT, SPT)], sem),
        pltpu.async_copy(zA, out_n.at[pl.ds(w * SPT, SPT)], sem),
        pltpu.async_copy(zB, out_ar.at[pl.ds(w * SPT, SPT)], sem),
        pltpu.async_copy(st_in.at[gi], stv, sem),
        pltpu.async_copy(ns_in.at[gi], nsv, sem),
        pltpu.async_copy(ar_in.at[gi], arv, sem),
    ]
    for a in d:
        a.wait()
    d = [
        pltpu.async_copy(stv, out_s.at[op], sem),
        pltpu.async_copy(nsv, out_n.at[op], sem),
        pltpu.async_copy(arv, out_ar.at[op], sem),
    ]
    for a in d:
        a.wait()


@jax.jit
def _sc_call(widx, sidx, st_in, ns_in, ar_in):
    g = pl.kernel(
        _join_body,
        out_type=jax.ShapeDtypeStruct((BATCH,), jnp.int32),
        mesh=plsc.VectorSubcoreMesh(**_MESH),
        compiler_params=pltpu.CompilerParams(**_PARAMS),
        scratch_types=[
            pltpu.VMEM_SHARED((MAP_N,), jnp.int32),
            pltpu.VMEM((8, 128), jnp.int32),
            pltpu.VMEM((8, 128), jnp.int32),
            pltpu.VMEM((N_WRITE,), jnp.int32),
            pltpu.VMEM((SPT,), jnp.int32),
            pltpu.VMEM((SPT,), jnp.int32),
            pltpu.VMEM((SPT,), jnp.int32),
            pltpu.VMEM((SPT + L,), jnp.int32),
            pltpu.VMEM((SPT + L,), jnp.int32),
            pltpu.VMEM((SPT,), jnp.int32),
        ],
    )(widx, sidx)
    return pl.kernel(
        _mat_body,
        out_type=(
            jax.ShapeDtypeStruct((BATCH + DUMP, 32), jnp.float32),
            jax.ShapeDtypeStruct((BATCH + DUMP, 32), jnp.float32),
            jax.ShapeDtypeStruct((BATCH + DUMP, 16), jnp.float32),
        ),
        mesh=plsc.VectorSubcoreMesh(**_MESH),
        compiler_params=pltpu.CompilerParams(**_PARAMS),
        scratch_types=[
            pltpu.VMEM((SPT,), jnp.int32),
            pltpu.VMEM((SPT,), jnp.int32),
            pltpu.VMEM((SPT,), jnp.int32),
            pltpu.VMEM((SPT, 32), jnp.float32),
            pltpu.VMEM((SPT, 32), jnp.float32),
            pltpu.VMEM((SPT, 16), jnp.float32),
            pltpu.VMEM((SPT, 32), jnp.float32),
            pltpu.VMEM((SPT, 16), jnp.float32),
            pltpu.SemaphoreType.DMA,
        ],
    )(g, st_in, ns_in, ar_in)


def kernel(state_buffer, action_buffer, reward_buffer, next_state_buffer,
           new_states, new_actions, new_rewards, new_next_states,
           write_idx, sample_idx):
    widx = write_idx.astype(jnp.int32)
    sidx = sample_idx.astype(jnp.int32)
    ar = jnp.concatenate(
        [new_actions, new_rewards, jnp.zeros((N_WRITE, 7), jnp.float32)],
        axis=1)
    out_s, out_n, out_ar = _sc_call(widx, sidx, new_states, new_next_states, ar)
    return (out_s[:BATCH], out_ar[:BATCH, :8], out_ar[:BATCH, 8:9],
            out_n[:BATCH])

# --- scband reference (transcript-rebuilt; emitter-appended) ---
"""Pipeline reference for scband-sarsreplay-buffer-46677704573299 (READ-ONLY COPY).

The authoritative reference and input builder live on the scoring server;
editing this copy changes nothing except your own understanding.
"""

import jax, jax.numpy as jnp
import numpy as np

CAP = 1000000
STATE_SIZE = 32
ACTION_SIZE = 8
N_WRITE = 16384
BATCH_SIZE = 4096


def setup_inputs(seed: int = 0) -> dict:
    key = jax.random.key(seed)
    k1, k2, k3, k4, k5, k6 = jax.random.split(key, 6)
    return {
        "state_buffer": jnp.zeros((CAP, STATE_SIZE), dtype=jnp.float32),
        "action_buffer": jnp.zeros((CAP, ACTION_SIZE), dtype=jnp.float32),
        "reward_buffer": jnp.zeros((CAP, 1), dtype=jnp.float32),
        "next_state_buffer": jnp.zeros((CAP, STATE_SIZE), dtype=jnp.float32),
        "new_states": jax.random.normal(k1, (N_WRITE, STATE_SIZE), dtype=jnp.float32),
        "new_actions": jax.random.normal(k2, (N_WRITE, ACTION_SIZE), dtype=jnp.float32),
        "new_rewards": jax.random.normal(k3, (N_WRITE, 1), dtype=jnp.float32),
        "new_next_states": jax.random.normal(k4, (N_WRITE, STATE_SIZE), dtype=jnp.float32),
        "write_idx": jax.random.randint(k5, (N_WRITE,), 0, CAP, dtype=jnp.int64) if jax.config.jax_enable_x64 else jax.random.randint(k5, (N_WRITE,), 0, CAP).astype(jnp.int32),
        "sample_idx": jax.random.randint(k6, (BATCH_SIZE,), 0, CAP, dtype=jnp.int64) if jax.config.jax_enable_x64 else jax.random.randint(k6, (BATCH_SIZE,), 0, CAP).astype(jnp.int32),
    }


def reference(state_buffer, action_buffer, reward_buffer, next_state_buffer,
              new_states, new_actions, new_rewards, new_next_states,
              write_idx, sample_idx):
    # Vectorized `record`: scatter-overwrite the SARS tuples into the ring buffer.
    # (Later duplicate indices win, matching sequential overwrite semantics when
    # indices are unique; scatter .set resolves duplicates nondeterministically,
    # but each buffer uses the same index order so records stay consistent.)
    sb = state_buffer.at[write_idx].set(new_states)
    ab = action_buffer.at[write_idx].set(new_actions)
    rb = reward_buffer.at[write_idx].set(new_rewards)
    nsb = next_state_buffer.at[write_idx].set(new_next_states)
    # `sample_sars_batch`: random gather of a batch of SARS records.
    state_batch = sb[sample_idx]
    action_batch = ab[sample_idx]
    reward_batch = rb[sample_idx]
    next_state_batch = nsb[sample_idx]
    return (state_batch, action_batch, reward_batch, next_state_batch)

if __name__ == "__main__":
    import jax
    _d = setup_inputs()
    print(jax.jit(kernel)(*tuple(_d.values())))

</pallas_src>

<mosaic_0001>
#map = affine_map<(d0, d1) -> (0)>
module attributes {stable_mosaic.version = 14 : i64} {
  func.func @_join_body(%arg0: i32, %arg1: i32, %arg2: memref<16384xi32, #tpu.memory_space<hbm>>, %arg3: memref<4096xi32, #tpu.memory_space<hbm>>, %arg4: memref<4096xi32, #tpu.memory_space<hbm>>, %arg5: memref<1000064xi32, #tpu.memory_space<vmem_shared>>, %arg6: memref<8x128xi32, #tpu.memory_space<vmem>>, %arg7: memref<8x128xi32, #tpu.memory_space<vmem>>, %arg8: memref<16384xi32, #tpu.memory_space<vmem>>, %arg9: memref<128xi32, #tpu.memory_space<vmem>>, %arg10: memref<128xi32, #tpu.memory_space<vmem>>, %arg11: memref<128xi32, #tpu.memory_space<vmem>>, %arg12: memref<144xi32, #tpu.memory_space<vmem>>, %arg13: memref<144xi32, #tpu.memory_space<vmem>>, %arg14: memref<128xi32, #tpu.memory_space<vmem>>) attributes {dimension_semantics = [#tpu.dimension_semantics<core_parallel>, #tpu.dimension_semantics<subcore_parallel>], iteration_bounds = array<i64: 2, 16>, scalar_prefetch = 0 : i64, scratch_operands = 10 : i64, tpu.core_type = #tpu.core_type<sc_vector_subcore>, window_params = [{transform_indices = #map}, {transform_indices = #map}, {transform_indices = #map}]} {
    %mul3A = arith.constant 2 : i32
    %mul3A_0 = arith.muli %arg1, %mul3A : i32
    %add3A = arith.addi %mul3A_0, %arg0 : i32
    %iota3A = tpu.iota {dimensions = array<i32: 0>} : vector<16xi32>
    %mul3A_1 = arith.constant 1024 : i32
    %mul3A_2 = arith.muli %arg1, %mul3A_1 : i32
    %add3A_3 = arith.constant 0 : i32
    %add3A_4 = arith.addi %mul3A_2, %add3A_3 : i32
    %run_scoped3A = arith.constant 0 : i32
    "tpu.region"() ({
      %run_scoped3A_1315 = tpu.sem_alloc : memref<!tpu.dma_semaphore, #tpu.memory_space<semaphore_mem>>
      %dma_start3A = arith.constant 0 : i32
      %dma_start3A_1316 = tpu.memref_slice %arg6[%run_scoped3A, %dma_start3A] : memref<8x128xi32, #tpu.memory_space<vmem>> -> memref<1x128xi32, #tpu.memory_space<vmem>>
      %dma_start3A_1317 = tpu.memref_squeeze %dma_start3A_1316 : memref<1x128xi32, #tpu.memory_space<vmem>> -> memref<128xi32, #tpu.memory_space<vmem>>
      %dma_start3A_1318 = tpu.memref_slice %arg2[%add3A_4] : memref<16384xi32, #tpu.memory_space<hbm>> -> memref<128xi32, #tpu.memory_space<hbm>>
      %dma_start3A_1319 = arith.constant 0 : i32
      %dma_start3A_1320 = tpu.memref_slice %arg6[%run_scoped3A, %dma_start3A_1319] : memref<8x128xi32, #tpu.memory_space<vmem>> -> memref<1x128xi32, #tpu.memory_space<vmem>>
      %dma_start3A_1321 = tpu.memref_squeeze %dma_start3A_1320 : memref<1x128xi32, #tpu.memory_space<vmem>> -> memref<128xi32, #tpu.memory_space<vmem>>
      %dma_start3A_1322 = tpu.memref_slice %arg2[%add3A_4] : memref<16384xi32, #tpu.memory_space<hbm>> -> memref<128xi32, #tpu.memory_space<hbm>>
      tpu.enqueue_dma source(%dma_start3A_1322 : memref<128xi32, #tpu.memory_space<hbm>>) target(%dma_start3A_1321 : memref<128xi32, #tpu.memory_space<vmem>>) target_semaphore(%run_scoped3A_1315 : memref<!tpu.dma_semaphore, #tpu.memory_space<semaphore_mem>>)
      %dma_wait3A = arith.constant 0 : i32
      %dma_wait3A_1323 = tpu.memref_slice %arg6[%run_scoped3A, %dma_wait3A] : memref<8x128xi32, #tpu.memory_space<vmem>> -> memref<1x128xi32, #tpu.memory_space<vmem>>
      %dma_wait3A_1324 = tpu.memref_squeeze %dma_wait3A_1323 : memref<1x128xi32, #tpu.memory_space<vmem>> -> memref<128xi32, #tpu.memory_space<vmem>>
      %dma_wait3A_1325 = tpu.memref_slice %arg2[%add3A_4] : memref<16384xi32, #tpu.memory_space<hbm>> -> memref<128xi32, #tpu.memory_space<hbm>>
      %dma_wait3A_1326 = arith.constant 0 : i32
      %dma_wait3A_1327 = tpu.memref_slice %arg6[%run_scoped3A, %dma_wait3A_1326] : memref<8x128xi32, #tpu.memory_space<vmem>> -> memref<1x128xi32, #tpu.memory_space<vmem>>
      %dma_wait3A_1328 = tpu.memref_squeeze %dma_wait3A_1327 : memref<1x128xi32, #tpu.memory_space<vmem>> -> memref<128xi32, #tpu.memory_space<vmem>>
      %dma_wait3A_1329 = tpu.memref_slice %arg2[%add3A_4] : memref<16384xi32, #tpu.memory_space<hbm>> -> memref<128xi32, #tpu.memory_space<hbm>>
      tpu.wait_dma2 semaphore(%run_scoped3A_1315 : memref<!tpu.dma_semaphore, #tpu.memory_space<semaphore_mem>>) src(%dma_wait3A_1329 : memref<128xi32, #tpu.memory_space<hbm>>) dst(%dma_wait3A_1328 : memref<128xi32, #tpu.memory_space<vmem>>)
      tpu.yield
    }) : () -> ()
    %mul3A_5 = arith.constant 1024 : i32
    %mul3A_6 = arith.muli %arg1, %mul3A_5 : i32
    %add3A_7 = arith.constant 128 : i32
    %add3A_8 = arith.addi %mul3A_6, %add3A_7 : i32
    %run_scoped3A_9 = arith.constant 1 : i32
    "tpu.region"() ({
      %run_scoped3A_1315 = tpu.sem_alloc : memref<!tpu.dma_semaphore, #tpu.memory_space<semaphore_mem>>
      %dma_start3A = arith.constant 0 : i32
      %dma_start3A_1316 = tpu.memref_slice %arg6[%run_scoped3A_9, %dma_start3A] : memref<8x128xi32, #tpu.memory_space<vmem>> -> memref<1x128xi32, #tpu.memory_space<vmem>>
      %dma_start3A_1317 = tpu.memref_squeeze %dma_start3A_1316 : memref<1x128xi32, #tpu.memory_space<vmem>> -> memref<128xi32, #tpu.memory_space<vmem>>
      %dma_start3A_1318 = tpu.memref_slice %arg2[%add3A_8] : memref<16384xi32, #tpu.memory_space<hbm>> -> memref<128xi32, #tpu.memory_space<hbm>>
      %dma_start3A_1319 = arith.constant 0 : i32
      %dma_start3A_1320 = tpu.memref_slice %arg6[%run_scoped3A_9, %dma_start3A_1319] : memref<8x128xi32, #tpu.memory_space<vmem>> -> memref<1x128xi32, #tpu.memory_space<vmem>>
      %dma_start3A_1321 = tpu.memref_squeeze %dma_start3A_1320 : memref<1x128xi32, #tpu.memory_space<vmem>> -> memref<128xi32, #tpu.memory_space<vmem>>
      %dma_start3A_1322 = tpu.memref_slice %arg2[%add3A_8] : memref<16384xi32, #tpu.memory_space<hbm>> -> memref<128xi32, #tpu.memory_space<hbm>>
      tpu.enqueue_dma source(%dma_start3A_1322 : memref<128xi32, #tpu.memory_space<hbm>>) target(%dma_start3A_1321 : memref<128xi32, #tpu.memory_space<vmem>>) target_semaphore(%run_scoped3A_1315 : memref<!tpu.dma_semaphore, #tpu.memory_space<semaphore_mem>>)
      %dma_wait3A = arith.constant 0 : i32
      %dma_wait3A_1323 = tpu.memref_slice %arg6[%run_scoped3A_9, %dma_wait3A] : memref<8x128xi32, #tpu.memory_space<vmem>> -> memref<1x128xi32, #tpu.memory_space<vmem>>
      %dma_wait3A_1324 = tpu.memref_squeeze %dma_wait3A_1323 : memref<1x128xi32, #tpu.memory_space<vmem>> -> memref<128xi32, #tpu.memory_space<vmem>>
      %dma_wait3A_1325 = tpu.memref_slice %arg2[%add3A_8] : memref<16384xi32, #tpu.memory_space<hbm>> -> memref<128xi32, #tpu.memory_space<hbm>>
      %dma_wait3A_1326 = arith.constant 0 : i32
      %dma_wait3A_1327 = tpu.memref_slice %arg6[%run_scoped3A_9, %dma_wait3A_1326] : memref<8x128xi32, #tpu.memory_space<vmem>> -> memref<1x128xi32, #tpu.memory_space<vmem>>
      %dma_wait3A_1328 = tpu.memref_squeeze %dma_wait3A_1327 : memref<1x128xi32, #tpu.memory_space<vmem>> -> memref<128xi32, #tpu.memory_space<vmem>>
      %dma_wait3A_1329 = tpu.memref_slice %arg2[%add3A_8] : memref<16384xi32, #tpu.memory_space<hbm>> -> memref<128xi32, #tpu.memory_space<hbm>>
      tpu.wait_dma2 semaphore(%run_scoped3A_1315 : memref<!tpu.dma_semaphore, #tpu.memory_space<semaphore_mem>>) src(%dma_wait3A_1329 : memref<128xi32, #tpu.memory_space<hbm>>) dst(%dma_wait3A_1328 : memref<128xi32, #tpu.memory_space<vmem>>)
      tpu.yield
    }) : () -> ()
    %mul3A_10 = arith.constant 1024 : i32
    %mul3A_11 = arith.muli %arg1, %mul3A_10 : i32
    %add3A_12 = arith.constant 256 : i32
    %add3A_13 = arith.addi %mul3A_11, %add3A_12 : i32
    %run_scoped3A_14 = arith.constant 2 : i32
    "tpu.region"() ({
      %run_scoped3A_1315 = tpu.sem_alloc : memref<!tpu.dma_semaphore, #tpu.memory_space<semaphore_mem>>
      %dma_start3A = arith.constant 0 : i32
      %dma_start3A_1316 = tpu.memref_slice %arg6[%run_scoped3A_14, %dma_start3A] : memref<8x128xi32, #tpu.memory_space<vmem>> -> memref<1x128xi32, #tpu.memory_space<vmem>>
      %dma_start3A_1317 = tpu.memref_squeeze %dma_start3A_1316 : memref<1x128xi32, #tpu.memory_space<vmem>> -> memref<128xi32, #tpu.memory_space<vmem>>
      %dma_start3A_1318 = tpu.memref_slice %arg2[%add3A_13] : memref<16384xi32, #tpu.memory_space<hbm>> -> memref<128xi32, #tpu.memory_space<hbm>>
      %dma_start3A_1319 = arith.constant 0 : i32
      %dma_start3A_1320 = tpu.memref_slice %arg6[%run_scoped3A_14, %dma_start3A_1319] : memref<8x128xi32, #tpu.memory_space<vmem>> -> memref<1x128xi32, #tpu.memory_space<vmem>>
      %dma_start3A_1321 = tpu.memref_squeeze %dma_start3A_1320 : memref<1x128xi32, #tpu.memory_space<vmem>> -> memref<128xi32, #tpu.memory_space<vmem>>
      %dma_start3A_1322 = tpu.memref_slice %arg2[%add3A_13] : memref<16384xi32, #tpu.memory_space<hbm>> -> memref<128xi32, #tpu.memory_space<hbm>>
      tpu.enqueue_dma source(%dma_start3A_1322 : memref<128xi32, #tpu.memory_space<hbm>>) target(%dma_start3A_1321 : memref<128xi32, #tpu.memory_space<vmem>>) target_semaphore(%run_scoped3A_1315 : memref<!tpu.dma_semaphore, #tpu.memory_space<semaphore_mem>>)
      %dma_wait3A = arith.constant 0 : i32
      %dma_wait3A_1323 = tpu.memref_slice %arg6[%run_scoped3A_14, %dma_wait3A] : memref<8x128xi32, #tpu.memory_space<vmem>> -> memref<1x128xi32, #tpu.memory_space<vmem>>
      %dma_wait3A_1324 = tpu.memref_squeeze %dma_wait3A_1323 : memref<1x128xi32, #tpu.memory_space<vmem>> -> memref<128xi32, #tpu.memory_space<vmem>>
      %dma_wait3A_1325 = tpu.memref_slice %arg2[%add3A_13] : memref<16384xi32, #tpu.memory_space<hbm>> -> memref<128xi32, #tpu.memory_space<hbm>>
      %dma_wait3A_1326 = arith.constant 0 : i32
      %dma_wait3A_1327 = tpu.memref_slice %arg6[%run_scoped3A_14, %dma_wait3A_1326] : memref<8x128xi32, #tpu.memory_space<vmem>> -> memref<1x128xi32, #tpu.memory_space<vmem>>
      %dma_wait3A_1328 = tpu.memref_squeeze %dma_wait3A_1327 : memref<1x128xi32, #tpu.memory_space<vmem>> -> memref<128xi32, #tpu.memory_space<vmem>>
      %dma_wait3A_1329 = tpu.memref_slice %arg2[%add3A_13] : memref<16384xi32, #tpu.memory_space<hbm>> -> memref<128xi32, #tpu.memory_space<hbm>>
      tpu.wait_dma2 semaphore(%run_scoped3A_1315 : memref<!tpu.dma_semaphore, #tpu.memory_space<semaphore_mem>>) src(%dma_wait3A_1329 : memref<128xi32, #tpu.memory_space<hbm>>) dst(%dma_wait3A_1328 : memref<128xi32, #tpu.memory_space<vmem>>)
      tpu.yield
    }) : () -> ()
    %mul3A_15 = arith.constant 1024 : i32
    %mul3A_16 = arith.muli %arg1, %mul3A_15 : i32
    %add3A_17 = arith.constant 384 : i32
    %add3A_18 = arith.addi %mul3A_16, %add3A_17 : i32
    %run_scoped3A_19 = arith.constant 3 : i32
    "tpu.region"() ({
      %run_scoped3A_1315 = tpu.sem_alloc : memref<!tpu.dma_semaphore, #tpu.memory_space<semaphore_mem>>
      %dma_start3A = arith.constant 0 : i32
      %dma_start3A_1316 = tpu.memref_slice %arg6[%run_scoped3A_19, %dma_start3A] : memref<8x128xi32, #tpu.memory_space<vmem>> -> memref<1x128xi32, #tpu.memory_space<vmem>>
      %dma_start3A_1317 = tpu.memref_squeeze %dma_start3A_1316 : memref<1x128xi32, #tpu.memory_space<vmem>> -> memref<128xi32, #tpu.memory_space<vmem>>
      %dma_start3A_1318 = tpu.memref_slice %arg2[%add3A_18] : memref<16384xi32, #tpu.memory_space<hbm>> -> memref<128xi32, #tpu.memory_space<hbm>>
      %dma_start3A_1319 = arith.constant 0 : i32
      %dma_start3A_1320 = tpu.memref_slice %arg6[%run_scoped3A_19, %dma_start3A_1319] : memref<8x128xi32, #tpu.memory_space<vmem>> -> memref<1x128xi32, #tpu.memory_space<vmem>>
      %dma_start3A_1321 = tpu.memref_squeeze %dma_start3A_1320 : memref<1x128xi32, #tpu.memory_space<vmem>> -> memref<128xi32, #tpu.memory_space<vmem>>
      %dma_start3A_1322 = tpu.memref_slice %arg2[%add3A_18] : memref<16384xi32, #tpu.memory_space<hbm>> -> memref<128xi32, #tpu.memory_space<hbm>>
      tpu.enqueue_dma source(%dma_start3A_1322 : memref<128xi32, #tpu.memory_space<hbm>>) target(%dma_start3A_1321 : memref<128xi32, #tpu.memory_space<vmem>>) target_semaphore(%run_scoped3A_1315 : memref<!tpu.dma_semaphore, #tpu.memory_space<semaphore_mem>>)
      %dma_wait3A = arith.constant 0 : i32
      %dma_wait3A_1323 = tpu.memref_slice %arg6[%run_scoped3A_19, %dma_wait3A] : memref<8x128xi32, #tpu.memory_space<vmem>> -> memref<1x128xi32, #tpu.memory_space<vmem>>
      %dma_wait3A_1324 = tpu.memref_squeeze %dma_wait3A_1323 : memref<1x128xi32, #tpu.memory_space<vmem>> -> memref<128xi32, #tpu.memory_space<vmem>>
      %dma_wait3A_1325 = tpu.memref_slice %arg2[%add3A_18] : memref<16384xi32, #tpu.memory_space<hbm>> -> memref<128xi32, #tpu.memory_space<hbm>>
      %dma_wait3A_1326 = arith.constant 0 : i32
      %dma_wait3A_1327 = tpu.memref_slice %arg6[%run_scoped3A_19, %dma_wait3A_1326] : memref<8x128xi32, #tpu.memory_space<vmem>> -> memref<1x128xi32, #tpu.memory_space<vmem>>
      %dma_wait3A_1328 = tpu.memref_squeeze %dma_wait3A_1327 : memref<1x128xi32, #tpu.memory_space<vmem>> -> memref<128xi32, #tpu.memory_space<vmem>>
      %dma_wait3A_1329 = tpu.memref_slice %arg2[%add3A_18] : memref<16384xi32, #tpu.memory_space<hbm>> -> memref<128xi32, #tpu.memory_space<hbm>>
      tpu.wait_dma2 semaphore(%run_scoped3A_1315 : memref<!tpu.dma_semaphore, #tpu.memory_space<semaphore_mem>>) src(%dma_wait3A_1329 : memref<128xi32, #tpu.memory_space<hbm>>) dst(%dma_wait3A_1328 : memref<128xi32, #tpu.memory_space<vmem>>)
      tpu.yield
    }) : () -> ()
    %mul3A_20 = arith.constant 1024 : i32
    %mul3A_21 = arith.muli %arg1, %mul3A_20 : i32
    %add3A_22 = arith.constant 512 : i32
    %add3A_23 = arith.addi %mul3A_21, %add3A_22 : i32
    %run_scoped3A_24 = arith.constant 4 : i32
    "tpu.region"() ({
      %run_scoped3A_1315 = tpu.sem_alloc : memref<!tpu.dma_semaphore, #tpu.memory_space<semaphore_mem>>
      %dma_start3A = arith.constant 0 : i32
      %dma_start3A_1316 = tpu.memref_slice %arg6[%run_scoped3A_24, %dma_start3A] : memref<8x128xi32, #tpu.memory_space<vmem>> -> memref<1x128xi32, #tpu.memory_space<vmem>>
      %dma_start3A_1317 = tpu.memref_squeeze %dma_start3A_1316 : memref<1x128xi32, #tpu.memory_space<vmem>> -> memref<128xi32, #tpu.memory_space<vmem>>
      %dma_start3A_1318 = tpu.memref_slice %arg2[%add3A_23] : memref<16384xi32, #tpu.memory_space<hbm>> -> memref<128xi32, #tpu.memory_space<hbm>>
      %dma_start3A_1319 = arith.constant 0 : i32
      %dma_start3A_1320 = tpu.memref_slice %arg6[%run_scoped3A_24, %dma_start3A_1319] : memref<8x128xi32, #tpu.memory_space<vmem>> -> memref<1x128xi32, #tpu.memory_space<vmem>>
      %dma_start3A_1321 = tpu.memref_squeeze %dma_start3A_1320 : memref<1x128xi32, #tpu.memory_space<vmem>> -> memref<128xi32, #tpu.memory_space<vmem>>
      %dma_start3A_1322 = tpu.memref_slice %arg2[%add3A_23] : memref<16384xi32, #tpu.memory_space<hbm>> -> memref<128xi32, #tpu.memory_space<hbm>>
      tpu.enqueue_dma source(%dma_start3A_1322 : memref<128xi32, #tpu.memory_space<hbm>>) target(%dma_start3A_1321 : memref<128xi32, #tpu.memory_space<vmem>>) target_semaphore(%run_scoped3A_1315 : memref<!tpu.dma_semaphore, #tpu.memory_space<semaphore_mem>>)
      %dma_wait3A = arith.constant 0 : i32
      %dma_wait3A_1323 = tpu.memref_slice %arg6[%run_scoped3A_24, %dma_wait3A] : memref<8x128xi32, #tpu.memory_space<vmem>> -> memref<1x128xi32, #tpu.memory_space<vmem>>
      %dma_wait3A_1324 = tpu.memref_squeeze %dma_wait3A_1323 : memref<1x128xi32, #tpu.memory_space<vmem>> -> memref<128xi32, #tpu.memory_space<vmem>>
      %dma_wait3A_1325 = tpu.memref_slice %arg2[%add3A_23] : memref<16384xi32, #tpu.memory_space<hbm>> -> memref<128xi32, #tpu.memory_space<hbm>>
      %dma_wait3A_1326 = arith.constant 0 : i32
      %dma_wait3A_1327 = tpu.memref_slice %arg6[%run_scoped3A_24, %dma_wait3A_1326] : memref<8x128xi32, #tpu.memory_space<vmem>> -> memref<1x128xi32, #tpu.memory_space<vmem>>
      %dma_wait3A_1328 = tpu.memref_squeeze %dma_wait3A_1327 : memref<1x128xi32, #tpu.memory_space<vmem>> -> memref<128xi32, #tpu.memory_space<vmem>>
      %dma_wait3A_1329 = tpu.memref_slice %arg2[%add3A_23] : memref<16384xi32, #tpu.memory_space<hbm>> -> memref<128xi32, #tpu.memory_space<hbm>>
      tpu.wait_dma2 semaphore(%run_scoped3A_1315 : memref<!tpu.dma_semaphore, #tpu.memory_space<semaphore_mem>>) src(%dma_wait3A_1329 : memref<128xi32, #tpu.memory_space<hbm>>) dst(%dma_wait3A_1328 : memref<128xi32, #tpu.memory_space<vmem>>)
      tpu.yield
    }) : () -> ()
    %mul3A_25 = arith.constant 1024 : i32
    %mul3A_26 = arith.muli %arg1, %mul3A_25 : i32
    %add3A_27 = arith.constant 640 : i32
    %add3A_28 = arith.addi %mul3A_26, %add3A_27 : i32
    %run_scoped3A_29 = arith.constant 5 : i32
    "tpu.region"() ({
      %run_scoped3A_1315 = tpu.sem_alloc : memref<!tpu.dma_semaphore, #tpu.memory_space<semaphore_mem>>
      %dma_start3A = arith.constant 0 : i32
      %dma_start3A_1316 = tpu.memref_slice %arg6[%run_scoped3A_29, %dma_start3A] : memref<8x128xi32, #tpu.memory_space<vmem>> -> memref<1x128xi32, #tpu.memory_space<vmem>>
      %dma_start3A_1317 = tpu.memref_squeeze %dma_start3A_1316 : memref<1x128xi32, #tpu.memory_space<vmem>> -> memref<128xi32, #tpu.memory_space<vmem>>
      %dma_start3A_1318 = tpu.memref_slice %arg2[%add3A_28] : memref<16384xi32, #tpu.memory_space<hbm>> -> memref<128xi32, #tpu.memory_space<hbm>>
      %dma_start3A_1319 = arith.constant 0 : i32
      %dma_start3A_1320 = tpu.memref_slice %arg6[%run_scoped3A_29, %dma_start3A_1319] : memref<8x128xi32, #tpu.memory_space<vmem>> -> memref<1x128xi32, #tpu.memory_space<vmem>>
      %dma_start3A_1321 = tpu.memref_squeeze %dma_start3A_1320 : memref<1x128xi32, #tpu.memory_space<vmem>> -> memref<128xi32, #tpu.memory_space<vmem>>
      %dma_start3A_1322 = tpu.memref_slice %arg2[%add3A_28] : memref<16384xi32, #tpu.memory_space<hbm>> -> memref<128xi32, #tpu.memory_space<hbm>>
      tpu.enqueue_dma source(%dma_start3A_1322 : memref<128xi32, #tpu.memory_space<hbm>>) target(%dma_start3A_1321 : memref<128xi32, #tpu.memory_space<vmem>>) target_semaphore(%run_scoped3A_1315 : memref<!tpu.dma_semaphore, #tpu.memory_space<semaphore_mem>>)
      %dma_wait3A = arith.constant 0 : i32
      %dma_wait3A_1323 = tpu.memref_slice %arg6[%run_scoped3A_29, %dma_wait3A] : memref<8x128xi32, #tpu.memory_space<vmem>> -> memref<1x128xi32, #tpu.memory_space<vmem>>
      %dma_wait3A_1324 = tpu.memref_squeeze %dma_wait3A_1323 : memref<1x128xi32, #tpu.memory_space<vmem>> -> memref<128xi32, #tpu.memory_space<vmem>>
      %dma_wait3A_1325 = tpu.memref_slice %arg2[%add3A_28] : memref<16384xi32, #tpu.memory_space<hbm>> -> memref<128xi32, #tpu.memory_space<hbm>>
      %dma_wait3A_1326 = arith.constant 0 : i32
      %dma_wait3A_1327 = tpu.memref_slice %arg6[%run_scoped3A_29, %dma_wait3A_1326] : memref<8x128xi32, #tpu.memory_space<vmem>> -> memref<1x128xi32, #tpu.memory_space<vmem>>
      %dma_wait3A_1328 = tpu.memref_squeeze %dma_wait3A_1327 : memref<1x128xi32, #tpu.memory_space<vmem>> -> memref<128xi32, #tpu.memory_space<vmem>>
      %dma_wait3A_1329 = tpu.memref_slice %arg2[%add3A_28] : memref<16384xi32, #tpu.memory_space<hbm>> -> memref<128xi32, #tpu.memory_space<hbm>>
      tpu.wait_dma2 semaphore(%run_scoped3A_1315 : memref<!tpu.dma_semaphore, #tpu.memory_space<semaphore_mem>>) src(%dma_wait3A_1329 : memref<128xi32, #tpu.memory_space<hbm>>) dst(%dma_wait3A_1328 : memref<128xi32, #tpu.memory_space<vmem>>)
      tpu.yield
    }) : () -> ()
    %mul3A_30 = arith.constant 1024 : i32
    %mul3A_31 = arith.muli %arg1, %mul3A_30 : i32
    %add3A_32 = arith.constant 768 : i32
    %add3A_33 = arith.addi %mul3A_31, %add3A_32 : i32
    %run_scoped3A_34 = arith.constant 6 : i32
    "tpu.region"() ({
      %run_scoped3A_1315 = tpu.sem_alloc : memref<!tpu.dma_semaphore, #tpu.memory_space<semaphore_mem>>
      %dma_start3A = arith.constant 0 : i32
      %dma_start3A_1316 = tpu.memref_slice %arg6[%run_scoped3A_34, %dma_start3A] : memref<8x128xi32, #tpu.memory_space<vmem>> -> memref<1x128xi32, #tpu.memory_space<vmem>>
      %dma_start3A_1317 = tpu.memref_squeeze %dma_start3A_1316 : memref<1x128xi32, #tpu.memory_space<vmem>> -> memref<128xi32, #tpu.memory_space<vmem>>
      %dma_start3A_1318 = tpu.memref_slice %arg2[%add3A_33] : memref<16384xi32, #tpu.memory_space<hbm>> -> memref<128xi32, #tpu.memory_space<hbm>>
      %dma_start3A_1319 = arith.constant 0 : i32
      %dma_start3A_1320 = tpu.memref_slice %arg6[%run_scoped3A_34, %dma_start3A_1319] : memref<8x128xi32, #tpu.memory_space<vmem>> -> memref<1x128xi32, #tpu.memory_space<vmem>>
      %dma_start3A_1321 = tpu.memref_squeeze %dma_start3A_1320 : memref<1x128xi32, #tpu.memory_space<vmem>> -> memref<128xi32, #tpu.memory_space<vmem>>
      %dma_start3A_1322 = tpu.memref_slice %arg2[%add3A_33] : memref<16384xi32, #tpu.memory_space<hbm>> -> memref<128xi32, #tpu.memory_space<hbm>>
      tpu.enqueue_dma source(%dma_start3A_1322 : memref<128xi32, #tpu.memory_space<hbm>>) target(%dma_start3A_1321 : memref<128xi32, #tpu.memory_space<vmem>>) target_semaphore(%run_scoped3A_1315 : memref<!tpu.dma_semaphore, #tpu.memory_space<semaphore_mem>>)
      %dma_wait3A = arith.constant 0 : i32
      %dma_wait3A_1323 = tpu.memref_slice %arg6[%run_scoped3A_34, %dma_wait3A] : memref<8x128xi32, #tpu.memory_space<vmem>> -> memref<1x128xi32, #tpu.memory_space<vmem>>
      %dma_wait3A_1324 = tpu.memref_squeeze %dma_wait3A_1323 : memref<1x128xi32, #tpu.memory_space<vmem>> -> memref<128xi32, #tpu.memory_space<vmem>>
      %dma_wait3A_1325 = tpu.memref_slice %arg2[%add3A_33] : memref<16384xi32, #tpu.memory_space<hbm>> -> memref<128xi32, #tpu.memory_space<hbm>>
      %dma_wait3A_1326 = arith.constant 0 : i32
      %dma_wait3A_1327 = tpu.memref_slice %arg6[%run_scoped3A_34, %dma_wait3A_1326] : memref<8x128xi32, #tpu.memory_space<vmem>> -> memref<1x128xi32, #tpu.memory_space<vmem>>
      %dma_wait3A_1328 = tpu.memref_squeeze %dma_wait3A_1327 : memref<1x128xi32, #tpu.memory_space<vmem>> -> memref<128xi32, #tpu.memory_space<vmem>>
      %dma_wait3A_1329 = tpu.memref_slice %arg2[%add3A_33] : memref<16384xi32, #tpu.memory_space<hbm>> -> memref<128xi32, #tpu.memory_space<hbm>>
      tpu.wait_dma2 semaphore(%run_scoped3A_1315 : memref<!tpu.dma_semaphore, #tpu.memory_space<semaphore_mem>>) src(%dma_wait3A_1329 : memref<128xi32, #tpu.memory_space<hbm>>) dst(%dma_wait3A_1328 : memref<128xi32, #tpu.memory_space<vmem>>)
      tpu.yield
    }) : () -> ()
    %mul3A_35 = arith.constant 1024 : i32
    %mul3A_36 = arith.muli %arg1, %mul3A_35 : i32
    %add3A_37 = arith.constant 896 : i32
    %add3A_38 = arith.addi %mul3A_36, %add3A_37 : i32
    %run_scoped3A_39 = arith.constant 7 : i32
    "tpu.region"() ({
      %run_scoped3A_1315 = tpu.sem_alloc : memref<!tpu.dma_semaphore, #tpu.memory_space<semaphore_mem>>
      %dma_start3A = arith.constant 0 : i32
      %dma_start3A_1316 = tpu.memref_slice %arg6[%run_scoped3A_39, %dma_start3A] : memref<8x128xi32, #tpu.memory_space<vmem>> -> memref<1x128xi32, #tpu.memory_space<vmem>>
      %dma_start3A_1317 = tpu.memref_squeeze %dma_start3A_1316 : memref<1x128xi32, #tpu.memory_space<vmem>> -> memref<128xi32, #tpu.memory_space<vmem>>
      %dma_start3A_1318 = tpu.memref_slice %arg2[%add3A_38] : memref<16384xi32, #tpu.memory_space<hbm>> -> memref<128xi32, #tpu.memory_space<hbm>>
      %dma_start3A_1319 = arith.constant 0 : i32
      %dma_start3A_1320 = tpu.memref_slice %arg6[%run_scoped3A_39, %dma_start3A_1319] : memref<8x128xi32, #tpu.memory_space<vmem>> -> memref<1x128xi32, #tpu.memory_space<vmem>>
      %dma_start3A_1321 = tpu.memref_squeeze %dma_start3A_1320 : memref<1x128xi32, #tpu.memory_space<vmem>> -> memref<128xi32, #tpu.memory_space<vmem>>
      %dma_start3A_1322 = tpu.memref_slice %arg2[%add3A_38] : memref<16384xi32, #tpu.memory_space<hbm>> -> memref<128xi32, #tpu.memory_space<hbm>>
      tpu.enqueue_dma source(%dma_start3A_1322 : memref<128xi32, #tpu.memory_space<hbm>>) target(%dma_start3A_1321 : memref<128xi32, #tpu.memory_space<vmem>>) target_semaphore(%run_scoped3A_1315 : memref<!tpu.dma_semaphore, #tpu.memory_space<semaphore_mem>>)
      %dma_wait3A = arith.constant 0 : i32
      %dma_wait3A_1323 = tpu.memref_slice %arg6[%run_scoped3A_39, %dma_wait3A] : memref<8x128xi32, #tpu.memory_space<vmem>> -> memref<1x128xi32, #tpu.memory_space<vmem>>
      %dma_wait3A_1324 = tpu.memref_squeeze %dma_wait3A_1323 : memref<1x128xi32, #tpu.memory_space<vmem>> -> memref<128xi32, #tpu.memory_space<vmem>>
      %dma_wait3A_1325 = tpu.memref_slice %arg2[%add3A_38] : memref<16384xi32, #tpu.memory_space<hbm>> -> memref<128xi32, #tpu.memory_space<hbm>>
      %dma_wait3A_1326 = arith.constant 0 : i32
      %dma_wait3A_1327 = tpu.memref_slice %arg6[%run_scoped3A_39, %dma_wait3A_1326] : memref<8x128xi32, #tpu.memory_space<vmem>> -> memref<1x128xi32, #tpu.memory_space<vmem>>
      %dma_wait3A_1328 = tpu.memref_squeeze %dma_wait3A_1327 : memref<1x128xi32, #tpu.memory_space<vmem>> -> memref<128xi32, #tpu.memory_space<vmem>>
      %dma_wait3A_1329 = tpu.memref_slice %arg2[%add3A_38] : memref<16384xi32, #tpu.memory_space<hbm>> -> memref<128xi32, #tpu.memory_space<hbm>>
      tpu.wait_dma2 semaphore(%run_scoped3A_1315 : memref<!tpu.dma_semaphore, #tpu.memory_space<semaphore_mem>>) src(%dma_wait3A_1329 : memref<128xi32, #tpu.memory_space<hbm>>) dst(%dma_wait3A_1328 : memref<128xi32, #tpu.memory_space<vmem>>)
      tpu.yield
    }) : () -> ()
    "tpu.region"() ({
      %run_scoped3A_1315 = tpu.sem_alloc : memref<!tpu.dma_semaphore, #tpu.memory_space<semaphore_mem>>
      tpu.enqueue_dma source(%arg2 : memref<16384xi32, #tpu.memory_space<hbm>>) target(%arg8 : memref<16384xi32, #tpu.memory_space<vmem>>) target_semaphore(%run_scoped3A_1315 : memref<!tpu.dma_semaphore, #tpu.memory_space<semaphore_mem>>)
      tpu.wait_dma2 semaphore(%run_scoped3A_1315 : memref<!tpu.dma_semaphore, #tpu.memory_space<semaphore_mem>>) src(%arg2 : memref<16384xi32, #tpu.memory_space<hbm>>) dst(%arg8 : memref<16384xi32, #tpu.memory_space<vmem>>)
      tpu.yield
    }) : () -> ()
    %mul3A_40 = arith.constant 128 : i32
    %mul3A_41 = arith.muli %add3A, %mul3A_40 : i32
    "tpu.region"() ({
      %run_scoped3A_1315 = tpu.sem_alloc : memref<!tpu.dma_semaphore, #tpu.memory_space<semaphore_mem>>
      %dma_start3A = tpu.memref_slice %arg3[%mul3A_41] : memref<4096xi32, #tpu.memory_space<hbm>> -> memref<128xi32, #tpu.memory_space<hbm>>
      %dma_start3A_1316 = tpu.memref_slice %arg3[%mul3A_41] : memref<4096xi32, #tpu.memory_space<hbm>> -> memref<128xi32, #tpu.memory_space<hbm>>
      tpu.enqueue_dma source(%dma_start3A_1316 : memref<128xi32, #tpu.memory_space<hbm>>) target(%arg9 : memref<128xi32, #tpu.memory_space<vmem>>) target_semaphore(%run_scoped3A_1315 : memref<!tpu.dma_semaphore, #tpu.memory_space<semaphore_mem>>)
      %dma_wait3A = tpu.memref_slice %arg3[%mul3A_41] : memref<4096xi32, #tpu.memory_space<hbm>> -> memref<128xi32, #tpu.memory_space<hbm>>
      %dma_wait3A_1317 = tpu.memref_slice %arg3[%mul3A_41] : memref<4096xi32, #tpu.memory_space<hbm>> -> memref<128xi32, #tpu.memory_space<hbm>>
      tpu.wait_dma2 semaphore(%run_scoped3A_1315 : memref<!tpu.dma_semaphore, #tpu.memory_space<semaphore_mem>>) src(%dma_wait3A_1317 : memref<128xi32, #tpu.memory_space<hbm>>) dst(%arg9 : memref<128xi32, #tpu.memory_space<vmem>>)
      tpu.yield
    }) : () -> ()
    %mul3A_42 = arith.constant 1024 : i32
    %mul3A_43 = arith.muli %arg1, %mul3A_42 : i32
    %add3A_44 = arith.constant 65536 : i32
    %add3A_45 = arith.addi %add3A_44, %mul3A_43 : i32
    %add3A_46 = arith.constant 0 : i32
    %add3A_47 = arith.addi %add3A_45, %add3A_46 : i32
    %add3A_48 = arith.constant 0 : i32
    %add3A_49 = arith.addi %add3A_47, %add3A_48 : i32
    %add3A_50 = vector.broadcast %add3A_49 : i32 to vector<16xi32>
    %add3A_51 = arith.addi %iota3A, %add3A_50 : vector<16xi32>
    %swap3A = arith.constant 0 : i32
    %swap3A_52 = arith.index_cast %swap3A : i32 to index
    %swap3A_53 = arith.constant 0 : index
    %swap3A_54 = tpu.vector_load %arg7[%swap3A_52, %swap3A_53] {strides = array<i32>} : memref<8x128xi32, #tpu.memory_space<vmem>>, vector<16xi32>,
    tpu.vector_store %arg7[%swap3A_52, %swap3A_53], %add3A_51 {strides = array<i32>} : memref<8x128xi32, #tpu.memory_space<vmem>>, vector<16xi32>,
    %mul3A_55 = arith.constant 1024 : i32
    %mul3A_56 = arith.muli %arg1, %mul3A_55 : i32
    %add3A_57 = arith.constant 65536 : i32
    %add3A_58 = arith.addi %add3A_57, %mul3A_56 : i32
    %add3A_59 = arith.constant 0 : i32
    %add3A_60 = arith.addi %add3A_58, %add3A_59 : i32
    %add3A_61 = arith.constant 16 : i32
    %add3A_62 = arith.addi %add3A_60, %add3A_61 : i32
    %add3A_63 = vector.broadcast %add3A_62 : i32 to vector<16xi32>
    %add3A_64 = arith.addi %iota3A, %add3A_63 : vector<16xi32>
    %swap3A_65 = arith.constant 0 : i32
    %swap3A_66 = arith.index_cast %swap3A_65 : i32 to index
    %swap3A_67 = arith.constant 16 : index
    %swap3A_68 = tpu.vector_load %arg7[%swap3A_66, %swap3A_67] {strides = array<i32>} : memref<8x128xi32, #tpu.memory_space<vmem>>, vector<16xi32>,
    tpu.vector_store %arg7[%swap3A_66, %swap3A_67], %add3A_64 {strides = array<i32>} : memref<8x128xi32, #tpu.memory_space<vmem>>, vector<16xi32>,
    %mul3A_69 = arith.constant 1024 : i32
    %mul3A_70 = arith.muli %arg1, %mul3A_69 : i32
    %add3A_71 = arith.constant 65536 : i32
    %add3A_72 = arith.addi %add3A_71, %mul3A_70 : i32
    %add3A_73 = arith.constant 0 : i32
    %add3A_74 = arith.addi %add3A_72, %add3A_73 : i32
    %add3A_75 = arith.constant 32 : i32
    %add3A_76 = arith.addi %add3A_74, %add3A_75 : i32
    %add3A_77 = vector.broadcast %add3A_76 : i32 to vector<16xi32>
    %add3A_78 = arith.addi %iota3A, %add3A_77 : vector<16xi32>
    %swap3A_79 = arith.constant 0 : i32
    %swap3A_80 = arith.index_cast %swap3A_79 : i32 to index
    %swap3A_81 = arith.constant 32 : index
    %swap3A_82 = tpu.vector_load %arg7[%swap3A_80, %swap3A_81] {strides = array<i32>} : memref<8x128xi32, #tpu.memory_space<vmem>>, vector<16xi32>,
    tpu.vector_store %arg7[%swap3A_80, %swap3A_81], %add3A_78 {strides = array<i32>} : memref<8x128xi32, #tpu.memory_space<vmem>>, vector<16xi32>,
    %mul3A_83 = arith.constant 1024 : i32
    %mul3A_84 = arith.muli %arg1, %mul3A_83 : i32
    %add3A_85 = arith.constant 65536 : i32
    %add3A_86 = arith.addi %add3A_85, %mul3A_84 : i32
    %add3A_87 = arith.constant 0 : i32
    %add3A_88 = arith.addi %add3A_86, %add3A_87 : i32
    %add3A_89 = arith.constant 48 : i32
    %add3A_90 = arith.addi %add3A_88, %add3A_89 : i32
    %add3A_91 = vector.broadcast %add3A_90 : i32 to vector<16xi32>
    %add3A_92 = arith.addi %iota3A, %add3A_91 : vector<16xi32>
    %swap3A_93 = arith.constant 0 : i32
    %swap3A_94 = arith.index_cast %swap3A_93 : i32 to index
    %swap3A_95 = arith.constant 48 : index
    %swap3A_96 = tpu.vector_load %arg7[%swap3A_94, %swap3A_95] {strides = array<i32>} : memref<8x128xi32, #tpu.memory_space<vmem>>, vector<16xi32>,
    tpu.vector_store %arg7[%swap3A_94, %swap3A_95], %add3A_92 {strides = array<i32>} : memref<8x128xi32, #tpu.memory_space<vmem>>, vector<16xi32>,
    %mul3A_97 = arith.constant 1024 : i32
    %mul3A_98 = arith.muli %arg1, %mul3A_97 : i32
    %add3A_99 = arith.constant 65536 : i32
    %add3A_100 = arith.addi %add3A_99, %mul3A_98 : i32
    %add3A_101 = arith.constant 0 : i32
    %add3A_102 = arith.addi %add3A_100, %add3A_101 : i32
    %add3A_103 = arith.constant 64 : i32
    %add3A_104 = arith.addi %add3A_102, %add3A_103 : i32
    %add3A_105 = vector.broadcast %add3A_104 : i32 to vector<16xi32>
    %add3A_106 = arith.addi %iota3A, %add3A_105 : vector<16xi32>
    %swap3A_107 = arith.constant 0 : i32
    %swap3A_108 = arith.index_cast %swap3A_107 : i32 to index
    %swap3A_109 = arith.constant 64 : index
    %swap3A_110 = tpu.vector_load %arg7[%swap3A_108, %swap3A_109] {strides = array<i32>} : memref<8x128xi32, #tpu.memory_space<vmem>>, vector<16xi32>,
    tpu.vector_store %arg7[%swap3A_108, %swap3A_109], %add3A_106 {strides = array<i32>} : memref<8x128xi32, #tpu.memory_space<vmem>>, vector<16xi32>,
    %mul3A_111 = arith.constant 1024 : i32
    %mul3A_112 = arith.muli %arg1, %mul3A_111 : i32
    %add3A_113 = arith.constant 65536 : i32
    %add3A_114 = arith.addi %add3A_113, %mul3A_112 : i32
    %add3A_115 = arith.constant 0 : i32
    %add3A_116 = arith.addi %add3A_114, %add3A_115 : i32
    %add3A_117 = arith.constant 80 : i32
    %add3A_118 = arith.addi %add3A_116, %add3A_117 : i32
    %add3A_119 = vector.broadcast %add3A_118 : i32 to vector<16xi32>
    %add3A_120 = arith.addi %iota3A, %add3A_119 : vector<16xi32>
    %swap3A_121 = arith.constant 0 : i32
    %swap3A_122 = arith.index_cast %swap3A_121 : i32 to index
    %swap3A_123 = arith.constant 80 : index
    %swap3A_124 = tpu.vector_load %arg7[%swap3A_122, %swap3A_123] {strides = array<i32>} : memref<8x128xi32, #tpu.memory_space<vmem>>, vector<16xi32>,
    tpu.vector_store %arg7[%swap3A_122, %swap3A_123], %add3A_120 {strides = array<i32>} : memref<8x128xi32, #tpu.memory_space<vmem>>, vector<16xi32>,
    %mul3A_125 = arith.constant 1024 : i32
    %mul3A_126 = arith.muli %arg1, %mul3A_125 : i32
    %add3A_127 = arith.constant 65536 : i32
    %add3A_128 = arith.addi %add3A_127, %mul3A_126 : i32
    %add3A_129 = arith.constant 0 : i32
    %add3A_130 = arith.addi %add3A_128, %add3A_129 : i32
    %add3A_131 = arith.constant 96 : i32
    %add3A_132 = arith.addi %add3A_130, %add3A_131 : i32
    %add3A_133 = vector.broadcast %add3A_132 : i32 to vector<16xi32>
    %add3A_134 = arith.addi %iota3A, %add3A_133 : vector<16xi32>
    %swap3A_135 = arith.constant 0 : i32
    %swap3A_136 = arith.index_cast %swap3A_135 : i32 to index
    %swap3A_137 = arith.constant 96 : index
    %swap3A_138 = tpu.vector_load %arg7[%swap3A_136, %swap3A_137] {strides = array<i32>} : memref<8x128xi32, #tpu.memory_space<vmem>>, vector<16xi32>,
    tpu.vector_store %arg7[%swap3A_136, %swap3A_137], %add3A_134 {strides = array<i32>} : memref<8x128xi32, #tpu.memory_space<vmem>>, vector<16xi32>,
    %mul3A_139 = arith.constant 1024 : i32
    %mul3A_140 = arith.muli %arg1, %mul3A_139 : i32
    %add3A_141 = arith.constant 65536 : i32
    %add3A_142 = arith.addi %add3A_141, %mul3A_140 : i32
    %add3A_143 = arith.constant 0 : i32
    %add3A_144 = arith.addi %add3A_142, %add3A_143 : i32
    %add3A_145 = arith.constant 112 : i32
    %add3A_146 = arith.addi %add3A_144, %add3A_145 : i32
    %add3A_147 = vector.broadcast %add3A_146 : i32 to vector<16xi32>
    %add3A_148 = arith.addi %iota3A, %add3A_147 : vector<16xi32>
    %swap3A_149 = arith.constant 0 : i32
    %swap3A_150 = arith.index_cast %swap3A_149 : i32 to index
    %swap3A_151 = arith.constant 112 : index
    %swap3A_152 = tpu.vector_load %arg7[%swap3A_150, %swap3A_151] {strides = array<i32>} : memref<8x128xi32, #tpu.memory_space<vmem>>, vector<16xi32>,
    tpu.vector_store %arg7[%swap3A_150, %swap3A_151], %add3A_148 {strides = array<i32>} : memref<8x128xi32, #tpu.memory_space<vmem>>, vector<16xi32>,
    %mul3A_153 = arith.constant 1024 : i32
    %mul3A_154 = arith.muli %arg1, %mul3A_153 : i32
    %add3A_155 = arith.constant 65536 : i32
    %add3A_156 = arith.addi %add3A_155, %mul3A_154 : i32
    %add3A_157 = arith.constant 128 : i32
    %add3A_158 = arith.addi %add3A_156, %add3A_157 : i32
    %add3A_159 = arith.constant 0 : i32
    %add3A_160 = arith.addi %add3A_158, %add3A_159 : i32
    %add3A_161 = vector.broadcast %add3A_160 : i32 to vector<16xi32>
    %add3A_162 = arith.addi %iota3A, %add3A_161 : vector<16xi32>
    %swap3A_163 = arith.constant 1 : i32
    %swap3A_164 = arith.index_cast %swap3A_163 : i32 to index
    %swap3A_165 = arith.constant 0 : index
    %swap3A_166 = tpu.vector_load %arg7[%swap3A_164, %swap3A_165] {strides = array<i32>} : memref<8x128xi32, #tpu.memory_space<vmem>>, vector<16xi32>,
    tpu.vector_store %arg7[%swap3A_164, %swap3A_165], %add3A_162 {strides = array<i32>} : memref<8x128xi32, #tpu.memory_space<vmem>>, vector<16xi32>,
    %mul3A_167 = arith.constant 1024 : i32
    %mul3A_168 = arith.muli %arg1, %mul3A_167 : i32
    %add3A_169 = arith.constant 65536 : i32
    %add3A_170 = arith.addi %add3A_169, %mul3A_168 : i32
    %add3A_171 = arith.constant 128 : i32
    %add3A_172 = arith.addi %add3A_170, %add3A_171 : i32
    %add3A_173 = arith.constant 16 : i32
    %add3A_174 = arith.addi %add3A_172, %add3A_173 : i32
    %add3A_175 = vector.broadcast %add3A_174 : i32 to vector<16xi32>
    %add3A_176 = arith.addi %iota3A, %add3A_175 : vector<16xi32>
    %swap3A_177 = arith.constant 1 : i32
    %swap3A_178 = arith.index_cast %swap3A_177 : i32 to index
    %swap3A_179 = arith.constant 16 : index
    %swap3A_180 = tpu.vector_load %arg7[%swap3A_178, %swap3A_179] {strides = array<i32>} : memref<8x128xi32, #tpu.memory_space<vmem>>, vector<16xi32>,
    tpu.vector_store %arg7[%swap3A_178, %swap3A_179], %add3A_176 {strides = array<i32>} : memref<8x128xi32, #tpu.memory_space<vmem>>, vector<16xi32>,
    %mul3A_181 = arith.constant 1024 : i32
    %mul3A_182 = arith.muli %arg1, %mul3A_181 : i32
    %add3A_183 = arith.constant 65536 : i32
    %add3A_184 = arith.addi %add3A_183, %mul3A_182 : i32
    %add3A_185 = arith.constant 128 : i32
    %add3A_186 = arith.addi %add3A_184, %add3A_185 : i32
    %add3A_187 = arith.constant 32 : i32
    %add3A_188 = arith.addi %add3A_186, %add3A_187 : i32
    %add3A_189 = vector.broadcast %add3A_188 : i32 to vector<16xi32>
    %add3A_190 = arith.addi %iota3A, %add3A_189 : vector<16xi32>
    %swap3A_191 = arith.constant 1 : i32
    %swap3A_192 = arith.index_cast %swap3A_191 : i32 to index
    %swap3A_193 = arith.constant 32 : index
    %swap3A_194 = tpu.vector_load %arg7[%swap3A_192, %swap3A_193] {strides = array<i32>} : memref<8x128xi32, #tpu.memory_space<vmem>>, vector<16xi32>,
    tpu.vector_store %arg7[%swap3A_192, %swap3A_193], %add3A_190 {strides = array<i32>} : memref<8x128xi32, #tpu.memory_space<vmem>>, vector<16xi32>,
    %mul3A_195 = arith.constant 1024 : i32
    %mul3A_196 = arith.muli %arg1, %mul3A_195 : i32
    %add3A_197 = arith.constant 65536 : i32
    %add3A_198 = arith.addi %add3A_197, %mul3A_196 : i32
    %add3A_199 = arith.constant 128 : i32
    %add3A_200 = arith.addi %add3A_198, %add3A_199 : i32
    %add3A_201 = arith.constant 48 : i32
    %add3A_202 = arith.addi %add3A_200, %add3A_201 : i32
    %add3A_203 = vector.broadcast %add3A_202 : i32 to vector<16xi32>
    %add3A_204 = arith.addi %iota3A, %add3A_203 : vector<16xi32>
    %swap3A_205 = arith.constant 1 : i32
    %swap3A_206 = arith.index_cast %swap3A_205 : i32 to index
    %swap3A_207 = arith.constant 48 : index
    %swap3A_208 = tpu.vector_load %arg7[%swap3A_206, %swap3A_207] {strides = array<i32>} : memref<8x128xi32, #tpu.memory_space<vmem>>, vector<16xi32>,
    tpu.vector_store %arg7[%swap3A_206, %swap3A_207], %add3A_204 {strides = array<i32>} : memref<8x128xi32, #tpu.memory_space<vmem>>, vector<16xi32>,
    %mul3A_209 = arith.constant 1024 : i32
    %mul3A_210 = arith.muli %arg1, %mul3A_209 : i32
    %add3A_211 = arith.constant 65536 : i32
    %add3A_212 = arith.addi %add3A_211, %mul3A_210 : i32
    %add3A_213 = arith.constant 128 : i32
    %add3A_214 = arith.addi %add3A_212, %add3A_213 : i32
    %add3A_215 = arith.constant 64 : i32
    %add3A_216 = arith.addi %add3A_214, %add3A_215 : i32
    %add3A_217 = vector.broadcast %add3A_216 : i32 to vector<16xi32>
    %add3A_218 = arith.addi %iota3A, %add3A_217 : vector<16xi32>
    %swap3A_219 = arith.constant 1 : i32
    %swap3A_220 = arith.index_cast %swap3A_219 : i32 to index
    %swap3A_221 = arith.constant 64 : index
    %swap3A_222 = tpu.vector_load %arg7[%swap3A_220, %swap3A_221] {strides = array<i32>} : memref<8x128xi32, #tpu.memory_space<vmem>>, vector<16xi32>,
    tpu.vector_store %arg7[%swap3A_220, %swap3A_221], %add3A_218 {strides = array<i32>} : memref<8x128xi32, #tpu.memory_space<vmem>>, vector<16xi32>,
    %mul3A_223 = arith.constant 1024 : i32
    %mul3A_224 = arith.muli %arg1, %mul3A_223 : i32
    %add3A_225 = arith.constant 65536 : i32
    %add3A_226 = arith.addi %add3A_225, %mul3A_224 : i32
    %add3A_227 = arith.constant 128 : i32
    %add3A_228 = arith.addi %add3A_226, %add3A_227 : i32
    %add3A_229 = arith.constant 80 : i32
    %add3A_230 = arith.addi %add3A_228, %add3A_229 : i32
    %add3A_231 = vector.broadcast %add3A_230 : i32 to vector<16xi32>
    %add3A_232 = arith.addi %iota3A, %add3A_231 : vector<16xi32>
    %swap3A_233 = arith.constant 1 : i32
    %swap3A_234 = arith.index_cast %swap3A_233 : i32 to index
    %swap3A_235 = arith.constant 80 : index
    %swap3A_236 = tpu.vector_load %arg7[%swap3A_234, %swap3A_235] {strides = array<i32>} : memref<8x128xi32, #tpu.memory_space<vmem>>, vector<16xi32>,
    tpu.vector_store %arg7[%swap3A_234, %swap3A_235], %add3A_232 {strides = array<i32>} : memref<8x128xi32, #tpu.memory_space<vmem>>, vector<16xi32>,
    %mul3A_237 = arith.constant 1024 : i32
    %mul3A_238 = arith.muli %arg1, %mul3A_237 : i32
    %add3A_239 = arith.constant 65536 : i32
    %add3A_240 = arith.addi %add3A_239, %mul3A_238 : i32
    %add3A_241 = arith.constant 128 : i32
    %add3A_242 = arith.addi %add3A_240, %add3A_241 : i32
    %add3A_243 = arith.constant 96 : i32
    %add3A_244 = arith.addi %add3A_242, %add3A_243 : i32
    %add3A_245 = vector.broadcast %add3A_244 : i32 to vector<16xi32>
    %add3A_246 = arith.addi %iota3A, %add3A_245 : vector<16xi32>
    %swap3A_247 = arith.constant 1 : i32
    %swap3A_248 = arith.index_cast %swap3A_247 : i32 to index
    %swap3A_249 = arith.constant 96 : index
    %swap3A_250 = tpu.vector_load %arg7[%swap3A_248, %swap3A_249] {strides = array<i32>} : memref<8x128xi32, #tpu.memory_space<vmem>>, vector<16xi32>,
    tpu.vector_store %arg7[%swap3A_248, %swap3A_249], %add3A_246 {strides = array<i32>} : memref<8x128xi32, #tpu.memory_space<vmem>>, vector<16xi32>,
    %mul3A_251 = arith.constant 1024 : i32
    %mul3A_252 = arith.muli %arg1, %mul3A_251 : i32
    %add3A_253 = arith.constant 65536 : i32
    %add3A_254 = arith.addi %add3A_253, %mul3A_252 : i32
    %add3A_255 = arith.constant 128 : i32
    %add3A_256 = arith.addi %add3A_254, %add3A_255 : i32
    %add3A_257 = arith.constant 112 : i32
    %add3A_258 = arith.addi %add3A_256, %add3A_257 : i32
    %add3A_259 = vector.broadcast %add3A_258 : i32 to vector<16xi32>
    %add3A_260 = arith.addi %iota3A, %add3A_259 : vector<16xi32>
    %swap3A_261 = arith.constant 1 : i32
    %swap3A_262 = arith.index_cast %swap3A_261 : i32 to index
    %swap3A_263 = arith.constant 112 : index
    %swap3A_264 = tpu.vector_load %arg7[%swap3A_262, %swap3A_263] {strides = array<i32>} : memref<8x128xi32, #tpu.memory_space<vmem>>, vector<16xi32>,
    tpu.vector_store %arg7[%swap3A_262, %swap3A_263], %add3A_260 {strides = array<i32>} : memref<8x128xi32, #tpu.memory_space<vmem>>, vector<16xi32>,
    %mul3A_265 = arith.constant 1024 : i32
    %mul3A_266 = arith.muli %arg1, %mul3A_265 : i32
    %add3A_267 = arith.constant 65536 : i32
    %add3A_268 = arith.addi %add3A_267, %mul3A_266 : i32
    %add3A_269 = arith.constant 256 : i32
    %add3A_270 = arith.addi %add3A_268, %add3A_269 : i32
    %add3A_271 = arith.constant 0 : i32
    %add3A_272 = arith.addi %add3A_270, %add3A_271 : i32
    %add3A_273 = vector.broadcast %add3A_272 : i32 to vector<16xi32>
    %add3A_274 = arith.addi %iota3A, %add3A_273 : vector<16xi32>
    %swap3A_275 = arith.constant 2 : i32
    %swap3A_276 = arith.index_cast %swap3A_275 : i32 to index
    %swap3A_277 = arith.constant 0 : index
    %swap3A_278 = tpu.vector_load %arg7[%swap3A_276, %swap3A_277] {strides = array<i32>} : memref<8x128xi32, #tpu.memory_space<vmem>>, vector<16xi32>,
    tpu.vector_store %arg7[%swap3A_276, %swap3A_277], %add3A_274 {strides = array<i32>} : memref<8x128xi32, #tpu.memory_space<vmem>>, vector<16xi32>,
    %mul3A_279 = arith.constant 1024 : i32
    %mul3A_280 = arith.muli %arg1, %mul3A_279 : i32
    %add3A_281 = arith.constant 65536 : i32
    %add3A_282 = arith.addi %add3A_281, %mul3A_280 : i32
    %add3A_283 = arith.constant 256 : i32
    %add3A_284 = arith.addi %add3A_282, %add3A_283 : i32
    %add3A_285 = arith.constant 16 : i32
    %add3A_286 = arith.addi %add3A_284, %add3A_285 : i32
    %add3A_287 = vector.broadcast %add3A_286 : i32 to vector<16xi32>
    %add3A_288 = arith.addi %iota3A, %add3A_287 : vector<16xi32>
    %swap3A_289 = arith.constant 2 : i32
    %swap3A_290 = arith.index_cast %swap3A_289 : i32 to index
    %swap3A_291 = arith.constant 16 : index
    %swap3A_292 = tpu.vector_load %arg7[%swap3A_290, %swap3A_291] {strides = array<i32>} : memref<8x128xi32, #tpu.memory_space<vmem>>, vector<16xi32>,
    tpu.vector_store %arg7[%swap3A_290, %swap3A_291], %add3A_288 {strides = array<i32>} : memref<8x128xi32, #tpu.memory_space<vmem>>, vector<16xi32>,
    %mul3A_293 = arith.constant 1024 : i32
    %mul3A_294 = arith.muli %arg1, %mul3A_293 : i32
    %add3A_295 = arith.constant 65536 : i32
    %add3A_296 = arith.addi %add3A_295, %mul3A_294 : i32
    %add3A_297 = arith.constant 256 : i32
    %add3A_298 = arith.addi %add3A_296, %add3A_297 : i32
    %add3A_299 = arith.constant 32 : i32
    %add3A_300 = arith.addi %add3A_298, %add3A_299 : i32
    %add3A_301 = vector.broadcast %add3A_300 : i32 to vector<16xi32>
    %add3A_302 = arith.addi %iota3A, %add3A_301 : vector<16xi32>
    %swap3A_303 = arith.constant 2 : i32
    %swap3A_304 = arith.index_cast %swap3A_303 : i32 to index
    %swap3A_305 = arith.constant 32 : index
    %swap3A_306 = tpu.vector_load %arg7[%swap3A_304, %swap3A_305] {strides = array<i32>} : memref<8x128xi32, #tpu.memory_space<vmem>>, vector<16xi32>,
    tpu.vector_store %arg7[%swap3A_304, %swap3A_305], %add3A_302 {strides = array<i32>} : memref<8x128xi32, #tpu.memory_space<vmem>>, vector<16xi32>,
    %mul3A_307 = arith.constant 1024 : i32
    %mul3A_308 = arith.muli %arg1, %mul3A_307 : i32
    %add3A_309 = arith.constant 65536 : i32
    %add3A_310 = arith.addi %add3A_309, %mul3A_308 : i32
    %add3A_311 = arith.constant 256 : i32
    %add3A_312 = arith.addi %add3A_310, %add3A_311 : i32
    %add3A_313 = arith.constant 48 : i32
    %add3A_314 = arith.addi %add3A_312, %add3A_313 : i32
    %add3A_315 = vector.broadcast %add3A_314 : i32 to vector<16xi32>
    %add3A_316 = arith.addi %iota3A, %add3A_315 : vector<16xi32>
    %swap3A_317 = arith.constant 2 : i32
    %swap3A_318 = arith.index_cast %swap3A_317 : i32 to index
    %swap3A_319 = arith.constant 48 : index
    %swap3A_320 = tpu.vector_load %arg7[%swap3A_318, %swap3A_319] {strides = array<i32>} : memref<8x128xi32, #tpu.memory_space<vmem>>, vector<16xi32>,
    tpu.vector_store %arg7[%swap3A_318, %swap3A_319], %add3A_316 {strides = array<i32>} : memref<8x128xi32, #tpu.memory_space<vmem>>, vector<16xi32>,
    %mul3A_321 = arith.constant 1024 : i32
    %mul3A_322 = arith.muli %arg1, %mul3A_321 : i32
    %add3A_323 = arith.constant 65536 : i32
    %add3A_324 = arith.addi %add3A_323, %mul3A_322 : i32
    %add3A_325 = arith.constant 256 : i32
    %add3A_326 = arith.addi %add3A_324, %add3A_325 : i32
    %add3A_327 = arith.constant 64 : i32
    %add3A_328 = arith.addi %add3A_326, %add3A_327 : i32
    %add3A_329 = vector.broadcast %add3A_328 : i32 to vector<16xi32>
    %add3A_330 = arith.addi %iota3A, %add3A_329 : vector<16xi32>
    %swap3A_331 = arith.constant 2 : i32
    %swap3A_332 = arith.index_cast %swap3A_331 : i32 to index
    %swap3A_333 = arith.constant 64 : index
    %swap3A_334 = tpu.vector_load %arg7[%swap3A_332, %swap3A_333] {strides = array<i32>} : memref<8x128xi32, #tpu.memory_space<vmem>>, vector<16xi32>,
    tpu.vector_store %arg7[%swap3A_332, %swap3A_333], %add3A_330 {strides = array<i32>} : memref<8x128xi32, #tpu.memory_space<vmem>>, vector<16xi32>,
    %mul3A_335 = arith.constant 1024 : i32
    %mul3A_336 = arith.muli %arg1, %mul3A_335 : i32
    %add3A_337 = arith.constant 65536 : i32
    %add3A_338 = arith.addi %add3A_337, %mul3A_336 : i32
    %add3A_339 = arith.constant 256 : i32
    %add3A_340 = arith.addi %add3A_338, %add3A_339 : i32
    %add3A_341 = arith.constant 80 : i32
    %add3A_342 = arith.addi %add3A_340, %add3A_341 : i32
    %add3A_343 = vector.broadcast %add3A_342 : i32 to vector<16xi32>
    %add3A_344 = arith.addi %iota3A, %add3A_343 : vector<16xi32>
    %swap3A_345 = arith.constant 2 : i32
    %swap3A_346 = arith.index_cast %swap3A_345 : i32 to index
    %swap3A_347 = arith.constant 80 : index
    %swap3A_348 = tpu.vector_load %arg7[%swap3A_346, %swap3A_347] {strides = array<i32>} : memref<8x128xi32, #tpu.memory_space<vmem>>, vector<16xi32>,
    tpu.vector_store %arg7[%swap3A_346, %swap3A_347], %add3A_344 {strides = array<i32>} : memref<8x128xi32, #tpu.memory_space<vmem>>, vector<16xi32>,
    %mul3A_349 = arith.constant 1024 : i32
    %mul3A_350 = arith.muli %arg1, %mul3A_349 : i32
    %add3A_351 = arith.constant 65536 : i32
    %add3A_352 = arith.addi %add3A_351, %mul3A_350 : i32
    %add3A_353 = arith.constant 256 : i32
    %add3A_354 = arith.addi %add3A_352, %add3A_353 : i32
    %add3A_355 = arith.constant 96 : i32
    %add3A_356 = arith.addi %add3A_354, %add3A_355 : i32
    %add3A_357 = vector.broadcast %add3A_356 : i32 to vector<16xi32>
    %add3A_358 = arith.addi %iota3A, %add3A_357 : vector<16xi32>
    %swap3A_359 = arith.constant 2 : i32
    %swap3A_360 = arith.index_cast %swap3A_359 : i32 to index
    %swap3A_361 = arith.constant 96 : index
    %swap3A_362 = tpu.vector_load %arg7[%swap3A_360, %swap3A_361] {strides = array<i32>} : memref<8x128xi32, #tpu.memory_space<vmem>>, vector<16xi32>,
    tpu.vector_store %arg7[%swap3A_360, %swap3A_361], %add3A_358 {strides = array<i32>} : memref<8x128xi32, #tpu.memory_space<vmem>>, vector<16xi32>,
    %mul3A_363 = arith.constant 1024 : i32
    %mul3A_364 = arith.muli %arg1, %mul3A_363 : i32
    %add3A_365 = arith.constant 65536 : i32
    %add3A_366 = arith.addi %add3A_365, %mul3A_364 : i32
    %add3A_367 = arith.constant 256 : i32
    %add3A_368 = arith.addi %add3A_366, %add3A_367 : i32
    %add3A_369 = arith.constant 112 : i32
    %add3A_370 = arith.addi %add3A_368, %add3A_369 : i32
    %add3A_371 = vector.broadcast %add3A_370 : i32 to vector<16xi32>
    %add3A_372 = arith.addi %iota3A, %add3A_371 : vector<16xi32>
    %swap3A_373 = arith.constant 2 : i32
    %swap3A_374 = arith.index_cast %swap3A_373 : i32 to index
    %swap3A_375 = arith.constant 112 : index
    %swap3A_376 = tpu.vector_load %arg7[%swap3A_374, %swap3A_375] {strides = array<i32>} : memref<8x128xi32, #tpu.memory_space<vmem>>, vector<16xi32>,
    tpu.vector_store %arg7[%swap3A_374, %swap3A_375], %add3A_372 {strides = array<i32>} : memref<8x128xi32, #tpu.memory_space<vmem>>, vector<16xi32>,
    %mul3A_377 = arith.constant 1024 : i32
    %mul3A_378 = arith.muli %arg1, %mul3A_377 : i32
    %add3A_379 = arith.constant 65536 : i32
    %add3A_380 = arith.addi %add3A_379, %mul3A_378 : i32
    %add3A_381 = arith.constant 384 : i32
    %add3A_382 = arith.addi %add3A_380, %add3A_381 : i32
    %add3A_383 = arith.constant 0 : i32
    %add3A_384 = arith.addi %add3A_382, %add3A_383 : i32
    %add3A_385 = vector.broadcast %add3A_384 : i32 to vector<16xi32>
    %add3A_386 = arith.addi %iota3A, %add3A_385 : vector<16xi32>
    %swap3A_387 = arith.constant 3 : i32
    %swap3A_388 = arith.index_cast %swap3A_387 : i32 to index
    %swap3A_389 = arith.constant 0 : index
    %swap3A_390 = tpu.vector_load %arg7[%swap3A_388, %swap3A_389] {strides = array<i32>} : memref<8x128xi32, #tpu.memory_space<vmem>>, vector<16xi32>,
    tpu.vector_store %arg7[%swap3A_388, %swap3A_389], %add3A_386 {strides = array<i32>} : memref<8x128xi32, #tpu.memory_space<vmem>>, vector<16xi32>,
    %mul3A_391 = arith.constant 1024 : i32
    %mul3A_392 = arith.muli %arg1, %mul3A_391 : i32
    %add3A_393 = arith.constant 65536 : i32
    %add3A_394 = arith.addi %add3A_393, %mul3A_392 : i32
    %add3A_395 = arith.constant 384 : i32
    %add3A_396 = arith.addi %add3A_394, %add3A_395 : i32
    %add3A_397 = arith.constant 16 : i32
    %add3A_398 = arith.addi %add3A_396, %add3A_397 : i32
    %add3A_399 = vector.broadcast %add3A_398 : i32 to vector<16xi32>
    %add3A_400 = arith.addi %iota3A, %add3A_399 : vector<16xi32>
    %swap3A_401 = arith.constant 3 : i32
    %swap3A_402 = arith.index_cast %swap3A_401 : i32 to index
    %swap3A_403 = arith.constant 16 : index
    %swap3A_404 = tpu.vector_load %arg7[%swap3A_402, %swap3A_403] {strides = array<i32>} : memref<8x128xi32, #tpu.memory_space<vmem>>, vector<16xi32>,
    tpu.vector_store %arg7[%swap3A_402, %swap3A_403], %add3A_400 {strides = array<i32>} : memref<8x128xi32, #tpu.memory_space<vmem>>, vector<16xi32>,
    %mul3A_405 = arith.constant 1024 : i32
    %mul3A_406 = arith.muli %arg1, %mul3A_405 : i32
    %add3A_407 = arith.constant 65536 : i32
    %add3A_408 = arith.addi %add3A_407, %mul3A_406 : i32
    %add3A_409 = arith.constant 384 : i32
    %add3A_410 = arith.addi %add3A_408, %add3A_409 : i32
    %add3A_411 = arith.constant 32 : i32
    %add3A_412 = arith.addi %add3A_410, %add3A_411 : i32
    %add3A_413 = vector.broadcast %add3A_412 : i32 to vector<16xi32>
    %add3A_414 = arith.addi %iota3A, %add3A_413 : vector<16xi32>
    %swap3A_415 = arith.constant 3 : i32
    %swap3A_416 = arith.index_cast %swap3A_415 : i32 to index
    %swap3A_417 = arith.constant 32 : index
    %swap3A_418 = tpu.vector_load %arg7[%swap3A_416, %swap3A_417] {strides = array<i32>} : memref<8x128xi32, #tpu.memory_space<vmem>>, vector<16xi32>,
    tpu.vector_store %arg7[%swap3A_416, %swap3A_417], %add3A_414 {strides = array<i32>} : memref<8x128xi32, #tpu.memory_space<vmem>>, vector<16xi32>,
    %mul3A_419 = arith.constant 1024 : i32
    %mul3A_420 = arith.muli %arg1, %mul3A_419 : i32
    %add3A_421 = arith.constant 65536 : i32
    %add3A_422 = arith.addi %add3A_421, %mul3A_420 : i32
    %add3A_423 = arith.constant 384 : i32
    %add3A_424 = arith.addi %add3A_422, %add3A_423 : i32
    %add3A_425 = arith.constant 48 : i32
    %add3A_426 = arith.addi %add3A_424, %add3A_425 : i32
    %add3A_427 = vector.broadcast %add3A_426 : i32 to vector<16xi32>
    %add3A_428 = arith.addi %iota3A, %add3A_427 : vector<16xi32>
    %swap3A_429 = arith.constant 3 : i32
    %swap3A_430 = arith.index_cast %swap3A_429 : i32 to index
    %swap3A_431 = arith.constant 48 : index
    %swap3A_432 = tpu.vector_load %arg7[%swap3A_430, %swap3A_431] {strides = array<i32>} : memref<8x128xi32, #tpu.memory_space<vmem>>, vector<16xi32>,
    tpu.vector_store %arg7[%swap3A_430, %swap3A_431], %add3A_428 {strides = array<i32>} : memref<8x128xi32, #tpu.memory_space<vmem>>, vector<16xi32>,
    %mul3A_433 = arith.constant 1024 : i32
    %mul3A_434 = arith.muli %arg1, %mul3A_433 : i32
    %add3A_435 = arith.constant 65536 : i32
    %add3A_436 = arith.addi %add3A_435, %mul3A_434 : i32
    %add3A_437 = arith.constant 384 : i32
    %add3A_438 = arith.addi %add3A_436, %add3A_437 : i32
    %add3A_439 = arith.constant 64 : i32
    %add3A_440 = arith.addi %add3A_438, %add3A_439 : i32
    %add3A_441 = vector.broadcast %add3A_440 : i32 to vector<16xi32>
    %add3A_442 = arith.addi %iota3A, %add3A_441 : vector<16xi32>
    %swap3A_443 = arith.constant 3 : i32
    %swap3A_444 = arith.index_cast %swap3A_443 : i32 to index
    %swap3A_445 = arith.constant 64 : index
    %swap3A_446 = tpu.vector_load %arg7[%swap3A_444, %swap3A_445] {strides = array<i32>} : memref<8x128xi32, #tpu.memory_space<vmem>>, vector<16xi32>,
    tpu.vector_store %arg7[%swap3A_444, %swap3A_445], %add3A_442 {strides = array<i32>} : memref<8x128xi32, #tpu.memory_space<vmem>>, vector<16xi32>,
    %mul3A_447 = arith.constant 1024 : i32
    %mul3A_448 = arith.muli %arg1, %mul3A_447 : i32
    %add3A_449 = arith.constant 65536 : i32
    %add3A_450 = arith.addi %add3A_449, %mul3A_448 : i32
    %add3A_451 = arith.constant 384 : i32
    %add3A_452 = arith.addi %add3A_450, %add3A_451 : i32
    %add3A_453 = arith.constant 80 : i32
    %add3A_454 = arith.addi %add3A_452, %add3A_453 : i32
    %add3A_455 = vector.broadcast %add3A_454 : i32 to vector<16xi32>
    %add3A_456 = arith.addi %iota3A, %add3A_455 : vector<16xi32>
    %swap3A_457 = arith.constant 3 : i32
    %swap3A_458 = arith.index_cast %swap3A_457 : i32 to index
    %swap3A_459 = arith.constant 80 : index
    %swap3A_460 = tpu.vector_load %arg7[%swap3A_458, %swap3A_459] {strides = array<i32>} : memref<8x128xi32, #tpu.memory_space<vmem>>, vector<16xi32>,
    tpu.vector_store %arg7[%swap3A_458, %swap3A_459], %add3A_456 {strides = array<i32>} : memref<8x128xi32, #tpu.memory_space<vmem>>, vector<16xi32>,
    %mul3A_461 = arith.constant 1024 : i32
    %mul3A_462 = arith.muli %arg1, %mul3A_461 : i32
    %add3A_463 = arith.constant 65536 : i32
    %add3A_464 = arith.addi %add3A_463, %mul3A_462 : i32
    %add3A_465 = arith.constant 384 : i32
    %add3A_466 = arith.addi %add3A_464, %add3A_465 : i32
    %add3A_467 = arith.constant 96 : i32
    %add3A_468 = arith.addi %add3A_466, %add3A_467 : i32
    %add3A_469 = vector.broadcast %add3A_468 : i32 to vector<16xi32>
    %add3A_470 = arith.addi %iota3A, %add3A_469 : vector<16xi32>
    %swap3A_471 = arith.constant 3 : i32
    %swap3A_472 = arith.index_cast %swap3A_471 : i32 to index
    %swap3A_473 = arith.constant 96 : index
    %swap3A_474 = tpu.vector_load %arg7[%swap3A_472, %swap3A_473] {strides = array<i32>} : memref<8x128xi32, #tpu.memory_space<vmem>>, vector<16xi32>,
    tpu.vector_store %arg7[%swap3A_472, %swap3A_473], %add3A_470 {strides = array<i32>} : memref<8x128xi32, #tpu.memory_space<vmem>>, vector<16xi32>,
    %mul3A_475 = arith.constant 1024 : i32
    %mul3A_476 = arith.muli %arg1, %mul3A_475 : i32
    %add3A_477 = arith.constant 65536 : i32
    %add3A_478 = arith.addi %add3A_477, %mul3A_476 : i32
    %add3A_479 = arith.constant 384 : i32
    %add3A_480 = arith.addi %add3A_478, %add3A_479 : i32
    %add3A_481 = arith.constant 112 : i32
    %add3A_482 = arith.addi %add3A_480, %add3A_481 : i32
    %add3A_483 = vector.broadcast %add3A_482 : i32 to vector<16xi32>
    %add3A_484 = arith.addi %iota3A, %add3A_483 : vector<16xi32>
    %swap3A_485 = arith.constant 3 : i32
    %swap3A_486 = arith.index_cast %swap3A_485 : i32 to index
    %swap3A_487 = arith.constant 112 : index
    %swap3A_488 = tpu.vector_load %arg7[%swap3A_486, %swap3A_487] {strides = array<i32>} : memref<8x128xi32, #tpu.memory_space<vmem>>, vector<16xi32>,
    tpu.vector_store %arg7[%swap3A_486, %swap3A_487], %add3A_484 {strides = array<i32>} : memref<8x128xi32, #tpu.memory_space<vmem>>, vector<16xi32>,
    %mul3A_489 = arith.constant 1024 : i32
    %mul3A_490 = arith.muli %arg1, %mul3A_489 : i32
    %add3A_491 = arith.constant 65536 : i32
    %add3A_492 = arith.addi %add3A_491, %mul3A_490 : i32
    %add3A_493 = arith.constant 512 : i32
    %add3A_494 = arith.addi %add3A_492, %add3A_493 : i32
    %add3A_495 = arith.constant 0 : i32
    %add3A_496 = arith.addi %add3A_494, %add3A_495 : i32
    %add3A_497 = vector.broadcast %add3A_496 : i32 to vector<16xi32>
    %add3A_498 = arith.addi %iota3A, %add3A_497 : vector<16xi32>
    %swap3A_499 = arith.constant 4 : i32
    %swap3A_500 = arith.index_cast %swap3A_499 : i32 to index
    %swap3A_501 = arith.constant 0 : index
    %swap3A_502 = tpu.vector_load %arg7[%swap3A_500, %swap3A_501] {strides = array<i32>} : memref<8x128xi32, #tpu.memory_space<vmem>>, vector<16xi32>,
    tpu.vector_store %arg7[%swap3A_500, %swap3A_501], %add3A_498 {strides = array<i32>} : memref<8x128xi32, #tpu.memory_space<vmem>>, vector<16xi32>,
    %mul3A_503 = arith.constant 1024 : i32
    %mul3A_504 = arith.muli %arg1, %mul3A_503 : i32
    %add3A_505 = arith.constant 65536 : i32
    %add3A_506 = arith.addi %add3A_505, %mul3A_504 : i32
    %add3A_507 = arith.constant 512 : i32
    %add3A_508 = arith.addi %add3A_506, %add3A_507 : i32
    %add3A_509 = arith.constant 16 : i32
    %add3A_510 = arith.addi %add3A_508, %add3A_509 : i32
    %add3A_511 = vector.broadcast %add3A_510 : i32 to vector<16xi32>
    %add3A_512 = arith.addi %iota3A, %add3A_511 : vector<16xi32>
    %swap3A_513 = arith.constant 4 : i32
    %swap3A_514 = arith.index_cast %swap3A_513 : i32 to index
    %swap3A_515 = arith.constant 16 : index
    %swap3A_516 = tpu.vector_load %arg7[%swap3A_514, %swap3A_515] {strides = array<i32>} : memref<8x128xi32, #tpu.memory_space<vmem>>, vector<16xi32>,
    tpu.vector_store %arg7[%swap3A_514, %swap3A_515], %add3A_512 {strides = array<i32>} : memref<8x128xi32, #tpu.memory_space<vmem>>, vector<16xi32>,
    %mul3A_517 = arith.constant 1024 : i32
    %mul3A_518 = arith.muli %arg1, %mul3A_517 : i32
    %add3A_519 = arith.constant 65536 : i32
    %add3A_520 = arith.addi %add3A_519, %mul3A_518 : i32
    %add3A_521 = arith.constant 512 : i32
    %add3A_522 = arith.addi %add3A_520, %add3A_521 : i32
    %add3A_523 = arith.constant 32 : i32
    %add3A_524 = arith.addi %add3A_522, %add3A_523 : i32
    %add3A_525 = vector.broadcast %add3A_524 : i32 to vector<16xi32>
    %add3A_526 = arith.addi %iota3A, %add3A_525 : vector<16xi32>
    %swap3A_527 = arith.constant 4 : i32
    %swap3A_528 = arith.index_cast %swap3A_527 : i32 to index
    %swap3A_529 = arith.constant 32 : index
    %swap3A_530 = tpu.vector_load %arg7[%swap3A_528, %swap3A_529] {strides = array<i32>} : memref<8x128xi32, #tpu.memory_space<vmem>>, vector<16xi32>,
    tpu.vector_store %arg7[%swap3A_528, %swap3A_529], %add3A_526 {strides = array<i32>} : memref<8x128xi32, #tpu.memory_space<vmem>>, vector<16xi32>,
    %mul3A_531 = arith.constant 1024 : i32
    %mul3A_532 = arith.muli %arg1, %mul3A_531 : i32
    %add3A_533 = arith.constant 65536 : i32
    %add3A_534 = arith.addi %add3A_533, %mul3A_532 : i32
    %add3A_535 = arith.constant 512 : i32
    %add3A_536 = arith.addi %add3A_534, %add3A_535 : i32
    %add3A_537 = arith.constant 48 : i32
    %add3A_538 = arith.addi %add3A_536, %add3A_537 : i32
    %add3A_539 = vector.broadcast %add3A_538 : i32 to vector<16xi32>
    %add3A_540 = arith.addi %iota3A, %add3A_539 : vector<16xi32>
    %swap3A_541 = arith.constant 4 : i32
    %swap3A_542 = arith.index_cast %swap3A_541 : i32 to index
    %swap3A_543 = arith.constant 48 : index
    %swap3A_544 = tpu.vector_load %arg7[%swap3A_542, %swap3A_543] {strides = array<i32>} : memref<8x128xi32, #tpu.memory_space<vmem>>, vector<16xi32>,
    tpu.vector_store %arg7[%swap3A_542, %swap3A_543], %add3A_540 {strides = array<i32>} : memref<8x128xi32, #tpu.memory_space<vmem>>, vector<16xi32>,
    %mul3A_545 = arith.constant 1024 : i32
    %mul3A_546 = arith.muli %arg1, %mul3A_545 : i32
    %add3A_547 = arith.constant 65536 : i32
    %add3A_548 = arith.addi %add3A_547, %mul3A_546 : i32
    %add3A_549 = arith.constant 512 : i32
    %add3A_550 = arith.addi %add3A_548, %add3A_549 : i32
    %add3A_551 = arith.constant 64 : i32
    %add3A_552 = arith.addi %add3A_550, %add3A_551 : i32
    %add3A_553 = vector.broadcast %add3A_552 : i32 to vector<16xi32>
    %add3A_554 = arith.addi %iota3A, %add3A_553 : vector<16xi32>
    %swap3A_555 = arith.constant 4 : i32
    %swap3A_556 = arith.index_cast %swap3A_555 : i32 to index
    %swap3A_557 = arith.constant 64 : index
    %swap3A_558 = tpu.vector_load %arg7[%swap3A_556, %swap3A_557] {strides = array<i32>} : memref<8x128xi32, #tpu.memory_space<vmem>>, vector<16xi32>,
    tpu.vector_store %arg7[%swap3A_556, %swap3A_557], %add3A_554 {strides = array<i32>} : memref<8x128xi32, #tpu.memory_space<vmem>>, vector<16xi32>,
    %mul3A_559 = arith.constant 1024 : i32
    %mul3A_560 = arith.muli %arg1, %mul3A_559 : i32
    %add3A_561 = arith.constant 65536 : i32
    %add3A_562 = arith.addi %add3A_561, %mul3A_560 : i32
    %add3A_563 = arith.constant 512 : i32
    %add3A_564 = arith.addi %add3A_562, %add3A_563 : i32
    %add3A_565 = arith.constant 80 : i32
    %add3A_566 = arith.addi %add3A_564, %add3A_565 : i32
    %add3A_567 = vector.broadcast %add3A_566 : i32 to vector<16xi32>
    %add3A_568 = arith.addi %iota3A, %add3A_567 : vector<16xi32>
    %swap3A_569 = arith.constant 4 : i32
    %swap3A_570 = arith.index_cast %swap3A_569 : i32 to index
    %swap3A_571 = arith.constant 80 : index
    %swap3A_572 = tpu.vector_load %arg7[%swap3A_570, %swap3A_571] {strides = array<i32>} : memref<8x128xi32, #tpu.memory_space<vmem>>, vector<16xi32>,
    tpu.vector_store %arg7[%swap3A_570, %swap3A_571], %add3A_568 {strides = array<i32>} : memref<8x128xi32, #tpu.memory_space<vmem>>, vector<16xi32>,
    %mul3A_573 = arith.constant 1024 : i32
    %mul3A_574 = arith.muli %arg1, %mul3A_573 : i32
    %add3A_575 = arith.constant 65536 : i32
    %add3A_576 = arith.addi %add3A_575, %mul3A_574 : i32
    %add3A_577 = arith.constant 512 : i32
    %add3A_578 = arith.addi %add3A_576, %add3A_577 : i32
    %add3A_579 = arith.constant 96 : i32
    %add3A_580 = arith.addi %add3A_578, %add3A_579 : i32
    %add3A_581 = vector.broadcast %add3A_580 : i32 to vector<16xi32>
    %add3A_582 = arith.addi %iota3A, %add3A_581 : vector<16xi32>
    %swap3A_583 = arith.constant 4 : i32
    %swap3A_584 = arith.index_cast %swap3A_583 : i32 to index
    %swap3A_585 = arith.constant 96 : index
    %swap3A_586 = tpu.vector_load %arg7[%swap3A_584, %swap3A_585] {strides = array<i32>} : memref<8x128xi32, #tpu.memory_space<vmem>>, vector<16xi32>,
    tpu.vector_store %arg7[%swap3A_584, %swap3A_585], %add3A_582 {strides = array<i32>} : memref<8x128xi32, #tpu.memory_space<vmem>>, vector<16xi32>,
    %mul3A_587 = arith.constant 1024 : i32
    %mul3A_588 = arith.muli %arg1, %mul3A_587 : i32
    %add3A_589 = arith.constant 65536 : i32
    %add3A_590 = arith.addi %add3A_589, %mul3A_588 : i32
    %add3A_591 = arith.constant 512 : i32
    %add3A_592 = arith.addi %add3A_590, %add3A_591 : i32
    %add3A_593 = arith.constant 112 : i32
    %add3A_594 = arith.addi %add3A_592, %add3A_593 : i32
    %add3A_595 = vector.broadcast %add3A_594 : i32 to vector<16xi32>
    %add3A_596 = arith.addi %iota3A, %add3A_595 : vector<16xi32>
    %swap3A_597 = arith.constant 4 : i32
    %swap3A_598 = arith.index_cast %swap3A_597 : i32 to index
    %swap3A_599 = arith.constant 112 : index
    %swap3A_600 = tpu.vector_load %arg7[%swap3A_598, %swap3A_599] {strides = array<i32>} : memref<8x128xi32, #tpu.memory_space<vmem>>, vector<16xi32>,
    tpu.vector_store %arg7[%swap3A_598, %swap3A_599], %add3A_596 {strides = array<i32>} : memref<8x128xi32, #tpu.memory_space<vmem>>, vector<16xi32>,
    %mul3A_601 = arith.constant 1024 : i32
    %mul3A_602 = arith.muli %arg1, %mul3A_601 : i32
    %add3A_603 = arith.constant 65536 : i32
    %add3A_604 = arith.addi %add3A_603, %mul3A_602 : i32
    %add3A_605 = arith.constant 640 : i32
    %add3A_606 = arith.addi %add3A_604, %add3A_605 : i32
    %add3A_607 = arith.constant 0 : i32
    %add3A_608 = arith.addi %add3A_606, %add3A_607 : i32
    %add3A_609 = vector.broadcast %add3A_608 : i32 to vector<16xi32>
    %add3A_610 = arith.addi %iota3A, %add3A_609 : vector<16xi32>
    %swap3A_611 = arith.constant 5 : i32
    %swap3A_612 = arith.index_cast %swap3A_611 : i32 to index
    %swap3A_613 = arith.constant 0 : index
    %swap3A_614 = tpu.vector_load %arg7[%swap3A_612, %swap3A_613] {strides = array<i32>} : memref<8x128xi32, #tpu.memory_space<vmem>>, vector<16xi32>,
    tpu.vector_store %arg7[%swap3A_612, %swap3A_613], %add3A_610 {strides = array<i32>} : memref<8x128xi32, #tpu.memory_space<vmem>>, vector<16xi32>,
    %mul3A_615 = arith.constant 1024 : i32
    %mul3A_616 = arith.muli %arg1, %mul3A_615 : i32
    %add3A_617 = arith.constant 65536 : i32
    %add3A_618 = arith.addi %add3A_617, %mul3A_616 : i32
    %add3A_619 = arith.constant 640 : i32
    %add3A_620 = arith.addi %add3A_618, %add3A_619 : i32
    %add3A_621 = arith.constant 16 : i32
    %add3A_622 = arith.addi %add3A_620, %add3A_621 : i32
    %add3A_623 = vector.broadcast %add3A_622 : i32 to vector<16xi32>
    %add3A_624 = arith.addi %iota3A, %add3A_623 : vector<16xi32>
    %swap3A_625 = arith.constant 5 : i32
    %swap3A_626 = arith.index_cast %swap3A_625 : i32 to index
    %swap3A_627 = arith.constant 16 : index
    %swap3A_628 = tpu.vector_load %arg7[%swap3A_626, %swap3A_627] {strides = array<i32>} : memref<8x128xi32, #tpu.memory_space<vmem>>, vector<16xi32>,
    tpu.vector_store %arg7[%swap3A_626, %swap3A_627], %add3A_624 {strides = array<i32>} : memref<8x128xi32, #tpu.memory_space<vmem>>, vector<16xi32>,
    %mul3A_629 = arith.constant 1024 : i32
    %mul3A_630 = arith.muli %arg1, %mul3A_629 : i32
    %add3A_631 = arith.constant 65536 : i32
    %add3A_632 = arith.addi %add3A_631, %mul3A_630 : i32
    %add3A_633 = arith.constant 640 : i32
    %add3A_634 = arith.addi %add3A_632, %add3A_633 : i32
    %add3A_635 = arith.constant 32 : i32
    %add3A_636 = arith.addi %add3A_634, %add3A_635 : i32
    %add3A_637 = vector.broadcast %add3A_636 : i32 to vector<16xi32>
    %add3A_638 = arith.addi %iota3A, %add3A_637 : vector<16xi32>
    %swap3A_639 = arith.constant 5 : i32
    %swap3A_640 = arith.index_cast %swap3A_639 : i32 to index
    %swap3A_641 = arith.constant 32 : index
    %swap3A_642 = tpu.vector_load %arg7[%swap3A_640, %swap3A_641] {strides = array<i32>} : memref<8x128xi32, #tpu.memory_space<vmem>>, vector<16xi32>,
    tpu.vector_store %arg7[%swap3A_640, %swap3A_641], %add3A_638 {strides = array<i32>} : memref<8x128xi32, #tpu.memory_space<vmem>>, vector<16xi32>,
    %mul3A_643 = arith.constant 1024 : i32
    %mul3A_644 = arith.muli %arg1, %mul3A_643 : i32
    %add3A_645 = arith.constant 65536 : i32
    %add3A_646 = arith.addi %add3A_645, %mul3A_644 : i32
    %add3A_647 = arith.constant 640 : i32
    %add3A_648 = arith.addi %add3A_646, %add3A_647 : i32
    %add3A_649 = arith.constant 48 : i32
    %add3A_650 = arith.addi %add3A_648, %add3A_649 : i32
    %add3A_651 = vector.broadcast %add3A_650 : i32 to vector<16xi32>
    %add3A_652 = arith.addi %iota3A, %add3A_651 : vector<16xi32>
    %swap3A_653 = arith.constant 5 : i32
    %swap3A_654 = arith.index_cast %swap3A_653 : i32 to index
    %swap3A_655 = arith.constant 48 : index
    %swap3A_656 = tpu.vector_load %arg7[%swap3A_654, %swap3A_655] {strides = array<i32>} : memref<8x128xi32, #tpu.memory_space<vmem>>, vector<16xi32>,
    tpu.vector_store %arg7[%swap3A_654, %swap3A_655], %add3A_652 {strides = array<i32>} : memref<8x128xi32, #tpu.memory_space<vmem>>, vector<16xi32>,
    %mul3A_657 = arith.constant 1024 : i32
    %mul3A_658 = arith.muli %arg1, %mul3A_657 : i32
    %add3A_659 = arith.constant 65536 : i32
    %add3A_660 = arith.addi %add3A_659, %mul3A_658 : i32
    %add3A_661 = arith.constant 640 : i32
    %add3A_662 = arith.addi %add3A_660, %add3A_661 : i32
    %add3A_663 = arith.constant 64 : i32
    %add3A_664 = arith.addi %add3A_662, %add3A_663 : i32
    %add3A_665 = vector.broadcast %add3A_664 : i32 to vector<16xi32>
    %add3A_666 = arith.addi %iota3A, %add3A_665 : vector<16xi32>
    %swap3A_667 = arith.constant 5 : i32
    %swap3A_668 = arith.index_cast %swap3A_667 : i32 to index
    %swap3A_669 = arith.constant 64 : index
    %swap3A_670 = tpu.vector_load %arg7[%swap3A_668, %swap3A_669] {strides = array<i32>} : memref<8x128xi32, #tpu.memory_space<vmem>>, vector<16xi32>,
    tpu.vector_store %arg7[%swap3A_668, %swap3A_669], %add3A_666 {strides = array<i32>} : memref<8x128xi32, #tpu.memory_space<vmem>>, vector<16xi32>,
    %mul3A_671 = arith.constant 1024 : i32
    %mul3A_672 = arith.muli %arg1, %mul3A_671 : i32
    %add3A_673 = arith.constant 65536 : i32
    %add3A_674 = arith.addi %add3A_673, %mul3A_672 : i32
    %add3A_675 = arith.constant 640 : i32
    %add3A_676 = arith.addi %add3A_674, %add3A_675 : i32
    %add3A_677 = arith.constant 80 : i32
    %add3A_678 = arith.addi %add3A_676, %add3A_677 : i32
    %add3A_679 = vector.broadcast %add3A_678 : i32 to vector<16xi32>
    %add3A_680 = arith.addi %iota3A, %add3A_679 : vector<16xi32>
    %swap3A_681 = arith.constant 5 : i32
    %swap3A_682 = arith.index_cast %swap3A_681 : i32 to index
    %swap3A_683 = arith.constant 80 : index
    %swap3A_684 = tpu.vector_load %arg7[%swap3A_682, %swap3A_683] {strides = array<i32>} : memref<8x128xi32, #tpu.memory_space<vmem>>, vector<16xi32>,
    tpu.vector_store %arg7[%swap3A_682, %swap3A_683], %add3A_680 {strides = array<i32>} : memref<8x128xi32, #tpu.memory_space<vmem>>, vector<16xi32>,
    %mul3A_685 = arith.constant 1024 : i32
    %mul3A_686 = arith.muli %arg1, %mul3A_685 : i32
    %add3A_687 = arith.constant 65536 : i32
    %add3A_688 = arith.addi %add3A_687, %mul3A_686 : i32
    %add3A_689 = arith.constant 640 : i32
    %add3A_690 = arith.addi %add3A_688, %add3A_689 : i32
    %add3A_691 = arith.constant 96 : i32
    %add3A_692 = arith.addi %add3A_690, %add3A_691 : i32
    %add3A_693 = vector.broadcast %add3A_692 : i32 to vector<16xi32>
    %add3A_694 = arith.addi %iota3A, %add3A_693 : vector<16xi32>
    %swap3A_695 = arith.constant 5 : i32
    %swap3A_696 = arith.index_cast %swap3A_695 : i32 to index
    %swap3A_697 = arith.constant 96 : index
    %swap3A_698 = tpu.vector_load %arg7[%swap3A_696, %swap3A_697] {strides = array<i32>} : memref<8x128xi32, #tpu.memory_space<vmem>>, vector<16xi32>,
    tpu.vector_store %arg7[%swap3A_696, %swap3A_697], %add3A_694 {strides = array<i32>} : memref<8x128xi32, #tpu.memory_space<vmem>>, vector<16xi32>,
    %mul3A_699 = arith.constant 1024 : i32
    %mul3A_700 = arith.muli %arg1, %mul3A_699 : i32
    %add3A_701 = arith.constant 65536 : i32
    %add3A_702 = arith.addi %add3A_701, %mul3A_700 : i32
    %add3A_703 = arith.constant 640 : i32
    %add3A_704 = arith.addi %add3A_702, %add3A_703 : i32
    %add3A_705 = arith.constant 112 : i32
    %add3A_706 = arith.addi %add3A_704, %add3A_705 : i32
    %add3A_707 = vector.broadcast %add3A_706 : i32 to vector<16xi32>
    %add3A_708 = arith.addi %iota3A, %add3A_707 : vector<16xi32>
    %swap3A_709 = arith.constant 5 : i32
    %swap3A_710 = arith.index_cast %swap3A_709 : i32 to index
    %swap3A_711 = arith.constant 112 : index
    %swap3A_712 = tpu.vector_load %arg7[%swap3A_710, %swap3A_711] {strides = array<i32>} : memref<8x128xi32, #tpu.memory_space<vmem>>, vector<16xi32>,
    tpu.vector_store %arg7[%swap3A_710, %swap3A_711], %add3A_708 {strides = array<i32>} : memref<8x128xi32, #tpu.memory_space<vmem>>, vector<16xi32>,
    %mul3A_713 = arith.constant 1024 : i32
    %mul3A_714 = arith.muli %arg1, %mul3A_713 : i32
    %add3A_715 = arith.constant 65536 : i32
    %add3A_716 = arith.addi %add3A_715, %mul3A_714 : i32
    %add3A_717 = arith.constant 768 : i32
    %add3A_718 = arith.addi %add3A_716, %add3A_717 : i32
    %add3A_719 = arith.constant 0 : i32
    %add3A_720 = arith.addi %add3A_718, %add3A_719 : i32
    %add3A_721 = vector.broadcast %add3A_720 : i32 to vector<16xi32>
    %add3A_722 = arith.addi %iota3A, %add3A_721 : vector<16xi32>
    %swap3A_723 = arith.constant 6 : i32
    %swap3A_724 = arith.index_cast %swap3A_723 : i32 to index
    %swap3A_725 = arith.constant 0 : index
    %swap3A_726 = tpu.vector_load %arg7[%swap3A_724, %swap3A_725] {strides = array<i32>} : memref<8x128xi32, #tpu.memory_space<vmem>>, vector<16xi32>,
    tpu.vector_store %arg7[%swap3A_724, %swap3A_725], %add3A_722 {strides = array<i32>} : memref<8x128xi32, #tpu.memory_space<vmem>>, vector<16xi32>,
    %mul3A_727 = arith.constant 1024 : i32
    %mul3A_728 = arith.muli %arg1, %mul3A_727 : i32
    %add3A_729 = arith.constant 65536 : i32
    %add3A_730 = arith.addi %add3A_729, %mul3A_728 : i32
    %add3A_731 = arith.constant 768 : i32
    %add3A_732 = arith.addi %add3A_730, %add3A_731 : i32
    %add3A_733 = arith.constant 16 : i32
    %add3A_734 = arith.addi %add3A_732, %add3A_733 : i32
    %add3A_735 = vector.broadcast %add3A_734 : i32 to vector<16xi32>
    %add3A_736 = arith.addi %iota3A, %add3A_735 : vector<16xi32>
    %swap3A_737 = arith.constant 6 : i32
    %swap3A_738 = arith.index_cast %swap3A_737 : i32 to index
    %swap3A_739 = arith.constant 16 : index
    %swap3A_740 = tpu.vector_load %arg7[%swap3A_738, %swap3A_739] {strides = array<i32>} : memref<8x128xi32, #tpu.memory_space<vmem>>, vector<16xi32>,
    tpu.vector_store %arg7[%swap3A_738, %swap3A_739], %add3A_736 {strides = array<i32>} : memref<8x128xi32, #tpu.memory_space<vmem>>, vector<16xi32>,
    %mul3A_741 = arith.constant 1024 : i32
    %mul3A_742 = arith.muli %arg1, %mul3A_741 : i32
    %add3A_743 = arith.constant 65536 : i32
    %add3A_744 = arith.addi %add3A_743, %mul3A_742 : i32
    %add3A_745 = arith.constant 768 : i32
    %add3A_746 = arith.addi %add3A_744, %add3A_745 : i32
    %add3A_747 = arith.constant 32 : i32
    %add3A_748 = arith.addi %add3A_746, %add3A_747 : i32
    %add3A_749 = vector.broadcast %add3A_748 : i32 to vector<16xi32>
    %add3A_750 = arith.addi %iota3A, %add3A_749 : vector<16xi32>
    %swap3A_751 = arith.constant 6 : i32
    %swap3A_752 = arith.index_cast %swap3A_751 : i32 to index
    %swap3A_753 = arith.constant 32 : index
    %swap3A_754 = tpu.vector_load %arg7[%swap3A_752, %swap3A_753] {strides = array<i32>} : memref<8x128xi32, #tpu.memory_space<vmem>>, vector<16xi32>,
    tpu.vector_store %arg7[%swap3A_752, %swap3A_753], %add3A_750 {strides = array<i32>} : memref<8x128xi32, #tpu.memory_space<vmem>>, vector<16xi32>,
    %mul3A_755 = arith.constant 1024 : i32
    %mul3A_756 = arith.muli %arg1, %mul3A_755 : i32
    %add3A_757 = arith.constant 65536 : i32
    %add3A_758 = arith.addi %add3A_757, %mul3A_756 : i32
    %add3A_759 = arith.constant 768 : i32
    %add3A_760 = arith.addi %add3A_758, %add3A_759 : i32
    %add3A_761 = arith.constant 48 : i32
    %add3A_762 = arith.addi %add3A_760, %add3A_761 : i32
    %add3A_763 = vector.broadcast %add3A_762 : i32 to vector<16xi32>
    %add3A_764 = arith.addi %iota3A, %add3A_763 : vector<16xi32>
    %swap3A_765 = arith.constant 6 : i32
    %swap3A_766 = arith.index_cast %swap3A_765 : i32 to index
    %swap3A_767 = arith.constant 48 : index
    %swap3A_768 = tpu.vector_load %arg7[%swap3A_766, %swap3A_767] {strides = array<i32>} : memref<8x128xi32, #tpu.memory_space<vmem>>, vector<16xi32>,
    tpu.vector_store %arg7[%swap3A_766, %swap3A_767], %add3A_764 {strides = array<i32>} : memref<8x128xi32, #tpu.memory_space<vmem>>, vector<16xi32>,
    %mul3A_769 = arith.constant 1024 : i32
    %mul3A_770 = arith.muli %arg1, %mul3A_769 : i32
    %add3A_771 = arith.constant 65536 : i32
    %add3A_772 = arith.addi %add3A_771, %mul3A_770 : i32
    %add3A_773 = arith.constant 768 : i32
    %add3A_774 = arith.addi %add3A_772, %add3A_773 : i32
    %add3A_775 = arith.constant 64 : i32
    %add3A_776 = arith.addi %add3A_774, %add3A_775 : i32
    %add3A_777 = vector.broadcast %add3A_776 : i32 to vector<16xi32>
    %add3A_778 = arith.addi %iota3A, %add3A_777 : vector<16xi32>
    %swap3A_779 = arith.constant 6 : i32
    %swap3A_780 = arith.index_cast %swap3A_779 : i32 to index
    %swap3A_781 = arith.constant 64 : index
    %swap3A_782 = tpu.vector_load %arg7[%swap3A_780, %swap3A_781] {strides = array<i32>} : memref<8x128xi32, #tpu.memory_space<vmem>>, vector<16xi32>,
    tpu.vector_store %arg7[%swap3A_780, %swap3A_781], %add3A_778 {strides = array<i32>} : memref<8x128xi32, #tpu.memory_space<vmem>>, vector<16xi32>,
    %mul3A_783 = arith.constant 1024 : i32
    %mul3A_784 = arith.muli %arg1, %mul3A_783 : i32
    %add3A_785 = arith.constant 65536 : i32
    %add3A_786 = arith.addi %add3A_785, %mul3A_784 : i32
    %add3A_787 = arith.constant 768 : i32
    %add3A_788 = arith.addi %add3A_786, %add3A_787 : i32
    %add3A_789 = arith.constant 80 : i32
    %add3A_790 = arith.addi %add3A_788, %add3A_789 : i32
    %add3A_791 = vector.broadcast %add3A_790 : i32 to vector<16xi32>
    %add3A_792 = arith.addi %iota3A, %add3A_791 : vector<16xi32>
    %swap3A_793 = arith.constant 6 : i32
    %swap3A_794 = arith.index_cast %swap3A_793 : i32 to index
    %swap3A_795 = arith.constant 80 : index
    %swap3A_796 = tpu.vector_load %arg7[%swap3A_794, %swap3A_795] {strides = array<i32>} : memref<8x128xi32, #tpu.memory_space<vmem>>, vector<16xi32>,
    tpu.vector_store %arg7[%swap3A_794, %swap3A_795], %add3A_792 {strides = array<i32>} : memref<8x128xi32, #tpu.memory_space<vmem>>, vector<16xi32>,
    %mul3A_797 = arith.constant 1024 : i32
    %mul3A_798 = arith.muli %arg1, %mul3A_797 : i32
    %add3A_799 = arith.constant 65536 : i32
    %add3A_800 = arith.addi %add3A_799, %mul3A_798 : i32
    %add3A_801 = arith.constant 768 : i32
    %add3A_802 = arith.addi %add3A_800, %add3A_801 : i32
    %add3A_803 = arith.constant 96 : i32
    %add3A_804 = arith.addi %add3A_802, %add3A_803 : i32
    %add3A_805 = vector.broadcast %add3A_804 : i32 to vector<16xi32>
    %add3A_806 = arith.addi %iota3A, %add3A_805 : vector<16xi32>
    %swap3A_807 = arith.constant 6 : i32
    %swap3A_808 = arith.index_cast %swap3A_807 : i32 to index
    %swap3A_809 = arith.constant 96 : index
    %swap3A_810 = tpu.vector_load %arg7[%swap3A_808, %swap3A_809] {strides = array<i32>} : memref<8x128xi32, #tpu.memory_space<vmem>>, vector<16xi32>,
    tpu.vector_store %arg7[%swap3A_808, %swap3A_809], %add3A_806 {strides = array<i32>} : memref<8x128xi32, #tpu.memory_space<vmem>>, vector<16xi32>,
    %mul3A_811 = arith.constant 1024 : i32
    %mul3A_812 = arith.muli %arg1, %mul3A_811 : i32
    %add3A_813 = arith.constant 65536 : i32
    %add3A_814 = arith.addi %add3A_813, %mul3A_812 : i32
    %add3A_815 = arith.constant 768 : i32
    %add3A_816 = arith.addi %add3A_814, %add3A_815 : i32
    %add3A_817 = arith.constant 112 : i32
    %add3A_818 = arith.addi %add3A_816, %add3A_817 : i32
    %add3A_819 = vector.broadcast %add3A_818 : i32 to vector<16xi32>
    %add3A_820 = arith.addi %iota3A, %add3A_819 : vector<16xi32>
    %swap3A_821 = arith.constant 6 : i32
    %swap3A_822 = arith.index_cast %swap3A_821 : i32 to index
    %swap3A_823 = arith.constant 112 : index
    %swap3A_824 = tpu.vector_load %arg7[%swap3A_822, %swap3A_823] {strides = array<i32>} : memref<8x128xi32, #tpu.memory_space<vmem>>, vector<16xi32>,
    tpu.vector_store %arg7[%swap3A_822, %swap3A_823], %add3A_820 {strides = array<i32>} : memref<8x128xi32, #tpu.memory_space<vmem>>, vector<16xi32>,
    %mul3A_825 = arith.constant 1024 : i32
    %mul3A_826 = arith.muli %arg1, %mul3A_825 : i32
    %add3A_827 = arith.constant 65536 : i32
    %add3A_828 = arith.addi %add3A_827, %mul3A_826 : i32
    %add3A_829 = arith.constant 896 : i32
    %add3A_830 = arith.addi %add3A_828, %add3A_829 : i32
    %add3A_831 = arith.constant 0 : i32
    %add3A_832 = arith.addi %add3A_830, %add3A_831 : i32
    %add3A_833 = vector.broadcast %add3A_832 : i32 to vector<16xi32>
    %add3A_834 = arith.addi %iota3A, %add3A_833 : vector<16xi32>
    %swap3A_835 = arith.constant 7 : i32
    %swap3A_836 = arith.index_cast %swap3A_835 : i32 to index
    %swap3A_837 = arith.constant 0 : index
    %swap3A_838 = tpu.vector_load %arg7[%swap3A_836, %swap3A_837] {strides = array<i32>} : memref<8x128xi32, #tpu.memory_space<vmem>>, vector<16xi32>,
    tpu.vector_store %arg7[%swap3A_836, %swap3A_837], %add3A_834 {strides = array<i32>} : memref<8x128xi32, #tpu.memory_space<vmem>>, vector<16xi32>,
    %mul3A_839 = arith.constant 1024 : i32
    %mul3A_840 = arith.muli %arg1, %mul3A_839 : i32
    %add3A_841 = arith.constant 65536 : i32
    %add3A_842 = arith.addi %add3A_841, %mul3A_840 : i32
    %add3A_843 = arith.constant 896 : i32
    %add3A_844 = arith.addi %add3A_842, %add3A_843 : i32
    %add3A_845 = arith.constant 16 : i32
    %add3A_846 = arith.addi %add3A_844, %add3A_845 : i32
    %add3A_847 = vector.broadcast %add3A_846 : i32 to vector<16xi32>
    %add3A_848 = arith.addi %iota3A, %add3A_847 : vector<16xi32>
    %swap3A_849 = arith.constant 7 : i32
    %swap3A_850 = arith.index_cast %swap3A_849 : i32 to index
    %swap3A_851 = arith.constant 16 : index
    %swap3A_852 = tpu.vector_load %arg7[%swap3A_850, %swap3A_851] {strides = array<i32>} : memref<8x128xi32, #tpu.memory_space<vmem>>, vector<16xi32>,
    tpu.vector_store %arg7[%swap3A_850, %swap3A_851], %add3A_848 {strides = array<i32>} : memref<8x128xi32, #tpu.memory_space<vmem>>, vector<16xi32>,
    %mul3A_853 = arith.constant 1024 : i32
    %mul3A_854 = arith.muli %arg1, %mul3A_853 : i32
    %add3A_855 = arith.constant 65536 : i32
    %add3A_856 = arith.addi %add3A_855, %mul3A_854 : i32
    %add3A_857 = arith.constant 896 : i32
    %add3A_858 = arith.addi %add3A_856, %add3A_857 : i32
    %add3A_859 = arith.constant 32 : i32
    %add3A_860 = arith.addi %add3A_858, %add3A_859 : i32
    %add3A_861 = vector.broadcast %add3A_860 : i32 to vector<16xi32>
    %add3A_862 = arith.addi %iota3A, %add3A_861 : vector<16xi32>
    %swap3A_863 = arith.constant 7 : i32
    %swap3A_864 = arith.index_cast %swap3A_863 : i32 to index
    %swap3A_865 = arith.constant 32 : index
    %swap3A_866 = tpu.vector_load %arg7[%swap3A_864, %swap3A_865] {strides = array<i32>} : memref<8x128xi32, #tpu.memory_space<vmem>>, vector<16xi32>,
    tpu.vector_store %arg7[%swap3A_864, %swap3A_865], %add3A_862 {strides = array<i32>} : memref<8x128xi32, #tpu.memory_space<vmem>>, vector<16xi32>,
    %mul3A_867 = arith.constant 1024 : i32
    %mul3A_868 = arith.muli %arg1, %mul3A_867 : i32
    %add3A_869 = arith.constant 65536 : i32
    %add3A_870 = arith.addi %add3A_869, %mul3A_868 : i32
    %add3A_871 = arith.constant 896 : i32
    %add3A_872 = arith.addi %add3A_870, %add3A_871 : i32
    %add3A_873 = arith.constant 48 : i32
    %add3A_874 = arith.addi %add3A_872, %add3A_873 : i32
    %add3A_875 = vector.broadcast %add3A_874 : i32 to vector<16xi32>
    %add3A_876 = arith.addi %iota3A, %add3A_875 : vector<16xi32>
    %swap3A_877 = arith.constant 7 : i32
    %swap3A_878 = arith.index_cast %swap3A_877 : i32 to index
    %swap3A_879 = arith.constant 48 : index
    %swap3A_880 = tpu.vector_load %arg7[%swap3A_878, %swap3A_879] {strides = array<i32>} : memref<8x128xi32, #tpu.memory_space<vmem>>, vector<16xi32>,
    tpu.vector_store %arg7[%swap3A_878, %swap3A_879], %add3A_876 {strides = array<i32>} : memref<8x128xi32, #tpu.memory_space<vmem>>, vector<16xi32>,
    %mul3A_881 = arith.constant 1024 : i32
    %mul3A_882 = arith.muli %arg1, %mul3A_881 : i32
    %add3A_883 = arith.constant 65536 : i32
    %add3A_884 = arith.addi %add3A_883, %mul3A_882 : i32
    %add3A_885 = arith.constant 896 : i32
    %add3A_886 = arith.addi %add3A_884, %add3A_885 : i32
    %add3A_887 = arith.constant 64 : i32
    %add3A_888 = arith.addi %add3A_886, %add3A_887 : i32
    %add3A_889 = vector.broadcast %add3A_888 : i32 to vector<16xi32>
    %add3A_890 = arith.addi %iota3A, %add3A_889 : vector<16xi32>
    %swap3A_891 = arith.constant 7 : i32
    %swap3A_892 = arith.index_cast %swap3A_891 : i32 to index
    %swap3A_893 = arith.constant 64 : index
    %swap3A_894 = tpu.vector_load %arg7[%swap3A_892, %swap3A_893] {strides = array<i32>} : memref<8x128xi32, #tpu.memory_space<vmem>>, vector<16xi32>,
    tpu.vector_store %arg7[%swap3A_892, %swap3A_893], %add3A_890 {strides = array<i32>} : memref<8x128xi32, #tpu.memory_space<vmem>>, vector<16xi32>,
    %mul3A_895 = arith.constant 1024 : i32
    %mul3A_896 = arith.muli %arg1, %mul3A_895 : i32
    %add3A_897 = arith.constant 65536 : i32
    %add3A_898 = arith.addi %add3A_897, %mul3A_896 : i32
    %add3A_899 = arith.constant 896 : i32
    %add3A_900 = arith.addi %add3A_898, %add3A_899 : i32
    %add3A_901 = arith.constant 80 : i32
    %add3A_902 = arith.addi %add3A_900, %add3A_901 : i32
    %add3A_903 = vector.broadcast %add3A_902 : i32 to vector<16xi32>
    %add3A_904 = arith.addi %iota3A, %add3A_903 : vector<16xi32>
    %swap3A_905 = arith.constant 7 : i32
    %swap3A_906 = arith.index_cast %swap3A_905 : i32 to index
    %swap3A_907 = arith.constant 80 : index
    %swap3A_908 = tpu.vector_load %arg7[%swap3A_906, %swap3A_907] {strides = array<i32>} : memref<8x128xi32, #tpu.memory_space<vmem>>, vector<16xi32>,
    tpu.vector_store %arg7[%swap3A_906, %swap3A_907], %add3A_904 {strides = array<i32>} : memref<8x128xi32, #tpu.memory_space<vmem>>, vector<16xi32>,
    %mul3A_909 = arith.constant 1024 : i32
    %mul3A_910 = arith.muli %arg1, %mul3A_909 : i32
    %add3A_911 = arith.constant 65536 : i32
    %add3A_912 = arith.addi %add3A_911, %mul3A_910 : i32
    %add3A_913 = arith.constant 896 : i32
    %add3A_914 = arith.addi %add3A_912, %add3A_913 : i32
    %add3A_915 = arith.constant 96 : i32
    %add3A_916 = arith.addi %add3A_914, %add3A_915 : i32
    %add3A_917 = vector.broadcast %add3A_916 : i32 to vector<16xi32>
    %add3A_918 = arith.addi %iota3A, %add3A_917 : vector<16xi32>
    %swap3A_919 = arith.constant 7 : i32
    %swap3A_920 = arith.index_cast %swap3A_919 : i32 to index
    %swap3A_921 = arith.constant 96 : index
    %swap3A_922 = tpu.vector_load %arg7[%swap3A_920, %swap3A_921] {strides = array<i32>} : memref<8x128xi32, #tpu.memory_space<vmem>>, vector<16xi32>,
    tpu.vector_store %arg7[%swap3A_920, %swap3A_921], %add3A_918 {strides = array<i32>} : memref<8x128xi32, #tpu.memory_space<vmem>>, vector<16xi32>,
    %mul3A_923 = arith.constant 1024 : i32
    %mul3A_924 = arith.muli %arg1, %mul3A_923 : i32
    %add3A_925 = arith.constant 65536 : i32
    %add3A_926 = arith.addi %add3A_925, %mul3A_924 : i32
    %add3A_927 = arith.constant 896 : i32
    %add3A_928 = arith.addi %add3A_926, %add3A_927 : i32
    %add3A_929 = arith.constant 112 : i32
    %add3A_930 = arith.addi %add3A_928, %add3A_929 : i32
    %add3A_931 = vector.broadcast %add3A_930 : i32 to vector<16xi32>
    %add3A_932 = arith.addi %iota3A, %add3A_931 : vector<16xi32>
    %swap3A_933 = arith.constant 7 : i32
    %swap3A_934 = arith.index_cast %swap3A_933 : i32 to index
    %swap3A_935 = arith.constant 112 : index
    %swap3A_936 = tpu.vector_load %arg7[%swap3A_934, %swap3A_935] {strides = array<i32>} : memref<8x128xi32, #tpu.memory_space<vmem>>, vector<16xi32>,
    tpu.vector_store %arg7[%swap3A_934, %swap3A_935], %add3A_932 {strides = array<i32>} : memref<8x128xi32, #tpu.memory_space<vmem>>, vector<16xi32>,
    %mul3A_937 = arith.constant 0 : i32
    %mul3A_938 = vector.broadcast %mul3A_937 : i32 to vector<16xi32>
    %mul3A_939 = arith.muli %mul3A_938, %iota3A : vector<16xi32>
    %swap3A_940 = arith.constant 0 : index
    %swap3A_941 = tpu.vector_load %arg14[%swap3A_940] {strides = array<i32>} : memref<128xi32, #tpu.memory_space<vmem>>, vector<16xi32>,
    tpu.vector_store %arg14[%swap3A_940], %mul3A_939 {strides = array<i32>} : memref<128xi32, #tpu.memory_space<vmem>>, vector<16xi32>,
    %mul3A_942 = arith.constant 0 : i32
    %mul3A_943 = vector.broadcast %mul3A_942 : i32 to vector<16xi32>
    %mul3A_944 = arith.muli %mul3A_943, %iota3A : vector<16xi32>
    %swap3A_945 = arith.constant 16 : index
    %swap3A_946 = tpu.vector_load %arg14[%swap3A_945] {strides = array<i32>} : memref<128xi32, #tpu.memory_space<vmem>>, vector<16xi32>,
    tpu.vector_store %arg14[%swap3A_945], %mul3A_944 {strides = array<i32>} : memref<128xi32, #tpu.memory_space<vmem>>, vector<16xi32>,
    %mul3A_947 = arith.constant 0 : i32
    %mul3A_948 = vector.broadcast %mul3A_947 : i32 to vector<16xi32>
    %mul3A_949 = arith.muli %mul3A_948, %iota3A : vector<16xi32>
    %swap3A_950 = arith.constant 32 : index
    %swap3A_951 = tpu.vector_load %arg14[%swap3A_950] {strides = array<i32>} : memref<128xi32, #tpu.memory_space<vmem>>, vector<16xi32>,
    tpu.vector_store %arg14[%swap3A_950], %mul3A_949 {strides = array<i32>} : memref<128xi32, #tpu.memory_space<vmem>>, vector<16xi32>,
    %mul3A_952 = arith.constant 0 : i32
    %mul3A_953 = vector.broadcast %mul3A_952 : i32 to vector<16xi32>
    %mul3A_954 = arith.muli %mul3A_953, %iota3A : vector<16xi32>
    %swap3A_955 = arith.constant 48 : index
    %swap3A_956 = tpu.vector_load %arg14[%swap3A_955] {strides = array<i32>} : memref<128xi32, #tpu.memory_space<vmem>>, vector<16xi32>,
    tpu.vector_store %arg14[%swap3A_955], %mul3A_954 {strides = array<i32>} : memref<128xi32, #tpu.memory_space<vmem>>, vector<16xi32>,
    %mul3A_957 = arith.constant 0 : i32
    %mul3A_958 = vector.broadcast %mul3A_957 : i32 to vector<16xi32>
    %mul3A_959 = arith.muli %mul3A_958, %iota3A : vector<16xi32>
    %swap3A_960 = arith.constant 64 : index
    %swap3A_961 = tpu.vector_load %arg14[%swap3A_960] {strides = array<i32>} : memref<128xi32, #tpu.memory_space<vmem>>, vector<16xi32>,
    tpu.vector_store %arg14[%swap3A_960], %mul3A_959 {strides = array<i32>} : memref<128xi32, #tpu.memory_space<vmem>>, vector<16xi32>,
    %mul3A_962 = arith.constant 0 : i32
    %mul3A_963 = vector.broadcast %mul3A_962 : i32 to vector<16xi32>
    %mul3A_964 = arith.muli %mul3A_963, %iota3A : vector<16xi32>
    %swap3A_965 = arith.constant 80 : index
    %swap3A_966 = tpu.vector_load %arg14[%swap3A_965] {strides = array<i32>} : memref<128xi32, #tpu.memory_space<vmem>>, vector<16xi32>,
    tpu.vector_store %arg14[%swap3A_965], %mul3A_964 {strides = array<i32>} : memref<128xi32, #tpu.memory_space<vmem>>, vector<16xi32>,
    %mul3A_967 = arith.constant 0 : i32
    %mul3A_968 = vector.broadcast %mul3A_967 : i32 to vector<16xi32>
    %mul3A_969 = arith.muli %mul3A_968, %iota3A : vector<16xi32>
    %swap3A_970 = arith.constant 96 : index
    %swap3A_971 = tpu.vector_load %arg14[%swap3A_970] {strides = array<i32>} : memref<128xi32, #tpu.memory_space<vmem>>, vector<16xi32>,
    tpu.vector_store %arg14[%swap3A_970], %mul3A_969 {strides = array<i32>} : memref<128xi32, #tpu.memory_space<vmem>>, vector<16xi32>,
    %mul3A_972 = arith.constant 0 : i32
    %mul3A_973 = vector.broadcast %mul3A_972 : i32 to vector<16xi32>
    %mul3A_974 = arith.muli %mul3A_973, %iota3A : vector<16xi32>
    %swap3A_975 = arith.constant 112 : index
    %swap3A_976 = tpu.vector_load %arg14[%swap3A_975] {strides = array<i32>} : memref<128xi32, #tpu.memory_space<vmem>>, vector<16xi32>,
    tpu.vector_store %arg14[%swap3A_975], %mul3A_974 {strides = array<i32>} : memref<128xi32, #tpu.memory_space<vmem>>, vector<16xi32>,
    %run_scoped3A_977 = arith.constant 0 : i32
    "tpu.region"() ({
      %run_scoped3A_1315 = tpu.sem_alloc : memref<!tpu.dma_semaphore, #tpu.memory_space<semaphore_mem>>
      %dma_start3A = arith.constant 0 : i32
      %dma_start3A_1316 = tpu.memref_slice %arg6[%run_scoped3A_977, %dma_start3A] : memref<8x128xi32, #tpu.memory_space<vmem>> -> memref<1x128xi32, #tpu.memory_space<vmem>>
      %dma_start3A_1317 = tpu.memref_squeeze %dma_start3A_1316 : memref<1x128xi32, #tpu.memory_space<vmem>> -> memref<128xi32, #tpu.memory_space<vmem>>
      %dma_start3A_1318 = arith.constant 0 : i32
      %dma_start3A_1319 = tpu.memref_slice %arg5[%dma_start3A_1318] : memref<1000064xi32, #tpu.memory_space<vmem_shared>> -> memref<1000064xi32, #tpu.memory_space<vmem_shared>>
      tpu.enqueue_indirect_dma source(%arg14 : memref<128xi32, #tpu.memory_space<vmem>>) target(%dma_start3A_1319 : memref<1000064xi32, #tpu.memory_space<vmem_shared>>) offsets(%dma_start3A_1317 : memref<128xi32, #tpu.memory_space<vmem>>) semaphore(%run_scoped3A_1315 : memref<!tpu.dma_semaphore, #tpu.memory_space<semaphore_mem>>)
      %dma_wait3A = arith.constant 0 : i32
      %dma_wait3A_1320 = tpu.memref_slice %arg6[%run_scoped3A_977, %dma_wait3A] : memref<8x128xi32, #tpu.memory_space<vmem>> -> memref<1x128xi32, #tpu.memory_space<vmem>>
      %dma_wait3A_1321 = tpu.memref_squeeze %dma_wait3A_1320 : memref<1x128xi32, #tpu.memory_space<vmem>> -> memref<128xi32, #tpu.memory_space<vmem>>
      %dma_wait3A_1322 = arith.constant 0 : i32
      %dma_wait3A_1323 = tpu.memref_slice %arg5[%dma_wait3A_1322] : memref<1000064xi32, #tpu.memory_space<vmem_shared>> -> memref<1000064xi32, #tpu.memory_space<vmem_shared>>
      tpu.wait_indirect_dma semaphore(%run_scoped3A_1315 : memref<!tpu.dma_semaphore, #tpu.memory_space<semaphore_mem>>) src(%arg14 : memref<128xi32, #tpu.memory_space<vmem>>) dst(%dma_wait3A_1323 : memref<1000064xi32, #tpu.memory_space<vmem_shared>>)
      tpu.yield
    }) : () -> ()
    %run_scoped3A_978 = arith.constant 1 : i32
    "tpu.region"() ({
      %run_scoped3A_1315 = tpu.sem_alloc : memref<!tpu.dma_semaphore, #tpu.memory_space<semaphore_mem>>
      %dma_start3A = arith.constant 0 : i32
      %dma_start3A_1316 = tpu.memref_slice %arg6[%run_scoped3A_978, %dma_start3A] : memref<8x128xi32, #tpu.memory_space<vmem>> -> memref<1x128xi32, #tpu.memory_space<vmem>>
      %dma_start3A_1317 = tpu.memref_squeeze %dma_start3A_1316 : memref<1x128xi32, #tpu.memory_space<vmem>> -> memref<128xi32, #tpu.memory_space<vmem>>
      %dma_start3A_1318 = arith.constant 0 : i32
      %dma_start3A_1319 = tpu.memref_slice %arg5[%dma_start3A_1318] : memref<1000064xi32, #tpu.memory_space<vmem_shared>> -> memref<1000064xi32, #tpu.memory_space<vmem_shared>>
      tpu.enqueue_indirect_dma source(%arg14 : memref<128xi32, #tpu.memory_space<vmem>>) target(%dma_start3A_1319 : memref<1000064xi32, #tpu.memory_space<vmem_shared>>) offsets(%dma_start3A_1317 : memref<128xi32, #tpu.memory_space<vmem>>) semaphore(%run_scoped3A_1315 : memref<!tpu.dma_semaphore, #tpu.memory_space<semaphore_mem>>)
      %dma_wait3A = arith.constant 0 : i32
      %dma_wait3A_1320 = tpu.memref_slice %arg6[%run_scoped3A_978, %dma_wait3A] : memref<8x128xi32, #tpu.memory_space<vmem>> -> memref<1x128xi32, #tpu.memory_space<vmem>>
      %dma_wait3A_1321 = tpu.memref_squeeze %dma_wait3A_1320 : memref<1x128xi32, #tpu.memory_space<vmem>> -> memref<128xi32, #tpu.memory_space<vmem>>
      %dma_wait3A_1322 = arith.constant 0 : i32
      %dma_wait3A_1323 = tpu.memref_slice %arg5[%dma_wait3A_1322] : memref<1000064xi32, #tpu.memory_space<vmem_shared>> -> memref<1000064xi32, #tpu.memory_space<vmem_shared>>
      tpu.wait_indirect_dma semaphore(%run_scoped3A_1315 : memref<!tpu.dma_semaphore, #tpu.memory_space<semaphore_mem>>) src(%arg14 : memref<128xi32, #tpu.memory_space<vmem>>) dst(%dma_wait3A_1323 : memref<1000064xi32, #tpu.memory_space<vmem_shared>>)
      tpu.yield
    }) : () -> ()
    %run_scoped3A_979 = arith.constant 2 : i32
    "tpu.region"() ({
      %run_scoped3A_1315 = tpu.sem_alloc : memref<!tpu.dma_semaphore, #tpu.memory_space<semaphore_mem>>
      %dma_start3A = arith.constant 0 : i32
      %dma_start3A_1316 = tpu.memref_slice %arg6[%run_scoped3A_979, %dma_start3A] : memref<8x128xi32, #tpu.memory_space<vmem>> -> memref<1x128xi32, #tpu.memory_space<vmem>>
      %dma_start3A_1317 = tpu.memref_squeeze %dma_start3A_1316 : memref<1x128xi32, #tpu.memory_space<vmem>> -> memref<128xi32, #tpu.memory_space<vmem>>
      %dma_start3A_1318 = arith.constant 0 : i32
      %dma_start3A_1319 = tpu.memref_slice %arg5[%dma_start3A_1318] : memref<1000064xi32, #tpu.memory_space<vmem_shared>> -> memref<1000064xi32, #tpu.memory_space<vmem_shared>>
      tpu.enqueue_indirect_dma source(%arg14 : memref<128xi32, #tpu.memory_space<vmem>>) target(%dma_start3A_1319 : memref<1000064xi32, #tpu.memory_space<vmem_shared>>) offsets(%dma_start3A_1317 : memref<128xi32, #tpu.memory_space<vmem>>) semaphore(%run_scoped3A_1315 : memref<!tpu.dma_semaphore, #tpu.memory_space<semaphore_mem>>)
      %dma_wait3A = arith.constant 0 : i32
      %dma_wait3A_1320 = tpu.memref_slice %arg6[%run_scoped3A_979, %dma_wait3A] : memref<8x128xi32, #tpu.memory_space<vmem>> -> memref<1x128xi32, #tpu.memory_space<vmem>>
      %dma_wait3A_1321 = tpu.memref_squeeze %dma_wait3A_1320 : memref<1x128xi32, #tpu.memory_space<vmem>> -> memref<128xi32, #tpu.memory_space<vmem>>
      %dma_wait3A_1322 = arith.constant 0 : i32
      %dma_wait3A_1323 = tpu.memref_slice %arg5[%dma_wait3A_1322] : memref<1000064xi32, #tpu.memory_space<vmem_shared>> -> memref<1000064xi32, #tpu.memory_space<vmem_shared>>
      tpu.wait_indirect_dma semaphore(%run_scoped3A_1315 : memref<!tpu.dma_semaphore, #tpu.memory_space<semaphore_mem>>) src(%arg14 : memref<128xi32, #tpu.memory_space<vmem>>) dst(%dma_wait3A_1323 : memref<1000064xi32, #tpu.memory_space<vmem_shared>>)
      tpu.yield
    }) : () -> ()
    %run_scoped3A_980 = arith.constant 3 : i32
    "tpu.region"() ({
      %run_scoped3A_1315 = tpu.sem_alloc : memref<!tpu.dma_semaphore, #tpu.memory_space<semaphore_mem>>
      %dma_start3A = arith.constant 0 : i32
      %dma_start3A_1316 = tpu.memref_slice %arg6[%run_scoped3A_980, %dma_start3A] : memref<8x128xi32, #tpu.memory_space<vmem>> -> memref<1x128xi32, #tpu.memory_space<vmem>>
      %dma_start3A_1317 = tpu.memref_squeeze %dma_start3A_1316 : memref<1x128xi32, #tpu.memory_space<vmem>> -> memref<128xi32, #tpu.memory_space<vmem>>
      %dma_start3A_1318 = arith.constant 0 : i32
      %dma_start3A_1319 = tpu.memref_slice %arg5[%dma_start3A_1318] : memref<1000064xi32, #tpu.memory_space<vmem_shared>> -> memref<1000064xi32, #tpu.memory_space<vmem_shared>>
      tpu.enqueue_indirect_dma source(%arg14 : memref<128xi32, #tpu.memory_space<vmem>>) target(%dma_start3A_1319 : memref<1000064xi32, #tpu.memory_space<vmem_shared>>) offsets(%dma_start3A_1317 : memref<128xi32, #tpu.memory_space<vmem>>) semaphore(%run_scoped3A_1315 : memref<!tpu.dma_semaphore, #tpu.memory_space<semaphore_mem>>)
      %dma_wait3A = arith.constant 0 : i32
      %dma_wait3A_1320 = tpu.memref_slice %arg6[%run_scoped3A_980, %dma_wait3A] : memref<8x128xi32, #tpu.memory_space<vmem>> -> memref<1x128xi32, #tpu.memory_space<vmem>>
      %dma_wait3A_1321 = tpu.memref_squeeze %dma_wait3A_1320 : memref<1x128xi32, #tpu.memory_space<vmem>> -> memref<128xi32, #tpu.memory_space<vmem>>
      %dma_wait3A_1322 = arith.constant 0 : i32
      %dma_wait3A_1323 = tpu.memref_slice %arg5[%dma_wait3A_1322] : memref<1000064xi32, #tpu.memory_space<vmem_shared>> -> memref<1000064xi32, #tpu.memory_space<vmem_shared>>
      tpu.wait_indirect_dma semaphore(%run_scoped3A_1315 : memref<!tpu.dma_semaphore, #tpu.memory_space<semaphore_mem>>) src(%arg14 : memref<128xi32, #tpu.memory_space<vmem>>) dst(%dma_wait3A_1323 : memref<1000064xi32, #tpu.memory_space<vmem_shared>>)
      tpu.yield
    }) : () -> ()
    %run_scoped3A_981 = arith.constant 4 : i32
    "tpu.region"() ({
      %run_scoped3A_1315 = tpu.sem_alloc : memref<!tpu.dma_semaphore, #tpu.memory_space<semaphore_mem>>
      %dma_start3A = arith.constant 0 : i32
      %dma_start3A_1316 = tpu.memref_slice %arg6[%run_scoped3A_981, %dma_start3A] : memref<8x128xi32, #tpu.memory_space<vmem>> -> memref<1x128xi32, #tpu.memory_space<vmem>>
      %dma_start3A_1317 = tpu.memref_squeeze %dma_start3A_1316 : memref<1x128xi32, #tpu.memory_space<vmem>> -> memref<128xi32, #tpu.memory_space<vmem>>
      %dma_start3A_1318 = arith.constant 0 : i32
      %dma_start3A_1319 = tpu.memref_slice %arg5[%dma_start3A_1318] : memref<1000064xi32, #tpu.memory_space<vmem_shared>> -> memref<1000064xi32, #tpu.memory_space<vmem_shared>>
      tpu.enqueue_indirect_dma source(%arg14 : memref<128xi32, #tpu.memory_space<vmem>>) target(%dma_start3A_1319 : memref<1000064xi32, #tpu.memory_space<vmem_shared>>) offsets(%dma_start3A_1317 : memref<128xi32, #tpu.memory_space<vmem>>) semaphore(%run_scoped3A_1315 : memref<!tpu.dma_semaphore, #tpu.memory_space<semaphore_mem>>)
      %dma_wait3A = arith.constant 0 : i32
      %dma_wait3A_1320 = tpu.memref_slice %arg6[%run_scoped3A_981, %dma_wait3A] : memref<8x128xi32, #tpu.memory_space<vmem>> -> memref<1x128xi32, #tpu.memory_space<vmem>>
      %dma_wait3A_1321 = tpu.memref_squeeze %dma_wait3A_1320 : memref<1x128xi32, #tpu.memory_space<vmem>> -> memref<128xi32, #tpu.memory_space<vmem>>
      %dma_wait3A_1322 = arith.constant 0 : i32
      %dma_wait3A_1323 = tpu.memref_slice %arg5[%dma_wait3A_1322] : memref<1000064xi32, #tpu.memory_space<vmem_shared>> -> memref<1000064xi32, #tpu.memory_space<vmem_shared>>
      tpu.wait_indirect_dma semaphore(%run_scoped3A_1315 : memref<!tpu.dma_semaphore, #tpu.memory_space<semaphore_mem>>) src(%arg14 : memref<128xi32, #tpu.memory_space<vmem>>) dst(%dma_wait3A_1323 : memref<1000064xi32, #tpu.memory_space<vmem_shared>>)
      tpu.yield
    }) : () -> ()
    %run_scoped3A_982 = arith.constant 5 : i32
    "tpu.region"() ({
      %run_scoped3A_1315 = tpu.sem_alloc : memref<!tpu.dma_semaphore, #tpu.memory_space<semaphore_mem>>
      %dma_start3A = arith.constant 0 : i32
      %dma_start3A_1316 = tpu.memref_slice %arg6[%run_scoped3A_982, %dma_start3A] : memref<8x128xi32, #tpu.memory_space<vmem>> -> memref<1x128xi32, #tpu.memory_space<vmem>>
      %dma_start3A_1317 = tpu.memref_squeeze %dma_start3A_1316 : memref<1x128xi32, #tpu.memory_space<vmem>> -> memref<128xi32, #tpu.memory_space<vmem>>
      %dma_start3A_1318 = arith.constant 0 : i32
      %dma_start3A_1319 = tpu.memref_slice %arg5[%dma_start3A_1318] : memref<1000064xi32, #tpu.memory_space<vmem_shared>> -> memref<1000064xi32, #tpu.memory_space<vmem_shared>>
      tpu.enqueue_indirect_dma source(%arg14 : memref<128xi32, #tpu.memory_space<vmem>>) target(%dma_start3A_1319 : memref<1000064xi32, #tpu.memory_space<vmem_shared>>) offsets(%dma_start3A_1317 : memref<128xi32, #tpu.memory_space<vmem>>) semaphore(%run_scoped3A_1315 : memref<!tpu.dma_semaphore, #tpu.memory_space<semaphore_mem>>)
      %dma_wait3A = arith.constant 0 : i32
      %dma_wait3A_1320 = tpu.memref_slice %arg6[%run_scoped3A_982, %dma_wait3A] : memref<8x128xi32, #tpu.memory_space<vmem>> -> memref<1x128xi32, #tpu.memory_space<vmem>>
      %dma_wait3A_1321 = tpu.memref_squeeze %dma_wait3A_1320 : memref<1x128xi32, #tpu.memory_space<vmem>> -> memref<128xi32, #tpu.memory_space<vmem>>
      %dma_wait3A_1322 = arith.constant 0 : i32
      %dma_wait3A_1323 = tpu.memref_slice %arg5[%dma_wait3A_1322] : memref<1000064xi32, #tpu.memory_space<vmem_shared>> -> memref<1000064xi32, #tpu.memory_space<vmem_shared>>
      tpu.wait_indirect_dma semaphore(%run_scoped3A_1315 : memref<!tpu.dma_semaphore, #tpu.memory_space<semaphore_mem>>) src(%arg14 : memref<128xi32, #tpu.memory_space<vmem>>) dst(%dma_wait3A_1323 : memref<1000064xi32, #tpu.memory_space<vmem_shared>>)
      tpu.yield
    }) : () -> ()
    %run_scoped3A_983 = arith.constant 6 : i32
    "tpu.region"() ({
      %run_scoped3A_1315 = tpu.sem_alloc : memref<!tpu.dma_semaphore, #tpu.memory_space<semaphore_mem>>
      %dma_start3A = arith.constant 0 : i32
      %dma_start3A_1316 = tpu.memref_slice %arg6[%run_scoped3A_983, %dma_start3A] : memref<8x128xi32, #tpu.memory_space<vmem>> -> memref<1x128xi32, #tpu.memory_space<vmem>>
      %dma_start3A_1317 = tpu.memref_squeeze %dma_start3A_1316 : memref<1x128xi32, #tpu.memory_space<vmem>> -> memref<128xi32, #tpu.memory_space<vmem>>
      %dma_start3A_1318 = arith.constant 0 : i32
      %dma_start3A_1319 = tpu.memref_slice %arg5[%dma_start3A_1318] : memref<1000064xi32, #tpu.memory_space<vmem_shared>> -> memref<1000064xi32, #tpu.memory_space<vmem_shared>>
      tpu.enqueue_indirect_dma source(%arg14 : memref<128xi32, #tpu.memory_space<vmem>>) target(%dma_start3A_1319 : memref<1000064xi32, #tpu.memory_space<vmem_shared>>) offsets(%dma_start3A_1317 : memref<128xi32, #tpu.memory_space<vmem>>) semaphore(%run_scoped3A_1315 : memref<!tpu.dma_semaphore, #tpu.memory_space<semaphore_mem>>)
      %dma_wait3A = arith.constant 0 : i32
      %dma_wait3A_1320 = tpu.memref_slice %arg6[%run_scoped3A_983, %dma_wait3A] : memref<8x128xi32, #tpu.memory_space<vmem>> -> memref<1x128xi32, #tpu.memory_space<vmem>>
      %dma_wait3A_1321 = tpu.memref_squeeze %dma_wait3A_1320 : memref<1x128xi32, #tpu.memory_space<vmem>> -> memref<128xi32, #tpu.memory_space<vmem>>
      %dma_wait3A_1322 = arith.constant 0 : i32
      %dma_wait3A_1323 = tpu.memref_slice %arg5[%dma_wait3A_1322] : memref<1000064xi32, #tpu.memory_space<vmem_shared>> -> memref<1000064xi32, #tpu.memory_space<vmem_shared>>
      tpu.wait_indirect_dma semaphore(%run_scoped3A_1315 : memref<!tpu.dma_semaphore, #tpu.memory_space<semaphore_mem>>) src(%arg14 : memref<128xi32, #tpu.memory_space<vmem>>) dst(%dma_wait3A_1323 : memref<1000064xi32, #tpu.memory_space<vmem_shared>>)
      tpu.yield
    }) : () -> ()
    %run_scoped3A_984 = arith.constant 7 : i32
    "tpu.region"() ({
      %run_scoped3A_1315 = tpu.sem_alloc : memref<!tpu.dma_semaphore, #tpu.memory_space<semaphore_mem>>
      %dma_start3A = arith.constant 0 : i32
      %dma_start3A_1316 = tpu.memref_slice %arg6[%run_scoped3A_984, %dma_start3A] : memref<8x128xi32, #tpu.memory_space<vmem>> -> memref<1x128xi32, #tpu.memory_space<vmem>>
      %dma_start3A_1317 = tpu.memref_squeeze %dma_start3A_1316 : memref<1x128xi32, #tpu.memory_space<vmem>> -> memref<128xi32, #tpu.memory_space<vmem>>
      %dma_start3A_1318 = arith.constant 0 : i32
      %dma_start3A_1319 = tpu.memref_slice %arg5[%dma_start3A_1318] : memref<1000064xi32, #tpu.memory_space<vmem_shared>> -> memref<1000064xi32, #tpu.memory_space<vmem_shared>>
      tpu.enqueue_indirect_dma source(%arg14 : memref<128xi32, #tpu.memory_space<vmem>>) target(%dma_start3A_1319 : memref<1000064xi32, #tpu.memory_space<vmem_shared>>) offsets(%dma_start3A_1317 : memref<128xi32, #tpu.memory_space<vmem>>) semaphore(%run_scoped3A_1315 : memref<!tpu.dma_semaphore, #tpu.memory_space<semaphore_mem>>)
      %dma_wait3A = arith.constant 0 : i32
      %dma_wait3A_1320 = tpu.memref_slice %arg6[%run_scoped3A_984, %dma_wait3A] : memref<8x128xi32, #tpu.memory_space<vmem>> -> memref<1x128xi32, #tpu.memory_space<vmem>>
      %dma_wait3A_1321 = tpu.memref_squeeze %dma_wait3A_1320 : memref<1x128xi32, #tpu.memory_space<vmem>> -> memref<128xi32, #tpu.memory_space<vmem>>
      %dma_wait3A_1322 = arith.constant 0 : i32
      %dma_wait3A_1323 = tpu.memref_slice %arg5[%dma_wait3A_1322] : memref<1000064xi32, #tpu.memory_space<vmem_shared>> -> memref<1000064xi32, #tpu.memory_space<vmem_shared>>
      tpu.wait_indirect_dma semaphore(%run_scoped3A_1315 : memref<!tpu.dma_semaphore, #tpu.memory_space<semaphore_mem>>) src(%arg14 : memref<128xi32, #tpu.memory_space<vmem>>) dst(%dma_wait3A_1323 : memref<1000064xi32, #tpu.memory_space<vmem_shared>>)
      tpu.yield
    }) : () -> ()
    "tpu.region"() ({
      %run_scoped3A_1315 = tpu.sem_alloc : memref<!tpu.dma_semaphore, #tpu.memory_space<semaphore_mem>>
      %dma_start3A = arith.constant 0 : i32
      %dma_start3A_1316 = tpu.memref_slice %arg5[%dma_start3A] : memref<1000064xi32, #tpu.memory_space<vmem_shared>> -> memref<1000064xi32, #tpu.memory_space<vmem_shared>>
      tpu.enqueue_indirect_dma source(%arg14 : memref<128xi32, #tpu.memory_space<vmem>>) target(%dma_start3A_1316 : memref<1000064xi32, #tpu.memory_space<vmem_shared>>) offsets(%arg9 : memref<128xi32, #tpu.memory_space<vmem>>) semaphore(%run_scoped3A_1315 : memref<!tpu.dma_semaphore, #tpu.memory_space<semaphore_mem>>)
      %dma_wait3A = arith.constant 0 : i32
      %dma_wait3A_1317 = tpu.memref_slice %arg5[%dma_wait3A] : memref<1000064xi32, #tpu.memory_space<vmem_shared>> -> memref<1000064xi32, #tpu.memory_space<vmem_shared>>
      tpu.wait_indirect_dma semaphore(%run_scoped3A_1315 : memref<!tpu.dma_semaphore, #tpu.memory_space<semaphore_mem>>) src(%arg14 : memref<128xi32, #tpu.memory_space<vmem>>) dst(%dma_wait3A_1317 : memref<1000064xi32, #tpu.memory_space<vmem_shared>>)
      tpu.yield
    }) : () -> ()
    %barrier3A = arith.constant 0 : index
    tpu.barrier barrier_id(%barrier3A)
    %run_scoped3A_985 = arith.constant 0 : i32
    %run_scoped3A_986 = arith.constant 0 : i32
    "tpu.region"() ({
      %run_scoped3A_1315 = tpu.sem_alloc : memref<!tpu.dma_semaphore, #tpu.memory_space<semaphore_mem>>
      %dma_start3A = arith.constant 0 : i32
      %dma_start3A_1316 = tpu.memref_slice %arg7[%run_scoped3A_985, %dma_start3A] : memref<8x128xi32, #tpu.memory_space<vmem>> -> memref<1x128xi32, #tpu.memory_space<vmem>>
      %dma_start3A_1317 = tpu.memref_squeeze %dma_start3A_1316 : memref<1x128xi32, #tpu.memory_space<vmem>> -> memref<128xi32, #tpu.memory_space<vmem>>
      %dma_start3A_1318 = arith.constant 0 : i32
      %dma_start3A_1319 = tpu.memref_slice %arg6[%run_scoped3A_986, %dma_start3A_1318] : memref<8x128xi32, #tpu.memory_space<vmem>> -> memref<1x128xi32, #tpu.memory_space<vmem>>
      %dma_start3A_1320 = tpu.memref_squeeze %dma_start3A_1319 : memref<1x128xi32, #tpu.memory_space<vmem>> -> memref<128xi32, #tpu.memory_space<vmem>>
      %dma_start3A_1321 = arith.constant 0 : i32
      %dma_start3A_1322 = tpu.memref_slice %arg5[%dma_start3A_1321] : memref<1000064xi32, #tpu.memory_space<vmem_shared>> -> memref<1000064xi32, #tpu.memory_space<vmem_shared>>
      tpu.enqueue_indirect_dma source(%dma_start3A_1317 : memref<128xi32, #tpu.memory_space<vmem>>) target(%dma_start3A_1322 : memref<1000064xi32, #tpu.memory_space<vmem_shared>>) offsets(%dma_start3A_1320 : memref<128xi32, #tpu.memory_space<vmem>>) semaphore(%run_scoped3A_1315 : memref<!tpu.dma_semaphore, #tpu.memory_space<semaphore_mem>>) {add = true}
      %dma_wait3A = arith.constant 0 : i32
      %dma_wait3A_1323 = tpu.memref_slice %arg7[%run_scoped3A_985, %dma_wait3A] : memref<8x128xi32, #tpu.memory_space<vmem>> -> memref<1x128xi32, #tpu.memory_space<vmem>>
      %dma_wait3A_1324 = tpu.memref_squeeze %dma_wait3A_1323 : memref<1x128xi32, #tpu.memory_space<vmem>> -> memref<128xi32, #tpu.memory_space<vmem>>
      %dma_wait3A_1325 = arith.constant 0 : i32
      %dma_wait3A_1326 = tpu.memref_slice %arg6[%run_scoped3A_986, %dma_wait3A_1325] : memref<8x128xi32, #tpu.memory_space<vmem>> -> memref<1x128xi32, #tpu.memory_space<vmem>>
      %dma_wait3A_1327 = tpu.memref_squeeze %dma_wait3A_1326 : memref<1x128xi32, #tpu.memory_space<vmem>> -> memref<128xi32, #tpu.memory_space<vmem>>
      %dma_wait3A_1328 = arith.constant 0 : i32
      %dma_wait3A_1329 = tpu.memref_slice %arg5[%dma_wait3A_1328] : memref<1000064xi32, #tpu.memory_space<vmem_shared>> -> memref<1000064xi32, #tpu.memory_space<vmem_shared>>
      tpu.wait_indirect_dma semaphore(%run_scoped3A_1315 : memref<!tpu.dma_semaphore, #tpu.memory_space<semaphore_mem>>) src(%dma_wait3A_1324 : memref<128xi32, #tpu.memory_space<vmem>>) dst(%dma_wait3A_1329 : memref<1000064xi32, #tpu.memory_space<vmem_shared>>)
      tpu.yield
    }) : () -> ()
    %run_scoped3A_987 = arith.constant 1 : i32
    %run_scoped3A_988 = arith.constant 1 : i32
    "tpu.region"() ({
      %run_scoped3A_1315 = tpu.sem_alloc : memref<!tpu.dma_semaphore, #tpu.memory_space<semaphore_mem>>
      %dma_start3A = arith.constant 0 : i32
      %dma_start3A_1316 = tpu.memref_slice %arg7[%run_scoped3A_987, %dma_start3A] : memref<8x128xi32, #tpu.memory_space<vmem>> -> memref<1x128xi32, #tpu.memory_space<vmem>>
      %dma_start3A_1317 = tpu.memref_squeeze %dma_start3A_1316 : memref<1x128xi32, #tpu.memory_space<vmem>> -> memref<128xi32, #tpu.memory_space<vmem>>
      %dma_start3A_1318 = arith.constant 0 : i32
      %dma_start3A_1319 = tpu.memref_slice %arg6[%run_scoped3A_988, %dma_start3A_1318] : memref<8x128xi32, #tpu.memory_space<vmem>> -> memref<1x128xi32, #tpu.memory_space<vmem>>
      %dma_start3A_1320 = tpu.memref_squeeze %dma_start3A_1319 : memref<1x128xi32, #tpu.memory_space<vmem>> -> memref<128xi32, #tpu.memory_space<vmem>>
      %dma_start3A_1321 = arith.constant 0 : i32
      %dma_start3A_1322 = tpu.memref_slice %arg5[%dma_start3A_1321] : memref<1000064xi32, #tpu.memory_space<vmem_shared>> -> memref<1000064xi32, #tpu.memory_space<vmem_shared>>
      tpu.enqueue_indirect_dma source(%dma_start3A_1317 : memref<128xi32, #tpu.memory_space<vmem>>) target(%dma_start3A_1322 : memref<1000064xi32, #tpu.memory_space<vmem_shared>>) offsets(%dma_start3A_1320 : memref<128xi32, #tpu.memory_space<vmem>>) semaphore(%run_scoped3A_1315 : memref<!tpu.dma_semaphore, #tpu.memory_space<semaphore_mem>>) {add = true}
      %dma_wait3A = arith.constant 0 : i32
      %dma_wait3A_1323 = tpu.memref_slice %arg7[%run_scoped3A_987, %dma_wait3A] : memref<8x128xi32, #tpu.memory_space<vmem>> -> memref<1x128xi32, #tpu.memory_space<vmem>>
      %dma_wait3A_1324 = tpu.memref_squeeze %dma_wait3A_1323 : memref<1x128xi32, #tpu.memory_space<vmem>> -> memref<128xi32, #tpu.memory_space<vmem>>
      %dma_wait3A_1325 = arith.constant 0 : i32
      %dma_wait3A_1326 = tpu.memref_slice %arg6[%run_scoped3A_988, %dma_wait3A_1325] : memref<8x128xi32, #tpu.memory_space<vmem>> -> memref<1x128xi32, #tpu.memory_space<vmem>>
      %dma_wait3A_1327 = tpu.memref_squeeze %dma_wait3A_1326 : memref<1x128xi32, #tpu.memory_space<vmem>> -> memref<128xi32, #tpu.memory_space<vmem>>
      %dma_wait3A_1328 = arith.constant 0 : i32
      %dma_wait3A_1329 = tpu.memref_slice %arg5[%dma_wait3A_1328] : memref<1000064xi32, #tpu.memory_space<vmem_shared>> -> memref<1000064xi32, #tpu.memory_space<vmem_shared>>
      tpu.wait_indirect_dma semaphore(%run_scoped3A_1315 : memref<!tpu.dma_semaphore, #tpu.memory_space<semaphore_mem>>) src(%dma_wait3A_1324 : memref<128xi32, #tpu.memory_space<vmem>>) dst(%dma_wait3A_1329 : memref<1000064xi32, #tpu.memory_space<vmem_shared>>)
      tpu.yield
    }) : () -> ()
    %run_scoped3A_989 = arith.constant 2 : i32
    %run_scoped3A_990 = arith.constant 2 : i32
    "tpu.region"() ({
      %run_scoped3A_1315 = tpu.sem_alloc : memref<!tpu.dma_semaphore, #tpu.memory_space<semaphore_mem>>
      %dma_start3A = arith.constant 0 : i32
      %dma_start3A_1316 = tpu.memref_slice %arg7[%run_scoped3A_989, %dma_start3A] : memref<8x128xi32, #tpu.memory_space<vmem>> -> memref<1x128xi32, #tpu.memory_space<vmem>>
      %dma_start3A_1317 = tpu.memref_squeeze %dma_start3A_1316 : memref<1x128xi32, #tpu.memory_space<vmem>> -> memref<128xi32, #tpu.memory_space<vmem>>
      %dma_start3A_1318 = arith.constant 0 : i32
      %dma_start3A_1319 = tpu.memref_slice %arg6[%run_scoped3A_990, %dma_start3A_1318] : memref<8x128xi32, #tpu.memory_space<vmem>> -> memref<1x128xi32, #tpu.memory_space<vmem>>
      %dma_start3A_1320 = tpu.memref_squeeze %dma_start3A_1319 : memref<1x128xi32, #tpu.memory_space<vmem>> -> memref<128xi32, #tpu.memory_space<vmem>>
      %dma_start3A_1321 = arith.constant 0 : i32
      %dma_start3A_1322 = tpu.memref_slice %arg5[%dma_start3A_1321] : memref<1000064xi32, #tpu.memory_space<vmem_shared>> -> memref<1000064xi32, #tpu.memory_space<vmem_shared>>
      tpu.enqueue_indirect_dma source(%dma_start3A_1317 : memref<128xi32, #tpu.memory_space<vmem>>) target(%dma_start3A_1322 : memref<1000064xi32, #tpu.memory_space<vmem_shared>>) offsets(%dma_start3A_1320 : memref<128xi32, #tpu.memory_space<vmem>>) semaphore(%run_scoped3A_1315 : memref<!tpu.dma_semaphore, #tpu.memory_space<semaphore_mem>>) {add = true}
      %dma_wait3A = arith.constant 0 : i32
      %dma_wait3A_1323 = tpu.memref_slice %arg7[%run_scoped3A_989, %dma_wait3A] : memref<8x128xi32, #tpu.memory_space<vmem>> -> memref<1x128xi32, #tpu.memory_space<vmem>>
      %dma_wait3A_1324 = tpu.memref_squeeze %dma_wait3A_1323 : memref<1x128xi32, #tpu.memory_space<vmem>> -> memref<128xi32, #tpu.memory_space<vmem>>
      %dma_wait3A_1325 = arith.constant 0 : i32
      %dma_wait3A_1326 = tpu.memref_slice %arg6[%run_scoped3A_990, %dma_wait3A_1325] : memref<8x128xi32, #tpu.memory_space<vmem>> -> memref<1x128xi32, #tpu.memory_space<vmem>>
      %dma_wait3A_1327 = tpu.memref_squeeze %dma_wait3A_1326 : memref<1x128xi32, #tpu.memory_space<vmem>> -> memref<128xi32, #tpu.memory_space<vmem>>
      %dma_wait3A_1328 = arith.constant 0 : i32
      %dma_wait3A_1329 = tpu.memref_slice %arg5[%dma_wait3A_1328] : memref<1000064xi32, #tpu.memory_space<vmem_shared>> -> memref<1000064xi32, #tpu.memory_space<vmem_shared>>
      tpu.wait_indirect_dma semaphore(%run_scoped3A_1315 : memref<!tpu.dma_semaphore, #tpu.memory_space<semaphore_mem>>) src(%dma_wait3A_1324 : memref<128xi32, #tpu.memory_space<vmem>>) dst(%dma_wait3A_1329 : memref<1000064xi32, #tpu.memory_space<vmem_shared>>)
      tpu.yield
    }) : () -> ()
    %run_scoped3A_991 = arith.constant 3 : i32
    %run_scoped3A_992 = arith.constant 3 : i32
    "tpu.region"() ({
      %run_scoped3A_1315 = tpu.sem_alloc : memref<!tpu.dma_semaphore, #tpu.memory_space<semaphore_mem>>
      %dma_start3A = arith.constant 0 : i32
      %dma_start3A_1316 = tpu.memref_slice %arg7[%run_scoped3A_991, %dma_start3A] : memref<8x128xi32, #tpu.memory_space<vmem>> -> memref<1x128xi32, #tpu.memory_space<vmem>>
      %dma_start3A_1317 = tpu.memref_squeeze %dma_start3A_1316 : memref<1x128xi32, #tpu.memory_space<vmem>> -> memref<128xi32, #tpu.memory_space<vmem>>
      %dma_start3A_1318 = arith.constant 0 : i32
      %dma_start3A_1319 = tpu.memref_slice %arg6[%run_scoped3A_992, %dma_start3A_1318] : memref<8x128xi32, #tpu.memory_space<vmem>> -> memref<1x128xi32, #tpu.memory_space<vmem>>
      %dma_start3A_1320 = tpu.memref_squeeze %dma_start3A_1319 : memref<1x128xi32, #tpu.memory_space<vmem>> -> memref<128xi32, #tpu.memory_space<vmem>>
      %dma_start3A_1321 = arith.constant 0 : i32
      %dma_start3A_1322 = tpu.memref_slice %arg5[%dma_start3A_1321] : memref<1000064xi32, #tpu.memory_space<vmem_shared>> -> memref<1000064xi32, #tpu.memory_space<vmem_shared>>
      tpu.enqueue_indirect_dma source(%dma_start3A_1317 : memref<128xi32, #tpu.memory_space<vmem>>) target(%dma_start3A_1322 : memref<1000064xi32, #tpu.memory_space<vmem_shared>>) offsets(%dma_start3A_1320 : memref<128xi32, #tpu.memory_space<vmem>>) semaphore(%run_scoped3A_1315 : memref<!tpu.dma_semaphore, #tpu.memory_space<semaphore_mem>>) {add = true}
      %dma_wait3A = arith.constant 0 : i32
      %dma_wait3A_1323 = tpu.memref_slice %arg7[%run_scoped3A_991, %dma_wait3A] : memref<8x128xi32, #tpu.memory_space<vmem>> -> memref<1x128xi32, #tpu.memory_space<vmem>>
      %dma_wait3A_1324 = tpu.memref_squeeze %dma_wait3A_1323 : memref<1x128xi32, #tpu.memory_space<vmem>> -> memref<128xi32, #tpu.memory_space<vmem>>
      %dma_wait3A_1325 = arith.constant 0 : i32
      %dma_wait3A_1326 = tpu.memref_slice %arg6[%run_scoped3A_992, %dma_wait3A_1325] : memref<8x128xi32, #tpu.memory_space<vmem>> -> memref<1x128xi32, #tpu.memory_space<vmem>>
      %dma_wait3A_1327 = tpu.memref_squeeze %dma_wait3A_1326 : memref<1x128xi32, #tpu.memory_space<vmem>> -> memref<128xi32, #tpu.memory_space<vmem>>
      %dma_wait3A_1328 = arith.constant 0 : i32
      %dma_wait3A_1329 = tpu.memref_slice %arg5[%dma_wait3A_1328] : memref<1000064xi32, #tpu.memory_space<vmem_shared>> -> memref<1000064xi32, #tpu.memory_space<vmem_shared>>
      tpu.wait_indirect_dma semaphore(%run_scoped3A_1315 : memref<!tpu.dma_semaphore, #tpu.memory_space<semaphore_mem>>) src(%dma_wait3A_1324 : memref<128xi32, #tpu.memory_space<vmem>>) dst(%dma_wait3A_1329 : memref<1000064xi32, #tpu.memory_space<vmem_shared>>)
      tpu.yield
    }) : () -> ()
    %run_scoped3A_993 = arith.constant 4 : i32
    %run_scoped3A_994 = arith.constant 4 : i32
    "tpu.region"() ({
      %run_scoped3A_1315 = tpu.sem_alloc : memref<!tpu.dma_semaphore, #tpu.memory_space<semaphore_mem>>
      %dma_start3A = arith.constant 0 : i32
      %dma_start3A_1316 = tpu.memref_slice %arg7[%run_scoped3A_993, %dma_start3A] : memref<8x128xi32, #tpu.memory_space<vmem>> -> memref<1x128xi32, #tpu.memory_space<vmem>>
      %dma_start3A_1317 = tpu.memref_squeeze %dma_start3A_1316 : memref<1x128xi32, #tpu.memory_space<vmem>> -> memref<128xi32, #tpu.memory_space<vmem>>
      %dma_start3A_1318 = arith.constant 0 : i32
      %dma_start3A_1319 = tpu.memref_slice %arg6[%run_scoped3A_994, %dma_start3A_1318] : memref<8x128xi32, #tpu.memory_space<vmem>> -> memref<1x128xi32, #tpu.memory_space<vmem>>
      %dma_start3A_1320 = tpu.memref_squeeze %dma_start3A_1319 : memref<1x128xi32, #tpu.memory_space<vmem>> -> memref<128xi32, #tpu.memory_space<vmem>>
      %dma_start3A_1321 = arith.constant 0 : i32
      %dma_start3A_1322 = tpu.memref_slice %arg5[%dma_start3A_1321] : memref<1000064xi32, #tpu.memory_space<vmem_shared>> -> memref<1000064xi32, #tpu.memory_space<vmem_shared>>
      tpu.enqueue_indirect_dma source(%dma_start3A_1317 : memref<128xi32, #tpu.memory_space<vmem>>) target(%dma_start3A_1322 : memref<1000064xi32, #tpu.memory_space<vmem_shared>>) offsets(%dma_start3A_1320 : memref<128xi32, #tpu.memory_space<vmem>>) semaphore(%run_scoped3A_1315 : memref<!tpu.dma_semaphore, #tpu.memory_space<semaphore_mem>>) {add = true}
      %dma_wait3A = arith.constant 0 : i32
      %dma_wait3A_1323 = tpu.memref_slice %arg7[%run_scoped3A_993, %dma_wait3A] : memref<8x128xi32, #tpu.memory_space<vmem>> -> memref<1x128xi32, #tpu.memory_space<vmem>>
      %dma_wait3A_1324 = tpu.memref_squeeze %dma_wait3A_1323 : memref<1x128xi32, #tpu.memory_space<vmem>> -> memref<128xi32, #tpu.memory_space<vmem>>
      %dma_wait3A_1325 = arith.constant 0 : i32
      %dma_wait3A_1326 = tpu.memref_slice %arg6[%run_scoped3A_994, %dma_wait3A_1325] : memref<8x128xi32, #tpu.memory_space<vmem>> -> memref<1x128xi32, #tpu.memory_space<vmem>>
      %dma_wait3A_1327 = tpu.memref_squeeze %dma_wait3A_1326 : memref<1x128xi32, #tpu.memory_space<vmem>> -> memref<128xi32, #tpu.memory_space<vmem>>
      %dma_wait3A_1328 = arith.constant 0 : i32
      %dma_wait3A_1329 = tpu.memref_slice %arg5[%dma_wait3A_1328] : memref<1000064xi32, #tpu.memory_space<vmem_shared>> -> memref<1000064xi32, #tpu.memory_space<vmem_shared>>
      tpu.wait_indirect_dma semaphore(%run_scoped3A_1315 : memref<!tpu.dma_semaphore, #tpu.memory_space<semaphore_mem>>) src(%dma_wait3A_1324 : memref<128xi32, #tpu.memory_space<vmem>>) dst(%dma_wait3A_1329 : memref<1000064xi32, #tpu.memory_space<vmem_shared>>)
      tpu.yield
    }) : () -> ()
    %run_scoped3A_995 = arith.constant 5 : i32
    %run_scoped3A_996 = arith.constant 5 : i32
    "tpu.region"() ({
      %run_scoped3A_1315 = tpu.sem_alloc : memref<!tpu.dma_semaphore, #tpu.memory_space<semaphore_mem>>
      %dma_start3A = arith.constant 0 : i32
      %dma_start3A_1316 = tpu.memref_slice %arg7[%run_scoped3A_995, %dma_start3A] : memref<8x128xi32, #tpu.memory_space<vmem>> -> memref<1x128xi32, #tpu.memory_space<vmem>>
      %dma_start3A_1317 = tpu.memref_squeeze %dma_start3A_1316 : memref<1x128xi32, #tpu.memory_space<vmem>> -> memref<128xi32, #tpu.memory_space<vmem>>
      %dma_start3A_1318 = arith.constant 0 : i32
      %dma_start3A_1319 = tpu.memref_slice %arg6[%run_scoped3A_996, %dma_start3A_1318] : memref<8x128xi32, #tpu.memory_space<vmem>> -> memref<1x128xi32, #tpu.memory_space<vmem>>
      %dma_start3A_1320 = tpu.memref_squeeze %dma_start3A_1319 : memref<1x128xi32, #tpu.memory_space<vmem>> -> memref<128xi32, #tpu.memory_space<vmem>>
      %dma_start3A_1321 = arith.constant 0 : i32
      %dma_start3A_1322 = tpu.memref_slice %arg5[%dma_start3A_1321] : memref<1000064xi32, #tpu.memory_space<vmem_shared>> -> memref<1000064xi32, #tpu.memory_space<vmem_shared>>
      tpu.enqueue_indirect_dma source(%dma_start3A_1317 : memref<128xi32, #tpu.memory_space<vmem>>) target(%dma_start3A_1322 : memref<1000064xi32, #tpu.memory_space<vmem_shared>>) offsets(%dma_start3A_1320 : memref<128xi32, #tpu.memory_space<vmem>>) semaphore(%run_scoped3A_1315 : memref<!tpu.dma_semaphore, #tpu.memory_space<semaphore_mem>>) {add = true}
      %dma_wait3A = arith.constant 0 : i32
      %dma_wait3A_1323 = tpu.memref_slice %arg7[%run_scoped3A_995, %dma_wait3A] : memref<8x128xi32, #tpu.memory_space<vmem>> -> memref<1x128xi32, #tpu.memory_space<vmem>>
      %dma_wait3A_1324 = tpu.memref_squeeze %dma_wait3A_1323 : memref<1x128xi32, #tpu.memory_space<vmem>> -> memref<128xi32, #tpu.memory_space<vmem>>
      %dma_wait3A_1325 = arith.constant 0 : i32
      %dma_wait3A_1326 = tpu.memref_slice %arg6[%run_scoped3A_996, %dma_wait3A_1325] : memref<8x128xi32, #tpu.memory_space<vmem>> -> memref<1x128xi32, #tpu.memory_space<vmem>>
      %dma_wait3A_1327 = tpu.memref_squeeze %dma_wait3A_1326 : memref<1x128xi32, #tpu.memory_space<vmem>> -> memref<128xi32, #tpu.memory_space<vmem>>
      %dma_wait3A_1328 = arith.constant 0 : i32
      %dma_wait3A_1329 = tpu.memref_slice %arg5[%dma_wait3A_1328] : memref<1000064xi32, #tpu.memory_space<vmem_shared>> -> memref<1000064xi32, #tpu.memory_space<vmem_shared>>
      tpu.wait_indirect_dma semaphore(%run_scoped3A_1315 : memref<!tpu.dma_semaphore, #tpu.memory_space<semaphore_mem>>) src(%dma_wait3A_1324 : memref<128xi32, #tpu.memory_space<vmem>>) dst(%dma_wait3A_1329 : memref<1000064xi32, #tpu.memory_space<vmem_shared>>)
      tpu.yield
    }) : () -> ()
    %run_scoped3A_997 = arith.constant 6 : i32
    %run_scoped3A_998 = arith.constant 6 : i32
    "tpu.region"() ({
      %run_scoped3A_1315 = tpu.sem_alloc : memref<!tpu.dma_semaphore, #tpu.memory_space<semaphore_mem>>
      %dma_start3A = arith.constant 0 : i32
      %dma_start3A_1316 = tpu.memref_slice %arg7[%run_scoped3A_997, %dma_start3A] : memref<8x128xi32, #tpu.memory_space<vmem>> -> memref<1x128xi32, #tpu.memory_space<vmem>>
      %dma_start3A_1317 = tpu.memref_squeeze %dma_start3A_1316 : memref<1x128xi32, #tpu.memory_space<vmem>> -> memref<128xi32, #tpu.memory_space<vmem>>
      %dma_start3A_1318 = arith.constant 0 : i32
      %dma_start3A_1319 = tpu.memref_slice %arg6[%run_scoped3A_998, %dma_start3A_1318] : memref<8x128xi32, #tpu.memory_space<vmem>> -> memref<1x128xi32, #tpu.memory_space<vmem>>
      %dma_start3A_1320 = tpu.memref_squeeze %dma_start3A_1319 : memref<1x128xi32, #tpu.memory_space<vmem>> -> memref<128xi32, #tpu.memory_space<vmem>>
      %dma_start3A_1321 = arith.constant 0 : i32
      %dma_start3A_1322 = tpu.memref_slice %arg5[%dma_start3A_1321] : memref<1000064xi32, #tpu.memory_space<vmem_shared>> -> memref<1000064xi32, #tpu.memory_space<vmem_shared>>
      tpu.enqueue_indirect_dma source(%dma_start3A_1317 : memref<128xi32, #tpu.memory_space<vmem>>) target(%dma_start3A_1322 : memref<1000064xi32, #tpu.memory_space<vmem_shared>>) offsets(%dma_start3A_1320 : memref<128xi32, #tpu.memory_space<vmem>>) semaphore(%run_scoped3A_1315 : memref<!tpu.dma_semaphore, #tpu.memory_space<semaphore_mem>>) {add = true}
      %dma_wait3A = arith.constant 0 : i32
      %dma_wait3A_1323 = tpu.memref_slice %arg7[%run_scoped3A_997, %dma_wait3A] : memref<8x128xi32, #tpu.memory_space<vmem>> -> memref<1x128xi32, #tpu.memory_space<vmem>>
      %dma_wait3A_1324 = tpu.memref_squeeze %dma_wait3A_1323 : memref<1x128xi32, #tpu.memory_space<vmem>> -> memref<128xi32, #tpu.memory_space<vmem>>
      %dma_wait3A_1325 = arith.constant 0 : i32
      %dma_wait3A_1326 = tpu.memref_slice %arg6[%run_scoped3A_998, %dma_wait3A_1325] : memref<8x128xi32, #tpu.memory_space<vmem>> -> memref<1x128xi32, #tpu.memory_space<vmem>>
      %dma_wait3A_1327 = tpu.memref_squeeze %dma_wait3A_1326 : memref<1x128xi32, #tpu.memory_space<vmem>> -> memref<128xi32, #tpu.memory_space<vmem>>
      %dma_wait3A_1328 = arith.constant 0 : i32
      %dma_wait3A_1329 = tpu.memref_slice %arg5[%dma_wait3A_1328] : memref<1000064xi32, #tpu.memory_space<vmem_shared>> -> memref<1000064xi32, #tpu.memory_space<vmem_shared>>
      tpu.wait_indirect_dma semaphore(%run_scoped3A_1315 : memref<!tpu.dma_semaphore, #tpu.memory_space<semaphore_mem>>) src(%dma_wait3A_1324 : memref<128xi32, #tpu.memory_space<vmem>>) dst(%dma_wait3A_1329 : memref<1000064xi32, #tpu.memory_space<vmem_shared>>)
      tpu.yield
    }) : () -> ()
    %run_scoped3A_999 = arith.constant 7 : i32
    %run_scoped3A_1000 = arith.constant 7 : i32
    "tpu.region"() ({
      %run_scoped3A_1315 = tpu.sem_alloc : memref<!tpu.dma_semaphore, #tpu.memory_space<semaphore_mem>>
      %dma_start3A = arith.constant 0 : i32
      %dma_start3A_1316 = tpu.memref_slice %arg7[%run_scoped3A_999, %dma_start3A] : memref<8x128xi32, #tpu.memory_space<vmem>> -> memref<1x128xi32, #tpu.memory_space<vmem>>
      %dma_start3A_1317 = tpu.memref_squeeze %dma_start3A_1316 : memref<1x128xi32, #tpu.memory_space<vmem>> -> memref<128xi32, #tpu.memory_space<vmem>>
      %dma_start3A_1318 = arith.constant 0 : i32
      %dma_start3A_1319 = tpu.memref_slice %arg6[%run_scoped3A_1000, %dma_start3A_1318] : memref<8x128xi32, #tpu.memory_space<vmem>> -> memref<1x128xi32, #tpu.memory_space<vmem>>
      %dma_start3A_1320 = tpu.memref_squeeze %dma_start3A_1319 : memref<1x128xi32, #tpu.memory_space<vmem>> -> memref<128xi32, #tpu.memory_space<vmem>>
      %dma_start3A_1321 = arith.constant 0 : i32
      %dma_start3A_1322 = tpu.memref_slice %arg5[%dma_start3A_1321] : memref<1000064xi32, #tpu.memory_space<vmem_shared>> -> memref<1000064xi32, #tpu.memory_space<vmem_shared>>
      tpu.enqueue_indirect_dma source(%dma_start3A_1317 : memref<128xi32, #tpu.memory_space<vmem>>) target(%dma_start3A_1322 : memref<1000064xi32, #tpu.memory_space<vmem_shared>>) offsets(%dma_start3A_1320 : memref<128xi32, #tpu.memory_space<vmem>>) semaphore(%run_scoped3A_1315 : memref<!tpu.dma_semaphore, #tpu.memory_space<semaphore_mem>>) {add = true}
      %dma_wait3A = arith.constant 0 : i32
      %dma_wait3A_1323 = tpu.memref_slice %arg7[%run_scoped3A_999, %dma_wait3A] : memref<8x128xi32, #tpu.memory_space<vmem>> -> memref<1x128xi32, #tpu.memory_space<vmem>>
      %dma_wait3A_1324 = tpu.memref_squeeze %dma_wait3A_1323 : memref<1x128xi32, #tpu.memory_space<vmem>> -> memref<128xi32, #tpu.memory_space<vmem>>
      %dma_wait3A_1325 = arith.constant 0 : i32
      %dma_wait3A_1326 = tpu.memref_slice %arg6[%run_scoped3A_1000, %dma_wait3A_1325] : memref<8x128xi32, #tpu.memory_space<vmem>> -> memref<1x128xi32, #tpu.memory_space<vmem>>
      %dma_wait3A_1327 = tpu.memref_squeeze %dma_wait3A_1326 : memref<1x128xi32, #tpu.memory_space<vmem>> -> memref<128xi32, #tpu.memory_space<vmem>>
      %dma_wait3A_1328 = arith.constant 0 : i32
      %dma_wait3A_1329 = tpu.memref_slice %arg5[%dma_wait3A_1328] : memref<1000064xi32, #tpu.memory_space<vmem_shared>> -> memref<1000064xi32, #tpu.memory_space<vmem_shared>>
      tpu.wait_indirect_dma semaphore(%run_scoped3A_1315 : memref<!tpu.dma_semaphore, #tpu.memory_space<semaphore_mem>>) src(%dma_wait3A_1324 : memref<128xi32, #tpu.memory_space<vmem>>) dst(%dma_wait3A_1329 : memref<1000064xi32, #tpu.memory_space<vmem_shared>>)
      tpu.yield
    }) : () -> ()
    %barrier3A_1001 = arith.constant 0 : index
    tpu.barrier barrier_id(%barrier3A_1001)
    "tpu.region"() ({
      %run_scoped3A_1315 = tpu.sem_alloc : memref<!tpu.dma_semaphore, #tpu.memory_space<semaphore_mem>>
      %dma_start3A = arith.constant 0 : i32
      %dma_start3A_1316 = tpu.memref_slice %arg5[%dma_start3A] : memref<1000064xi32, #tpu.memory_space<vmem_shared>> -> memref<1000064xi32, #tpu.memory_space<vmem_shared>>
      tpu.enqueue_indirect_dma source(%dma_start3A_1316 : memref<1000064xi32, #tpu.memory_space<vmem_shared>>) target(%arg10 : memref<128xi32, #tpu.memory_space<vmem>>) offsets(%arg9 : memref<128xi32, #tpu.memory_space<vmem>>) semaphore(%run_scoped3A_1315 : memref<!tpu.dma_semaphore, #tpu.memory_space<semaphore_mem>>)
      %dma_wait3A = arith.constant 0 : i32
      %dma_wait3A_1317 = tpu.memref_slice %arg5[%dma_wait3A] : memref<1000064xi32, #tpu.memory_space<vmem_shared>> -> memref<1000064xi32, #tpu.memory_space<vmem_shared>>
      tpu.wait_indirect_dma semaphore(%run_scoped3A_1315 : memref<!tpu.dma_semaphore, #tpu.memory_space<semaphore_mem>>) src(%dma_wait3A_1317 : memref<1000064xi32, #tpu.memory_space<vmem_shared>>) dst(%arg10 : memref<128xi32, #tpu.memory_space<vmem>>)
      tpu.yield
    }) : () -> ()
    %get3A = arith.constant 0 : index
    %get3A_1002 = tpu.vector_load %arg10[%get3A] {strides = array<i32>} : memref<128xi32, #tpu.memory_space<vmem>>, vector<16xi32>,
    %shift_right_arithmetic3A = arith.constant 16 : i32
    %shift_right_arithmetic3A_1003 = vector.broadcast %shift_right_arithmetic3A : i32 to vector<16xi32>
    %shift_right_arithmetic3A_1004 = arith.shrsi %get3A_1002, %shift_right_arithmetic3A_1003 : vector<16xi32>
    %and3A = arith.constant 65535 : i32
    %and3A_1005 = vector.broadcast %and3A : i32 to vector<16xi32>
    %and3A_1006 = arith.andi %get3A_1002, %and3A_1005 : vector<16xi32>
    %get3A_1007 = arith.constant 0 : index
    %get3A_1008 = tpu.vector_load %arg9[%get3A_1007] {strides = array<i32>} : memref<128xi32, #tpu.memory_space<vmem>>, vector<16xi32>,
    %add3A_1009 = arith.constant 0 : i32
    %add3A_1010 = vector.broadcast %add3A_1009 : i32 to vector<16xi32>
    %add3A_1011 = arith.addi %iota3A, %add3A_1010 : vector<16xi32>
    %eq3A = arith.constant 1 : i32
    %eq3A_1012 = vector.broadcast %eq3A : i32 to vector<16xi32>
    %eq3A_1013 = arith.cmpi eq, %shift_right_arithmetic3A_1004, %eq3A_1012 : vector<16xi32>
    %add3A_1014 = arith.constant 1 : i32
    %add3A_1015 = vector.broadcast %add3A_1014 : i32 to vector<16xi32>
    %add3A_1016 = arith.addi %and3A_1006, %add3A_1015 : vector<16xi32>
    %jit3A = arith.constant 0 : i32
    %broadcast_in_dim3A = vector.broadcast %jit3A : i32 to vector<16xi32>
    %select_n3A = arith.select %eq3A_1013, %add3A_1016, %broadcast_in_dim3A : vector<16xi1>, vector<16xi32>
    %swap3A_1017 = arith.constant 0 : index
    %swap3A_1018 = tpu.vector_load %arg11[%swap3A_1017] {strides = array<i32>} : memref<128xi32, #tpu.memory_space<vmem>>, vector<16xi32>,
    tpu.vector_store %arg11[%swap3A_1017], %select_n3A {strides = array<i32>} : memref<128xi32, #tpu.memory_space<vmem>>, vector<16xi32>,
    %ge3A = arith.constant 2 : i32
    %ge3A_1019 = vector.broadcast %ge3A : i32 to vector<16xi32>
    %ge3A_1020 = arith.cmpi sge, %shift_right_arithmetic3A_1004, %ge3A_1019 : vector<16xi32>
    %convert_element_type3A = arith.extui %ge3A_1020 : vector<16xi1> to vector<16xi32>
    %cumsum3A = arith.constant true
    %cumsum3A_1021 = vector.broadcast %cumsum3A : i1 to vector<16xi1>
    %cumsum3A_1022 = tpu.scan <sum>, %convert_element_type3A masked %cumsum3A_1021 : vector<16xi32>, vector<16xi1> -> vector<16xi32>
    %add3A_1023 = arith.constant 0 : i32
    %add3A_1024 = vector.broadcast %add3A_1023 : i32 to vector<16xi32>
    %add3A_1025 = arith.addi %add3A_1024, %cumsum3A_1022 : vector<16xi32>
    %sub3A = arith.subi %add3A_1025, %convert_element_type3A : vector<16xi32>
    tpu.vector_store_idx %arg12[%sub3A], %get3A_1008 masked %ge3A_1020 : memref<144xi32, #tpu.memory_space<vmem>>[vector<16xi32>], vector<16xi32>, vector<16xi1>
    tpu.vector_store_idx %arg13[%sub3A], %add3A_1011 masked %ge3A_1020 : memref<144xi32, #tpu.memory_space<vmem>>[vector<16xi32>], vector<16xi32>, vector<16xi1>
    %reduce_sum3A = arith.constant true
    %reduce_sum3A_1026 = vector.broadcast %reduce_sum3A : i1 to vector<16xi1>
    %reduce_sum3A_1027 = tpu.scan <sum>, %convert_element_type3A masked %reduce_sum3A_1026 : vector<16xi32>, vector<16xi1> -> vector<16xi32>
    %reduce_sum3A_1028 = vector.extract %reduce_sum3A_1027[15] : i32 from vector<16xi32>
    %add3A_1029 = arith.constant 0 : i32
    %add3A_1030 = arith.addi %add3A_1029, %reduce_sum3A_1028 : i32
    %get3A_1031 = arith.constant 16 : index
    %get3A_1032 = tpu.vector_load %arg10[%get3A_1031] {strides = array<i32>} : memref<128xi32, #tpu.memory_space<vmem>>, vector<16xi32>,
    %shift_right_arithmetic3A_1033 = arith.constant 16 : i32
    %shift_right_arithmetic3A_1034 = vector.broadcast %shift_right_arithmetic3A_1033 : i32 to vector<16xi32>
    %shift_right_arithmetic3A_1035 = arith.shrsi %get3A_1032, %shift_right_arithmetic3A_1034 : vector<16xi32>
    %and3A_1036 = arith.constant 65535 : i32
    %and3A_1037 = vector.broadcast %and3A_1036 : i32 to vector<16xi32>
    %and3A_1038 = arith.andi %get3A_1032, %and3A_1037 : vector<16xi32>
    %get3A_1039 = arith.constant 16 : index
    %get3A_1040 = tpu.vector_load %arg9[%get3A_1039] {strides = array<i32>} : memref<128xi32, #tpu.memory_space<vmem>>, vector<16xi32>,
    %add3A_1041 = arith.constant 16 : i32
    %add3A_1042 = vector.broadcast %add3A_1041 : i32 to vector<16xi32>
    %add3A_1043 = arith.addi %iota3A, %add3A_1042 : vector<16xi32>
    %eq3A_1044 = arith.constant 1 : i32
    %eq3A_1045 = vector.broadcast %eq3A_1044 : i32 to vector<16xi32>
    %eq3A_1046 = arith.cmpi eq, %shift_right_arithmetic3A_1035, %eq3A_1045 : vector<16xi32>
    %add3A_1047 = arith.constant 1 : i32
    %add3A_1048 = vector.broadcast %add3A_1047 : i32 to vector<16xi32>
    %add3A_1049 = arith.addi %and3A_1038, %add3A_1048 : vector<16xi32>
    %jit3A_1050 = arith.constant 0 : i32
    %broadcast_in_dim3A_1051 = vector.broadcast %jit3A_1050 : i32 to vector<16xi32>
    %select_n3A_1052 = arith.select %eq3A_1046, %add3A_1049, %broadcast_in_dim3A_1051 : vector<16xi1>, vector<16xi32>
    %swap3A_1053 = arith.constant 16 : index
    %swap3A_1054 = tpu.vector_load %arg11[%swap3A_1053] {strides = array<i32>} : memref<128xi32, #tpu.memory_space<vmem>>, vector<16xi32>,
    tpu.vector_store %arg11[%swap3A_1053], %select_n3A_1052 {strides = array<i32>} : memref<128xi32, #tpu.memory_space<vmem>>, vector<16xi32>,
    %ge3A_1055 = arith.constant 2 : i32
    %ge3A_1056 = vector.broadcast %ge3A_1055 : i32 to vector<16xi32>
    %ge3A_1057 = arith.cmpi sge, %shift_right_arithmetic3A_1035, %ge3A_1056 : vector<16xi32>
    %convert_element_type3A_1058 = arith.extui %ge3A_1057 : vector<16xi1> to vector<16xi32>
    %cumsum3A_1059 = arith.constant true
    %cumsum3A_1060 = vector.broadcast %cumsum3A_1059 : i1 to vector<16xi1>
    %cumsum3A_1061 = tpu.scan <sum>, %convert_element_type3A_1058 masked %cumsum3A_1060 : vector<16xi32>, vector<16xi1> -> vector<16xi32>
    %add3A_1062 = vector.broadcast %add3A_1030 : i32 to vector<16xi32>
    %add3A_1063 = arith.addi %add3A_1062, %cumsum3A_1061 : vector<16xi32>
    %sub3A_1064 = arith.subi %add3A_1063, %convert_element_type3A_1058 : vector<16xi32>
    tpu.vector_store_idx %arg12[%sub3A_1064], %get3A_1040 masked %ge3A_1057 : memref<144xi32, #tpu.memory_space<vmem>>[vector<16xi32>], vector<16xi32>, vector<16xi1>
    tpu.vector_store_idx %arg13[%sub3A_1064], %add3A_1043 masked %ge3A_1057 : memref<144xi32, #tpu.memory_space<vmem>>[vector<16xi32>], vector<16xi32>, vector<16xi1>
    %reduce_sum3A_1065 = arith.constant true
    %reduce_sum3A_1066 = vector.broadcast %reduce_sum3A_1065 : i1 to vector<16xi1>
    %reduce_sum3A_1067 = tpu.scan <sum>, %convert_element_type3A_1058 masked %reduce_sum3A_1066 : vector<16xi32>, vector<16xi1> -> vector<16xi32>
    %reduce_sum3A_1068 = vector.extract %reduce_sum3A_1067[15] : i32 from vector<16xi32>
    %add3A_1069 = arith.addi %add3A_1030, %reduce_sum3A_1068 : i32
    %get3A_1070 = arith.constant 32 : index
    %get3A_1071 = tpu.vector_load %arg10[%get3A_1070] {strides = array<i32>} : memref<128xi32, #tpu.memory_space<vmem>>, vector<16xi32>,
    %shift_right_arithmetic3A_1072 = arith.constant 16 : i32
    %shift_right_arithmetic3A_1073 = vector.broadcast %shift_right_arithmetic3A_1072 : i32 to vector<16xi32>
    %shift_right_arithmetic3A_1074 = arith.shrsi %get3A_1071, %shift_right_arithmetic3A_1073 : vector<16xi32>
    %and3A_1075 = arith.constant 65535 : i32
    %and3A_1076 = vector.broadcast %and3A_1075 : i32 to vector<16xi32>
    %and3A_1077 = arith.andi %get3A_1071, %and3A_1076 : vector<16xi32>
    %get3A_1078 = arith.constant 32 : index
    %get3A_1079 = tpu.vector_load %arg9[%get3A_1078] {strides = array<i32>} : memref<128xi32, #tpu.memory_space<vmem>>, vector<16xi32>,
    %add3A_1080 = arith.constant 32 : i32
    %add3A_1081 = vector.broadcast %add3A_1080 : i32 to vector<16xi32>
    %add3A_1082 = arith.addi %iota3A, %add3A_1081 : vector<16xi32>
    %eq3A_1083 = arith.constant 1 : i32
    %eq3A_1084 = vector.broadcast %eq3A_1083 : i32 to vector<16xi32>
    %eq3A_1085 = arith.cmpi eq, %shift_right_arithmetic3A_1074, %eq3A_1084 : vector<16xi32>
    %add3A_1086 = arith.constant 1 : i32
    %add3A_1087 = vector.broadcast %add3A_1086 : i32 to vector<16xi32>
    %add3A_1088 = arith.addi %and3A_1077, %add3A_1087 : vector<16xi32>
    %jit3A_1089 = arith.constant 0 : i32
    %broadcast_in_dim3A_1090 = vector.broadcast %jit3A_1089 : i32 to vector<16xi32>
    %select_n3A_1091 = arith.select %eq3A_1085, %add3A_1088, %broadcast_in_dim3A_1090 : vector<16xi1>, vector<16xi32>
    %swap3A_1092 = arith.constant 32 : index
    %swap3A_1093 = tpu.vector_load %arg11[%swap3A_1092] {strides = array<i32>} : memref<128xi32, #tpu.memory_space<vmem>>, vector<16xi32>,
    tpu.vector_store %arg11[%swap3A_1092], %select_n3A_1091 {strides = array<i32>} : memref<128xi32, #tpu.memory_space<vmem>>, vector<16xi32>,
    %ge3A_1094 = arith.constant 2 : i32
    %ge3A_1095 = vector.broadcast %ge3A_1094 : i32 to vector<16xi32>
    %ge3A_1096 = arith.cmpi sge, %shift_right_arithmetic3A_1074, %ge3A_1095 : vector<16xi32>
    %convert_element_type3A_1097 = arith.extui %ge3A_1096 : vector<16xi1> to vector<16xi32>
    %cumsum3A_1098 = arith.constant true
    %cumsum3A_1099 = vector.broadcast %cumsum3A_1098 : i1 to vector<16xi1>
    %cumsum3A_1100 = tpu.scan <sum>, %convert_element_type3A_1097 masked %cumsum3A_1099 : vector<16xi32>, vector<16xi1> -> vector<16xi32>
    %add3A_1101 = vector.broadcast %add3A_1069 : i32 to vector<16xi32>
    %add3A_1102 = arith.addi %add3A_1101, %cumsum3A_1100 : vector<16xi32>
    %sub3A_1103 = arith.subi %add3A_1102, %convert_element_type3A_1097 : vector<16xi32>
    tpu.vector_store_idx %arg12[%sub3A_1103], %get3A_1079 masked %ge3A_1096 : memref<144xi32, #tpu.memory_space<vmem>>[vector<16xi32>], vector<16xi32>, vector<16xi1>
    tpu.vector_store_idx %arg13[%sub3A_1103], %add3A_1082 masked %ge3A_1096 : memref<144xi32, #tpu.memory_space<vmem>>[vector<16xi32>], vector<16xi32>, vector<16xi1>
    %reduce_sum3A_1104 = arith.constant true
    %reduce_sum3A_1105 = vector.broadcast %reduce_sum3A_1104 : i1 to vector<16xi1>
    %reduce_sum3A_1106 = tpu.scan <sum>, %convert_element_type3A_1097 masked %reduce_sum3A_1105 : vector<16xi32>, vector<16xi1> -> vector<16xi32>
    %reduce_sum3A_1107 = vector.extract %reduce_sum3A_1106[15] : i32 from vector<16xi32>
    %add3A_1108 = arith.addi %add3A_1069, %reduce_sum3A_1107 : i32
    %get3A_1109 = arith.constant 48 : index
    %get3A_1110 = tpu.vector_load %arg10[%get3A_1109] {strides = array<i32>} : memref<128xi32, #tpu.memory_space<vmem>>, vector<16xi32>,
    %shift_right_arithmetic3A_1111 = arith.constant 16 : i32
    %shift_right_arithmetic3A_1112 = vector.broadcast %shift_right_arithmetic3A_1111 : i32 to vector<16xi32>
    %shift_right_arithmetic3A_1113 = arith.shrsi %get3A_1110, %shift_right_arithmetic3A_1112 : vector<16xi32>
    %and3A_1114 = arith.constant 65535 : i32
    %and3A_1115 = vector.broadcast %and3A_1114 : i32 to vector<16xi32>
    %and3A_1116 = arith.andi %get3A_1110, %and3A_1115 : vector<16xi32>
    %get3A_1117 = arith.constant 48 : index
    %get3A_1118 = tpu.vector_load %arg9[%get3A_1117] {strides = array<i32>} : memref<128xi32, #tpu.memory_space<vmem>>, vector<16xi32>,
    %add3A_1119 = arith.constant 48 : i32
    %add3A_1120 = vector.broadcast %add3A_1119 : i32 to vector<16xi32>
    %add3A_1121 = arith.addi %iota3A, %add3A_1120 : vector<16xi32>
    %eq3A_1122 = arith.constant 1 : i32
    %eq3A_1123 = vector.broadcast %eq3A_1122 : i32 to vector<16xi32>
    %eq3A_1124 = arith.cmpi eq, %shift_right_arithmetic3A_1113, %eq3A_1123 : vector<16xi32>
    %add3A_1125 = arith.constant 1 : i32
    %add3A_1126 = vector.broadcast %add3A_1125 : i32 to vector<16xi32>
    %add3A_1127 = arith.addi %and3A_1116, %add3A_1126 : vector<16xi32>
    %jit3A_1128 = arith.constant 0 : i32
    %broadcast_in_dim3A_1129 = vector.broadcast %jit3A_1128 : i32 to vector<16xi32>
    %select_n3A_1130 = arith.select %eq3A_1124, %add3A_1127, %broadcast_in_dim3A_1129 : vector<16xi1>, vector<16xi32>
    %swap3A_1131 = arith.constant 48 : index
    %swap3A_1132 = tpu.vector_load %arg11[%swap3A_1131] {strides = array<i32>} : memref<128xi32, #tpu.memory_space<vmem>>, vector<16xi32>,
    tpu.vector_store %arg11[%swap3A_1131], %select_n3A_1130 {strides = array<i32>} : memref<128xi32, #tpu.memory_space<vmem>>, vector<16xi32>,
    %ge3A_1133 = arith.constant 2 : i32
    %ge3A_1134 = vector.broadcast %ge3A_1133 : i32 to vector<16xi32>
    %ge3A_1135 = arith.cmpi sge, %shift_right_arithmetic3A_1113, %ge3A_1134 : vector<16xi32>
    %convert_element_type3A_1136 = arith.extui %ge3A_1135 : vector<16xi1> to vector<16xi32>
    %cumsum3A_1137 = arith.constant true
    %cumsum3A_1138 = vector.broadcast %cumsum3A_1137 : i1 to vector<16xi1>
    %cumsum3A_1139 = tpu.scan <sum>, %convert_element_type3A_1136 masked %cumsum3A_1138 : vector<16xi32>, vector<16xi1> -> vector<16xi32>
    %add3A_1140 = vector.broadcast %add3A_1108 : i32 to vector<16xi32>
    %add3A_1141 = arith.addi %add3A_1140, %cumsum3A_1139 : vector<16xi32>
    %sub3A_1142 = arith.subi %add3A_1141, %convert_element_type3A_1136 : vector<16xi32>
    tpu.vector_store_idx %arg12[%sub3A_1142], %get3A_1118 masked %ge3A_1135 : memref<144xi32, #tpu.memory_space<vmem>>[vector<16xi32>], vector<16xi32>, vector<16xi1>
    tpu.vector_store_idx %arg13[%sub3A_1142], %add3A_1121 masked %ge3A_1135 : memref<144xi32, #tpu.memory_space<vmem>>[vector<16xi32>], vector<16xi32>, vector<16xi1>
    %reduce_sum3A_1143 = arith.constant true
    %reduce_sum3A_1144 = vector.broadcast %reduce_sum3A_1143 : i1 to vector<16xi1>
    %reduce_sum3A_1145 = tpu.scan <sum>, %convert_element_type3A_1136 masked %reduce_sum3A_1144 : vector<16xi32>, vector<16xi1> -> vector<16xi32>
    %reduce_sum3A_1146 = vector.extract %reduce_sum3A_1145[15] : i32 from vector<16xi32>
    %add3A_1147 = arith.addi %add3A_1108, %reduce_sum3A_1146 : i32
    %get3A_1148 = arith.constant 64 : index
    %get3A_1149 = tpu.vector_load %arg10[%get3A_1148] {strides = array<i32>} : memref<128xi32, #tpu.memory_space<vmem>>, vector<16xi32>,
    %shift_right_arithmetic3A_1150 = arith.constant 16 : i32
    %shift_right_arithmetic3A_1151 = vector.broadcast %shift_right_arithmetic3A_1150 : i32 to vector<16xi32>
    %shift_right_arithmetic3A_1152 = arith.shrsi %get3A_1149, %shift_right_arithmetic3A_1151 : vector<16xi32>
    %and3A_1153 = arith.constant 65535 : i32
    %and3A_1154 = vector.broadcast %and3A_1153 : i32 to vector<16xi32>
    %and3A_1155 = arith.andi %get3A_1149, %and3A_1154 : vector<16xi32>
    %get3A_1156 = arith.constant 64 : index
    %get3A_1157 = tpu.vector_load %arg9[%get3A_1156] {strides = array<i32>} : memref<128xi32, #tpu.memory_space<vmem>>, vector<16xi32>,
    %add3A_1158 = arith.constant 64 : i32
    %add3A_1159 = vector.broadcast %add3A_1158 : i32 to vector<16xi32>
    %add3A_1160 = arith.addi %iota3A, %add3A_1159 : vector<16xi32>
    %eq3A_1161 = arith.constant 1 : i32
    %eq3A_1162 = vector.broadcast %eq3A_1161 : i32 to vector<16xi32>
    %eq3A_1163 = arith.cmpi eq, %shift_right_arithmetic3A_1152, %eq3A_1162 : vector<16xi32>
    %add3A_1164 = arith.constant 1 : i32
    %add3A_1165 = vector.broadcast %add3A_1164 : i32 to vector<16xi32>
    %add3A_1166 = arith.addi %and3A_1155, %add3A_1165 : vector<16xi32>
    %jit3A_1167 = arith.constant 0 : i32
    %broadcast_in_dim3A_1168 = vector.broadcast %jit3A_1167 : i32 to vector<16xi32>
    %select_n3A_1169 = arith.select %eq3A_1163, %add3A_1166, %broadcast_in_dim3A_1168 : vector<16xi1>, vector<16xi32>
    %swap3A_1170 = arith.constant 64 : index
    %swap3A_1171 = tpu.vector_load %arg11[%swap3A_1170] {strides = array<i32>} : memref<128xi32, #tpu.memory_space<vmem>>, vector<16xi32>,
    tpu.vector_store %arg11[%swap3A_1170], %select_n3A_1169 {strides = array<i32>} : memref<128xi32, #tpu.memory_space<vmem>>, vector<16xi32>,
    %ge3A_1172 = arith.constant 2 : i32
    %ge3A_1173 = vector.broadcast %ge3A_1172 : i32 to vector<16xi32>
    %ge3A_1174 = arith.cmpi sge, %shift_right_arithmetic3A_1152, %ge3A_1173 : vector<16xi32>
    %convert_element_type3A_1175 = arith.extui %ge3A_1174 : vector<16xi1> to vector<16xi32>
    %cumsum3A_1176 = arith.constant true
    %cumsum3A_1177 = vector.broadcast %cumsum3A_1176 : i1 to vector<16xi1>
    %cumsum3A_1178 = tpu.scan <sum>, %convert_element_type3A_1175 masked %cumsum3A_1177 : vector<16xi32>, vector<16xi1> -> vector<16xi32>
    %add3A_1179 = vector.broadcast %add3A_1147 : i32 to vector<16xi32>
    %add3A_1180 = arith.addi %add3A_1179, %cumsum3A_1178 : vector<16xi32>
    %sub3A_1181 = arith.subi %add3A_1180, %convert_element_type3A_1175 : vector<16xi32>
    tpu.vector_store_idx %arg12[%sub3A_1181], %get3A_1157 masked %ge3A_1174 : memref<144xi32, #tpu.memory_space<vmem>>[vector<16xi32>], vector<16xi32>, vector<16xi1>
    tpu.vector_store_idx %arg13[%sub3A_1181], %add3A_1160 masked %ge3A_1174 : memref<144xi32, #tpu.memory_space<vmem>>[vector<16xi32>], vector<16xi32>, vector<16xi1>
    %reduce_sum3A_1182 = arith.constant true
    %reduce_sum3A_1183 = vector.broadcast %reduce_sum3A_1182 : i1 to vector<16xi1>
    %reduce_sum3A_1184 = tpu.scan <sum>, %convert_element_type3A_1175 masked %reduce_sum3A_1183 : vector<16xi32>, vector<16xi1> -> vector<16xi32>
    %reduce_sum3A_1185 = vector.extract %reduce_sum3A_1184[15] : i32 from vector<16xi32>
    %add3A_1186 = arith.addi %add3A_1147, %reduce_sum3A_1185 : i32
    %get3A_1187 = arith.constant 80 : index
    %get3A_1188 = tpu.vector_load %arg10[%get3A_1187] {strides = array<i32>} : memref<128xi32, #tpu.memory_space<vmem>>, vector<16xi32>,
    %shift_right_arithmetic3A_1189 = arith.constant 16 : i32
    %shift_right_arithmetic3A_1190 = vector.broadcast %shift_right_arithmetic3A_1189 : i32 to vector<16xi32>
    %shift_right_arithmetic3A_1191 = arith.shrsi %get3A_1188, %shift_right_arithmetic3A_1190 : vector<16xi32>
    %and3A_1192 = arith.constant 65535 : i32
    %and3A_1193 = vector.broadcast %and3A_1192 : i32 to vector<16xi32>
    %and3A_1194 = arith.andi %get3A_1188, %and3A_1193 : vector<16xi32>
    %get3A_1195 = arith.constant 80 : index
    %get3A_1196 = tpu.vector_load %arg9[%get3A_1195] {strides = array<i32>} : memref<128xi32, #tpu.memory_space<vmem>>, vector<16xi32>,
    %add3A_1197 = arith.constant 80 : i32
    %add3A_1198 = vector.broadcast %add3A_1197 : i32 to vector<16xi32>
    %add3A_1199 = arith.addi %iota3A, %add3A_1198 : vector<16xi32>
    %eq3A_1200 = arith.constant 1 : i32
    %eq3A_1201 = vector.broadcast %eq3A_1200 : i32 to vector<16xi32>
    %eq3A_1202 = arith.cmpi eq, %shift_right_arithmetic3A_1191, %eq3A_1201 : vector<16xi32>
    %add3A_1203 = arith.constant 1 : i32
    %add3A_1204 = vector.broadcast %add3A_1203 : i32 to vector<16xi32>
    %add3A_1205 = arith.addi %and3A_1194, %add3A_1204 : vector<16xi32>
    %jit3A_1206 = arith.constant 0 : i32
    %broadcast_in_dim3A_1207 = vector.broadcast %jit3A_1206 : i32 to vector<16xi32>
    %select_n3A_1208 = arith.select %eq3A_1202, %add3A_1205, %broadcast_in_dim3A_1207 : vector<16xi1>, vector<16xi32>
    %swap3A_1209 = arith.constant 80 : index
    %swap3A_1210 = tpu.vector_load %arg11[%swap3A_1209] {strides = array<i32>} : memref<128xi32, #tpu.memory_space<vmem>>, vector<16xi32>,
    tpu.vector_store %arg11[%swap3A_1209], %select_n3A_1208 {strides = array<i32>} : memref<128xi32, #tpu.memory_space<vmem>>, vector<16xi32>,
    %ge3A_1211 = arith.constant 2 : i32
    %ge3A_1212 = vector.broadcast %ge3A_1211 : i32 to vector<16xi32>
    %ge3A_1213 = arith.cmpi sge, %shift_right_arithmetic3A_1191, %ge3A_1212 : vector<16xi32>
    %convert_element_type3A_1214 = arith.extui %ge3A_1213 : vector<16xi1> to vector<16xi32>
    %cumsum3A_1215 = arith.constant true
    %cumsum3A_1216 = vector.broadcast %cumsum3A_1215 : i1 to vector<16xi1>
    %cumsum3A_1217 = tpu.scan <sum>, %convert_element_type3A_1214 masked %cumsum3A_1216 : vector<16xi32>, vector<16xi1> -> vector<16xi32>
    %add3A_1218 = vector.broadcast %add3A_1186 : i32 to vector<16xi32>
    %add3A_1219 = arith.addi %add3A_1218, %cumsum3A_1217 : vector<16xi32>
    %sub3A_1220 = arith.subi %add3A_1219, %convert_element_type3A_1214 : vector<16xi32>
    tpu.vector_store_idx %arg12[%sub3A_1220], %get3A_1196 masked %ge3A_1213 : memref<144xi32, #tpu.memory_space<vmem>>[vector<16xi32>], vector<16xi32>, vector<16xi1>
    tpu.vector_store_idx %arg13[%sub3A_1220], %add3A_1199 masked %ge3A_1213 : memref<144xi32, #tpu.memory_space<vmem>>[vector<16xi32>], vector<16xi32>, vector<16xi1>
    %reduce_sum3A_1221 = arith.constant true
    %reduce_sum3A_1222 = vector.broadcast %reduce_sum3A_1221 : i1 to vector<16xi1>
    %reduce_sum3A_1223 = tpu.scan <sum>, %convert_element_type3A_1214 masked %reduce_sum3A_1222 : vector<16xi32>, vector<16xi1> -> vector<16xi32>
    %reduce_sum3A_1224 = vector.extract %reduce_sum3A_1223[15] : i32 from vector<16xi32>
    %add3A_1225 = arith.addi %add3A_1186, %reduce_sum3A_1224 : i32
    %get3A_1226 = arith.constant 96 : index
    %get3A_1227 = tpu.vector_load %arg10[%get3A_1226] {strides = array<i32>} : memref<128xi32, #tpu.memory_space<vmem>>, vector<16xi32>,
    %shift_right_arithmetic3A_1228 = arith.constant 16 : i32
    %shift_right_arithmetic3A_1229 = vector.broadcast %shift_right_arithmetic3A_1228 : i32 to vector<16xi32>
    %shift_right_arithmetic3A_1230 = arith.shrsi %get3A_1227, %shift_right_arithmetic3A_1229 : vector<16xi32>
    %and3A_1231 = arith.constant 65535 : i32
    %and3A_1232 = vector.broadcast %and3A_1231 : i32 to vector<16xi32>
    %and3A_1233 = arith.andi %get3A_1227, %and3A_1232 : vector<16xi32>
    %get3A_1234 = arith.constant 96 : index
    %get3A_1235 = tpu.vector_load %arg9[%get3A_1234] {strides = array<i32>} : memref<128xi32, #tpu.memory_space<vmem>>, vector<16xi32>,
    %add3A_1236 = arith.constant 96 : i32
    %add3A_1237 = vector.broadcast %add3A_1236 : i32 to vector<16xi32>
    %add3A_1238 = arith.addi %iota3A, %add3A_1237 : vector<16xi32>
    %eq3A_1239 = arith.constant 1 : i32
    %eq3A_1240 = vector.broadcast %eq3A_1239 : i32 to vector<16xi32>
    %eq3A_1241 = arith.cmpi eq, %shift_right_arithmetic3A_1230, %eq3A_1240 : vector<16xi32>
    %add3A_1242 = arith.constant 1 : i32
    %add3A_1243 = vector.broadcast %add3A_1242 : i32 to vector<16xi32>
    %add3A_1244 = arith.addi %and3A_1233, %add3A_1243 : vector<16xi32>
    %jit3A_1245 = arith.constant 0 : i32
    %broadcast_in_dim3A_1246 = vector.broadcast %jit3A_1245 : i32 to vector<16xi32>
    %select_n3A_1247 = arith.select %eq3A_1241, %add3A_1244, %broadcast_in_dim3A_1246 : vector<16xi1>, vector<16xi32>
    %swap3A_1248 = arith.constant 96 : index
    %swap3A_1249 = tpu.vector_load %arg11[%swap3A_1248] {strides = array<i32>} : memref<128xi32, #tpu.memory_space<vmem>>, vector<16xi32>,
    tpu.vector_store %arg11[%swap3A_1248], %select_n3A_1247 {strides = array<i32>} : memref<128xi32, #tpu.memory_space<vmem>>, vector<16xi32>,
    %ge3A_1250 = arith.constant 2 : i32
    %ge3A_1251 = vector.broadcast %ge3A_1250 : i32 to vector<16xi32>
    %ge3A_1252 = arith.cmpi sge, %shift_right_arithmetic3A_1230, %ge3A_1251 : vector<16xi32>
    %convert_element_type3A_1253 = arith.extui %ge3A_1252 : vector<16xi1> to vector<16xi32>
    %cumsum3A_1254 = arith.constant true
    %cumsum3A_1255 = vector.broadcast %cumsum3A_1254 : i1 to vector<16xi1>
    %cumsum3A_1256 = tpu.scan <sum>, %convert_element_type3A_1253 masked %cumsum3A_1255 : vector<16xi32>, vector<16xi1> -> vector<16xi32>
    %add3A_1257 = vector.broadcast %add3A_1225 : i32 to vector<16xi32>
    %add3A_1258 = arith.addi %add3A_1257, %cumsum3A_1256 : vector<16xi32>
    %sub3A_1259 = arith.subi %add3A_1258, %convert_element_type3A_1253 : vector<16xi32>
    tpu.vector_store_idx %arg12[%sub3A_1259], %get3A_1235 masked %ge3A_1252 : memref<144xi32, #tpu.memory_space<vmem>>[vector<16xi32>], vector<16xi32>, vector<16xi1>
    tpu.vector_store_idx %arg13[%sub3A_1259], %add3A_1238 masked %ge3A_1252 : memref<144xi32, #tpu.memory_space<vmem>>[vector<16xi32>], vector<16xi32>, vector<16xi1>
    %reduce_sum3A_1260 = arith.constant true
    %reduce_sum3A_1261 = vector.broadcast %reduce_sum3A_1260 : i1 to vector<16xi1>
    %reduce_sum3A_1262 = tpu.scan <sum>, %convert_element_type3A_1253 masked %reduce_sum3A_1261 : vector<16xi32>, vector<16xi1> -> vector<16xi32>
    %reduce_sum3A_1263 = vector.extract %reduce_sum3A_1262[15] : i32 from vector<16xi32>
    %add3A_1264 = arith.addi %add3A_1225, %reduce_sum3A_1263 : i32
    %get3A_1265 = arith.constant 112 : index
    %get3A_1266 = tpu.vector_load %arg10[%get3A_1265] {strides = array<i32>} : memref<128xi32, #tpu.memory_space<vmem>>, vector<16xi32>,
    %shift_right_arithmetic3A_1267 = arith.constant 16 : i32
    %shift_right_arithmetic3A_1268 = vector.broadcast %shift_right_arithmetic3A_1267 : i32 to vector<16xi32>
    %shift_right_arithmetic3A_1269 = arith.shrsi %get3A_1266, %shift_right_arithmetic3A_1268 : vector<16xi32>
    %and3A_1270 = arith.constant 65535 : i32
    %and3A_1271 = vector.broadcast %and3A_1270 : i32 to vector<16xi32>
    %and3A_1272 = arith.andi %get3A_1266, %and3A_1271 : vector<16xi32>
    %get3A_1273 = arith.constant 112 : index
    %get3A_1274 = tpu.vector_load %arg9[%get3A_1273] {strides = array<i32>} : memref<128xi32, #tpu.memory_space<vmem>>, vector<16xi32>,
    %add3A_1275 = arith.constant 112 : i32
    %add3A_1276 = vector.broadcast %add3A_1275 : i32 to vector<16xi32>
    %add3A_1277 = arith.addi %iota3A, %add3A_1276 : vector<16xi32>
    %eq3A_1278 = arith.constant 1 : i32
    %eq3A_1279 = vector.broadcast %eq3A_1278 : i32 to vector<16xi32>
    %eq3A_1280 = arith.cmpi eq, %shift_right_arithmetic3A_1269, %eq3A_1279 : vector<16xi32>
    %add3A_1281 = arith.constant 1 : i32
    %add3A_1282 = vector.broadcast %add3A_1281 : i32 to vector<16xi32>
    %add3A_1283 = arith.addi %and3A_1272, %add3A_1282 : vector<16xi32>
    %jit3A_1284 = arith.constant 0 : i32
    %broadcast_in_dim3A_1285 = vector.broadcast %jit3A_1284 : i32 to vector<16xi32>
    %select_n3A_1286 = arith.select %eq3A_1280, %add3A_1283, %broadcast_in_dim3A_1285 : vector<16xi1>, vector<16xi32>
    %swap3A_1287 = arith.constant 112 : index
    %swap3A_1288 = tpu.vector_load %arg11[%swap3A_1287] {strides = array<i32>} : memref<128xi32, #tpu.memory_space<vmem>>, vector<16xi32>,
    tpu.vector_store %arg11[%swap3A_1287], %select_n3A_1286 {strides = array<i32>} : memref<128xi32, #tpu.memory_space<vmem>>, vector<16xi32>,
    %ge3A_1289 = arith.constant 2 : i32
    %ge3A_1290 = vector.broadcast %ge3A_1289 : i32 to vector<16xi32>
    %ge3A_1291 = arith.cmpi sge, %shift_right_arithmetic3A_1269, %ge3A_1290 : vector<16xi32>
    %convert_element_type3A_1292 = arith.extui %ge3A_1291 : vector<16xi1> to vector<16xi32>
    %cumsum3A_1293 = arith.constant true
    %cumsum3A_1294 = vector.broadcast %cumsum3A_1293 : i1 to vector<16xi1>
    %cumsum3A_1295 = tpu.scan <sum>, %convert_element_type3A_1292 masked %cumsum3A_1294 : vector<16xi32>, vector<16xi1> -> vector<16xi32>
    %add3A_1296 = vector.broadcast %add3A_1264 : i32 to vector<16xi32>
    %add3A_1297 = arith.addi %add3A_1296, %cumsum3A_1295 : vector<16xi32>
    %sub3A_1298 = arith.subi %add3A_1297, %convert_element_type3A_1292 : vector<16xi32>
    tpu.vector_store_idx %arg12[%sub3A_1298], %get3A_1274 masked %ge3A_1291 : memref<144xi32, #tpu.memory_space<vmem>>[vector<16xi32>], vector<16xi32>, vector<16xi1>
    tpu.vector_store_idx %arg13[%sub3A_1298], %add3A_1277 masked %ge3A_1291 : memref<144xi32, #tpu.memory_space<vmem>>[vector<16xi32>], vector<16xi32>, vector<16xi1>
    %reduce_sum3A_1299 = arith.constant true
    %reduce_sum3A_1300 = vector.broadcast %reduce_sum3A_1299 : i1 to vector<16xi1>
    %reduce_sum3A_1301 = tpu.scan <sum>, %convert_element_type3A_1292 masked %reduce_sum3A_1300 : vector<16xi32>, vector<16xi1> -> vector<16xi32>
    %reduce_sum3A_1302 = vector.extract %reduce_sum3A_1301[15] : i32 from vector<16xi32>
    %add3A_1303 = arith.addi %add3A_1264, %reduce_sum3A_1302 : i32
    %while3A = arith.constant 0 : i32
    %while3A_1304 = arith.constant 0 : i32
    %while3A_1305 = arith.subi %add3A_1303, %while3A_1304 : i32
    %while3A_1306 = arith.addi %while3A_1304, %while3A_1305 : i32
    %while3A_1307 = arith.constant 1 : i32
    %while3A_1308 = arith.divsi %while3A_1305, %while3A_1307 : i32
    %while3A_1309 = arith.muli %while3A_1308, %while3A_1307 : i32
    %while3A_1310 = arith.addi %while3A_1304, %while3A_1309 : i32
    %while3A_1311 = arith.constant 1 : i32
    scf.for %while3A_1315 = %while3A_1304 to %while3A_1310 step %while3A_1311  : i32 {
      %get3A_1316 = arith.index_cast %while3A_1315 : i32 to index
      %get3A_1317 = tpu.vector_load %arg12[%get3A_1316] {strides = array<i32>} : memref<144xi32, #tpu.memory_space<vmem>>, vector<16xi32>,
      %eq3A_1318 = arith.constant 0 : i32
      %eq3A_1319 = vector.broadcast %eq3A_1318 : i32 to vector<16xi32>
      %eq3A_1320 = arith.cmpi eq, %iota3A, %eq3A_1319 : vector<16xi32>
      %jit3A_1321 = arith.constant 0 : i32
      %broadcast_in_dim3A_1322 = vector.broadcast %jit3A_1321 : i32 to vector<16xi32>
      %select_n3A_1323 = arith.select %eq3A_1320, %get3A_1317, %broadcast_in_dim3A_1322 : vector<16xi1>, vector<16xi32>
      %reduce_sum3A_1324 = arith.constant true
      %reduce_sum3A_1325 = vector.broadcast %reduce_sum3A_1324 : i1 to vector<16xi1>
      %reduce_sum3A_1326 = tpu.scan <sum>, %select_n3A_1323 masked %reduce_sum3A_1325 : vector<16xi32>, vector<16xi1> -> vector<16xi32>
      %reduce_sum3A_1327 = vector.extract %reduce_sum3A_1326[15] : i32 from vector<16xi32>
      %get3A_1328 = arith.index_cast %while3A_1315 : i32 to index
      %get3A_1329 = tpu.vector_load %arg13[%get3A_1328] {strides = array<i32>} : memref<144xi32, #tpu.memory_space<vmem>>, vector<16xi32>,
      %eq3A_1330 = arith.constant 0 : i32
      %eq3A_1331 = vector.broadcast %eq3A_1330 : i32 to vector<16xi32>
      %eq3A_1332 = arith.cmpi eq, %iota3A, %eq3A_1331 : vector<16xi32>
      %jit3A_1333 = arith.constant 0 : i32
      %broadcast_in_dim3A_1334 = vector.broadcast %jit3A_1333 : i32 to vector<16xi32>
      %select_n3A_1335 = arith.select %eq3A_1332, %get3A_1329, %broadcast_in_dim3A_1334 : vector<16xi1>, vector<16xi32>
      %reduce_sum3A_1336 = arith.constant true
      %reduce_sum3A_1337 = vector.broadcast %reduce_sum3A_1336 : i1 to vector<16xi1>
      %reduce_sum3A_1338 = tpu.scan <sum>, %select_n3A_1335 masked %reduce_sum3A_1337 : vector<16xi32>, vector<16xi1> -> vector<16xi32>
      %reduce_sum3A_1339 = vector.extract %reduce_sum3A_1338[15] : i32 from vector<16xi32>
      %broadcast_in_dim3A_1340 = arith.constant 0 : i32
      %broadcast_in_dim3A_1341 = vector.broadcast %broadcast_in_dim3A_1340 : i32 to vector<16xi32>
      %scan3A = arith.constant 0 : i32
      %scan3A_1342 = arith.constant 1024 : i32
      %scan3A_1343 = arith.addi %scan3A, %scan3A_1342 : i32
      %scan3A_1344 = arith.constant 1 : i32
      %scan3A_1345 = scf.for %scan3A_1363 = %scan3A to %scan3A_1343 step %scan3A_1344 iter_args(%scan3A_1364 = %broadcast_in_dim3A_1341) -> (vector<16xi32>)  : i32 {
        %mul3A_1365 = arith.constant 16 : i32
        %mul3A_1366 = arith.muli %scan3A_1363, %mul3A_1365 : i32
        %get3A_1367 = arith.index_cast %mul3A_1366 : i32 to index
        %get3A_1368 = tpu.vector_load %arg8[%get3A_1367] {strides = array<i32>} : memref<16384xi32, #tpu.memory_space<vmem>>, vector<16xi32>,
        %mul3A_1369 = arith.constant 16 : i32
        %mul3A_1370 = arith.muli %scan3A_1363, %mul3A_1369 : i32
        %add3A_1371 = arith.constant 1 : i32
        %add3A_1372 = arith.addi %mul3A_1370, %add3A_1371 : i32
        %add3A_1373 = vector.broadcast %add3A_1372 : i32 to vector<16xi32>
        %add3A_1374 = arith.addi %iota3A, %add3A_1373 : vector<16xi32>
        %eq3A_1375 = vector.broadcast %reduce_sum3A_1327 : i32 to vector<16xi32>
        %eq3A_1376 = arith.cmpi eq, %get3A_1368, %eq3A_1375 : vector<16xi32>
        %jit3A_1377 = arith.constant 0 : i32
        %broadcast_in_dim3A_1378 = vector.broadcast %jit3A_1377 : i32 to vector<16xi32>
        %select_n3A_1379 = arith.select %eq3A_1376, %add3A_1374, %broadcast_in_dim3A_1378 : vector<16xi1>, vector<16xi32>
        %max3A = arith.maxsi %scan3A_1364, %select_n3A_1379 : vector<16xi32>
        scf.yield %max3A : vector<16xi32>
      }
      %scan3A_1346 = arith.constant 1024 : i32
      %reduce_max3A = arith.constant true
      %reduce_max3A_1347 = vector.broadcast %reduce_max3A : i1 to vector<16xi1>
      %reduce_max3A_1348 = arith.constant -2147483648 : i32
      %reduce_max3A_1349 = vector.broadcast %reduce_max3A_1348 : i32 to vector<16xi32>
      %reduce_max3A_1350 = arith.xori %scan3A_1345, %reduce_max3A_1349 : vector<16xi32>
      %reduce_max3A_1351 = tpu.scan <max>, %reduce_max3A_1350 masked %reduce_max3A_1347 : vector<16xi32>, vector<16xi1> -> vector<16xi32>
      %reduce_max3A_1352 = arith.xori %reduce_max3A_1351, %reduce_max3A_1349 : vector<16xi32>
      %reduce_max3A_1353 = vector.extract %reduce_max3A_1352[15] : i32 from vector<16xi32>
      %broadcast_in_dim3A_1354 = arith.constant 0 : i32
      %broadcast_in_dim3A_1355 = vector.broadcast %broadcast_in_dim3A_1354 : i32 to vector<16xi32>
      %add3A_1356 = vector.broadcast %reduce_sum3A_1339 : i32 to vector<16xi32>
      %add3A_1357 = arith.addi %add3A_1356, %broadcast_in_dim3A_1355 : vector<16xi32>
      %add3A_1358 = vector.broadcast %reduce_max3A_1353 : i32 to vector<16xi32>
      %add3A_1359 = arith.addi %add3A_1358, %broadcast_in_dim3A_1355 : vector<16xi32>
      %eq3A_1360 = arith.constant 0 : i32
      %eq3A_1361 = vector.broadcast %eq3A_1360 : i32 to vector<16xi32>
      %eq3A_1362 = arith.cmpi eq, %iota3A, %eq3A_1361 : vector<16xi32>
      tpu.vector_store_idx %arg11[%add3A_1357], %add3A_1359 masked %eq3A_1362 : memref<128xi32, #tpu.memory_space<vmem>>[vector<16xi32>], vector<16xi32>, vector<16xi1>
    }
    %while3A_1312 = arith.constant 1 : i32
    scf.for %while3A_1315 = %while3A_1310 to %while3A_1306 step %while3A_1312  : i32 {
      %get3A_1316 = arith.index_cast %while3A_1315 : i32 to index
      %get3A_1317 = tpu.vector_load %arg12[%get3A_1316] {strides = array<i32>} : memref<144xi32, #tpu.memory_space<vmem>>, vector<16xi32>,
      %eq3A_1318 = arith.constant 0 : i32
      %eq3A_1319 = vector.broadcast %eq3A_1318 : i32 to vector<16xi32>
      %eq3A_1320 = arith.cmpi eq, %iota3A, %eq3A_1319 : vector<16xi32>
      %jit3A_1321 = arith.constant 0 : i32
      %broadcast_in_dim3A_1322 = vector.broadcast %jit3A_1321 : i32 to vector<16xi32>
      %select_n3A_1323 = arith.select %eq3A_1320, %get3A_1317, %broadcast_in_dim3A_1322 : vector<16xi1>, vector<16xi32>
      %reduce_sum3A_1324 = arith.constant true
      %reduce_sum3A_1325 = vector.broadcast %reduce_sum3A_1324 : i1 to vector<16xi1>
      %reduce_sum3A_1326 = tpu.scan <sum>, %select_n3A_1323 masked %reduce_sum3A_1325 : vector<16xi32>, vector<16xi1> -> vector<16xi32>
      %reduce_sum3A_1327 = vector.extract %reduce_sum3A_1326[15] : i32 from vector<16xi32>
      %get3A_1328 = arith.index_cast %while3A_1315 : i32 to index
      %get3A_1329 = tpu.vector_load %arg13[%get3A_1328] {strides = array<i32>} : memref<144xi32, #tpu.memory_space<vmem>>, vector<16xi32>,
      %eq3A_1330 = arith.constant 0 : i32
      %eq3A_1331 = vector.broadcast %eq3A_1330 : i32 to vector<16xi32>
      %eq3A_1332 = arith.cmpi eq, %iota3A, %eq3A_1331 : vector<16xi32>
      %jit3A_1333 = arith.constant 0 : i32
      %broadcast_in_dim3A_1334 = vector.broadcast %jit3A_1333 : i32 to vector<16xi32>
      %select_n3A_1335 = arith.select %eq3A_1332, %get3A_1329, %broadcast_in_dim3A_1334 : vector<16xi1>, vector<16xi32>
      %reduce_sum3A_1336 = arith.constant true
      %reduce_sum3A_1337 = vector.broadcast %reduce_sum3A_1336 : i1 to vector<16xi1>
      %reduce_sum3A_1338 = tpu.scan <sum>, %select_n3A_1335 masked %reduce_sum3A_1337 : vector<16xi32>, vector<16xi1> -> vector<16xi32>
      %reduce_sum3A_1339 = vector.extract %reduce_sum3A_1338[15] : i32 from vector<16xi32>
      %broadcast_in_dim3A_1340 = arith.constant 0 : i32
      %broadcast_in_dim3A_1341 = vector.broadcast %broadcast_in_dim3A_1340 : i32 to vector<16xi32>
      %scan3A = arith.constant 0 : i32
      %scan3A_1342 = arith.constant 1024 : i32
      %scan3A_1343 = arith.addi %scan3A, %scan3A_1342 : i32
      %scan3A_1344 = arith.constant 1 : i32
      %scan3A_1345 = scf.for %scan3A_1363 = %scan3A to %scan3A_1343 step %scan3A_1344 iter_args(%scan3A_1364 = %broadcast_in_dim3A_1341) -> (vector<16xi32>)  : i32 {
        %mul3A_1365 = arith.constant 16 : i32
        %mul3A_1366 = arith.muli %scan3A_1363, %mul3A_1365 : i32
        %get3A_1367 = arith.index_cast %mul3A_1366 : i32 to index
        %get3A_1368 = tpu.vector_load %arg8[%get3A_1367] {strides = array<i32>} : memref<16384xi32, #tpu.memory_space<vmem>>, vector<16xi32>,
        %mul3A_1369 = arith.constant 16 : i32
        %mul3A_1370 = arith.muli %scan3A_1363, %mul3A_1369 : i32
        %add3A_1371 = arith.constant 1 : i32
        %add3A_1372 = arith.addi %mul3A_1370, %add3A_1371 : i32
        %add3A_1373 = vector.broadcast %add3A_1372 : i32 to vector<16xi32>
        %add3A_1374 = arith.addi %iota3A, %add3A_1373 : vector<16xi32>
        %eq3A_1375 = vector.broadcast %reduce_sum3A_1327 : i32 to vector<16xi32>
        %eq3A_1376 = arith.cmpi eq, %get3A_1368, %eq3A_1375 : vector<16xi32>
        %jit3A_1377 = arith.constant 0 : i32
        %broadcast_in_dim3A_1378 = vector.broadcast %jit3A_1377 : i32 to vector<16xi32>
        %select_n3A_1379 = arith.select %eq3A_1376, %add3A_1374, %broadcast_in_dim3A_1378 : vector<16xi1>, vector<16xi32>
        %max3A = arith.maxsi %scan3A_1364, %select_n3A_1379 : vector<16xi32>
        scf.yield %max3A : vector<16xi32>
      }
      %scan3A_1346 = arith.constant 1024 : i32
      %reduce_max3A = arith.constant true
      %reduce_max3A_1347 = vector.broadcast %reduce_max3A : i1 to vector<16xi1>
      %reduce_max3A_1348 = arith.constant -2147483648 : i32
      %reduce_max3A_1349 = vector.broadcast %reduce_max3A_1348 : i32 to vector<16xi32>
      %reduce_max3A_1350 = arith.xori %scan3A_1345, %reduce_max3A_1349 : vector<16xi32>
      %reduce_max3A_1351 = tpu.scan <max>, %reduce_max3A_1350 masked %reduce_max3A_1347 : vector<16xi32>, vector<16xi1> -> vector<16xi32>
      %reduce_max3A_1352 = arith.xori %reduce_max3A_1351, %reduce_max3A_1349 : vector<16xi32>
      %reduce_max3A_1353 = vector.extract %reduce_max3A_1352[15] : i32 from vector<16xi32>
      %broadcast_in_dim3A_1354 = arith.constant 0 : i32
      %broadcast_in_dim3A_1355 = vector.broadcast %broadcast_in_dim3A_1354 : i32 to vector<16xi32>
      %add3A_1356 = vector.broadcast %reduce_sum3A_1339 : i32 to vector<16xi32>
      %add3A_1357 = arith.addi %add3A_1356, %broadcast_in_dim3A_1355 : vector<16xi32>
      %add3A_1358 = vector.broadcast %reduce_max3A_1353 : i32 to vector<16xi32>
      %add3A_1359 = arith.addi %add3A_1358, %broadcast_in_dim3A_1355 : vector<16xi32>
      %eq3A_1360 = arith.constant 0 : i32
      %eq3A_1361 = vector.broadcast %eq3A_1360 : i32 to vector<16xi32>
      %eq3A_1362 = arith.cmpi eq, %iota3A, %eq3A_1361 : vector<16xi32>
      tpu.vector_store_idx %arg11[%add3A_1357], %add3A_1359 masked %eq3A_1362 : memref<128xi32, #tpu.memory_space<vmem>>[vector<16xi32>], vector<16xi32>, vector<16xi1>
    }
    %mul3A_1313 = arith.constant 128 : i32
    %mul3A_1314 = arith.muli %add3A, %mul3A_1313 : i32
    "tpu.region"() ({
      %run_scoped3A_1315 = tpu.sem_alloc : memref<!tpu.dma_semaphore, #tpu.memory_space<semaphore_mem>>
      %dma_start3A = tpu.memref_slice %arg4[%mul3A_1314] : memref<4096xi32, #tpu.memory_space<hbm>> -> memref<128xi32, #tpu.memory_space<hbm>>
      %dma_start3A_1316 = tpu.memref_slice %arg4[%mul3A_1314] : memref<4096xi32, #tpu.memory_space<hbm>> -> memref<128xi32, #tpu.memory_space<hbm>>
      tpu.enqueue_dma source(%arg11 : memref<128xi32, #tpu.memory_space<vmem>>) target(%dma_start3A_1316 : memref<128xi32, #tpu.memory_space<hbm>>) target_semaphore(%run_scoped3A_1315 : memref<!tpu.dma_semaphore, #tpu.memory_space<semaphore_mem>>)
      %dma_wait3A = tpu.memref_slice %arg4[%mul3A_1314] : memref<4096xi32, #tpu.memory_space<hbm>> -> memref<128xi32, #tpu.memory_space<hbm>>
      %dma_wait3A_1317 = tpu.memref_slice %arg4[%mul3A_1314] : memref<4096xi32, #tpu.memory_space<hbm>> -> memref<128xi32, #tpu.memory_space<hbm>>
      tpu.wait_dma2 semaphore(%run_scoped3A_1315 : memref<!tpu.dma_semaphore, #tpu.memory_space<semaphore_mem>>) src(%arg11 : memref<128xi32, #tpu.memory_space<vmem>>) dst(%dma_wait3A_1317 : memref<128xi32, #tpu.memory_space<hbm>>)
      tpu.yield
    }) : () -> ()
    return
  }
}

#map = affine_map<(d0, d1) -> (0)>
#map1 = affine_map<(d0, d1) -> (0, 0)>
module attributes {stable_mosaic.version = 14 : i64} {
  func.func @_mat_body(%arg0: i32, %arg1: i32, %arg2: memref<4096xi32, #tpu.memory_space<hbm>>, %arg3: memref<16384x32xf32, #tpu.memory_space<hbm>>, %arg4: memref<16384x32xf32, #tpu.memory_space<hbm>>, %arg5: memref<16384x16xf32, #tpu.memory_space<hbm>>, %arg6: memref<4160x32xf32, #tpu.memory_space<hbm>>, %arg7: memref<4160x32xf32, #tpu.memory_space<hbm>>, %arg8: memref<4160x16xf32, #tpu.memory_space<hbm>>, %arg9: memref<128xi32, #tpu.memory_space<vmem>>, %arg10: memref<128xi32, #tpu.memory_space<vmem>>, %arg11: memref<128xi32, #tpu.memory_space<vmem>>, %arg12: memref<128x32xf32, #tpu.memory_space<vmem>>, %arg13: memref<128x32xf32, #tpu.memory_space<vmem>>, %arg14: memref<128x16xf32, #tpu.memory_space<vmem>>, %arg15: memref<128x32xf32, #tpu.memory_space<vmem>>, %arg16: memref<128x16xf32, #tpu.memory_space<vmem>>, %arg17: memref<!tpu.dma_semaphore, #tpu.memory_space<semaphore_mem>>) attributes {dimension_semantics = [#tpu.dimension_semantics<core_parallel>, #tpu.dimension_semantics<subcore_parallel>], iteration_bounds = array<i64: 2, 16>, scalar_prefetch = 0 : i64, scratch_operands = 9 : i64, tpu.core_type = #tpu.core_type<sc_vector_subcore>, window_params = [{transform_indices = #map}, {transform_indices = #map1}, {transform_indices = #map1}, {transform_indices = #map1}, {transform_indices = #map1}, {transform_indices = #map1}, {transform_indices = #map1}]} {
    %mul3A = arith.constant 2 : i32
    %mul3A_0 = arith.muli %arg1, %mul3A : i32
    %add3A = arith.addi %mul3A_0, %arg0 : i32
    %iota3A = tpu.iota {dimensions = array<i32: 0>} : vector<16xi32>
    %broadcast_in_dim3A = arith.constant 0.000000e+00 : f32
    %broadcast_in_dim3A_1 = vector.broadcast %broadcast_in_dim3A : f32 to vector<16xf32>
    %mul3A_2 = arith.constant 128 : i32
    %mul3A_3 = arith.muli %add3A, %mul3A_2 : i32
    "tpu.region"() ({
      %run_scoped3A = tpu.sem_alloc : memref<!tpu.dma_semaphore, #tpu.memory_space<semaphore_mem>>
      %dma_start3A_331 = tpu.memref_slice %arg2[%mul3A_3] : memref<4096xi32, #tpu.memory_space<hbm>> -> memref<128xi32, #tpu.memory_space<hbm>>
      %dma_start3A_332 = tpu.memref_slice %arg2[%mul3A_3] : memref<4096xi32, #tpu.memory_space<hbm>> -> memref<128xi32, #tpu.memory_space<hbm>>
      tpu.enqueue_dma source(%dma_start3A_332 : memref<128xi32, #tpu.memory_space<hbm>>) target(%arg9 : memref<128xi32, #tpu.memory_space<vmem>>) target_semaphore(%run_scoped3A : memref<!tpu.dma_semaphore, #tpu.memory_space<semaphore_mem>>)
      %dma_wait3A_333 = tpu.memref_slice %arg2[%mul3A_3] : memref<4096xi32, #tpu.memory_space<hbm>> -> memref<128xi32, #tpu.memory_space<hbm>>
      %dma_wait3A_334 = tpu.memref_slice %arg2[%mul3A_3] : memref<4096xi32, #tpu.memory_space<hbm>> -> memref<128xi32, #tpu.memory_space<hbm>>
      tpu.wait_dma2 semaphore(%run_scoped3A : memref<!tpu.dma_semaphore, #tpu.memory_space<semaphore_mem>>) src(%dma_wait3A_334 : memref<128xi32, #tpu.memory_space<hbm>>) dst(%arg9 : memref<128xi32, #tpu.memory_space<vmem>>)
      tpu.yield
    }) : () -> ()
    %scan3A = arith.constant 0 : i32
    %scan3A_4 = arith.constant 0 : i32
    %scan3A_5 = arith.constant 128 : i32
    %scan3A_6 = arith.addi %scan3A_4, %scan3A_5 : i32
    %scan3A_7 = arith.constant 1 : i32
    scf.for %scan3A_331 = %scan3A_4 to %scan3A_6 step %scan3A_7  : i32 {
      %swap3A_332 = arith.index_cast %scan3A_331 : i32 to index
      %swap3A_333 = arith.constant 0 : index
      %swap3A_334 = tpu.vector_load %arg15[%swap3A_332, %swap3A_333] {strides = array<i32>} : memref<128x32xf32, #tpu.memory_space<vmem>>, vector<16xf32>,
      tpu.vector_store %arg15[%swap3A_332, %swap3A_333], %broadcast_in_dim3A_1 {strides = array<i32>} : memref<128x32xf32, #tpu.memory_space<vmem>>, vector<16xf32>,
      %swap3A_335 = arith.index_cast %scan3A_331 : i32 to index
      %swap3A_336 = arith.constant 16 : index
      %swap3A_337 = tpu.vector_load %arg15[%swap3A_335, %swap3A_336] {strides = array<i32>} : memref<128x32xf32, #tpu.memory_space<vmem>>, vector<16xf32>,
      tpu.vector_store %arg15[%swap3A_335, %swap3A_336], %broadcast_in_dim3A_1 {strides = array<i32>} : memref<128x32xf32, #tpu.memory_space<vmem>>, vector<16xf32>,
      %swap3A_338 = arith.index_cast %scan3A_331 : i32 to index
      %swap3A_339 = arith.constant 0 : index
      %swap3A_340 = tpu.vector_load %arg16[%swap3A_338, %swap3A_339] {strides = array<i32>} : memref<128x16xf32, #tpu.memory_space<vmem>>, vector<16xf32>,
      tpu.vector_store %arg16[%swap3A_338, %swap3A_339], %broadcast_in_dim3A_1 {strides = array<i32>} : memref<128x16xf32, #tpu.memory_space<vmem>>, vector<16xf32>,
    }
    %scan3A_8 = arith.constant 128 : i32
    %get3A = arith.constant 0 : index
    %get3A_9 = tpu.vector_load %arg9[%get3A] {strides = array<i32>} : memref<128xi32, #tpu.memory_space<vmem>>, vector<16xi32>,
    %add3A_10 = arith.constant 0 : i32
    %add3A_11 = vector.broadcast %add3A_10 : i32 to vector<16xi32>
    %add3A_12 = arith.addi %iota3A, %add3A_11 : vector<16xi32>
    %gt3A = arith.constant 0 : i32
    %gt3A_13 = vector.broadcast %gt3A : i32 to vector<16xi32>
    %gt3A_14 = arith.cmpi sgt, %get3A_9, %gt3A_13 : vector<16xi32>
    %sub3A = arith.constant 1 : i32
    %sub3A_15 = vector.broadcast %sub3A : i32 to vector<16xi32>
    %sub3A_16 = arith.subi %get3A_9, %sub3A_15 : vector<16xi32>
    %and3A = arith.constant 63 : i32
    %and3A_17 = vector.broadcast %and3A : i32 to vector<16xi32>
    %and3A_18 = arith.andi %add3A_12, %and3A_17 : vector<16xi32>
    %select_n3A = arith.select %gt3A_14, %sub3A_16, %and3A_18 : vector<16xi1>, vector<16xi32>
    %swap3A = arith.constant 0 : index
    %swap3A_19 = tpu.vector_load %arg10[%swap3A] {strides = array<i32>} : memref<128xi32, #tpu.memory_space<vmem>>, vector<16xi32>,
    tpu.vector_store %arg10[%swap3A], %select_n3A {strides = array<i32>} : memref<128xi32, #tpu.memory_space<vmem>>, vector<16xi32>,
    %gt3A_20 = arith.constant 0 : i32
    %gt3A_21 = vector.broadcast %gt3A_20 : i32 to vector<16xi32>
    %gt3A_22 = arith.cmpi sgt, %get3A_9, %gt3A_21 : vector<16xi32>
    %mul3A_23 = arith.constant 128 : i32
    %mul3A_24 = arith.muli %add3A, %mul3A_23 : i32
    %add3A_25 = vector.broadcast %mul3A_24 : i32 to vector<16xi32>
    %add3A_26 = arith.addi %add3A_25, %add3A_12 : vector<16xi32>
    %and3A_27 = arith.constant 63 : i32
    %and3A_28 = vector.broadcast %and3A_27 : i32 to vector<16xi32>
    %and3A_29 = arith.andi %add3A_12, %and3A_28 : vector<16xi32>
    %add3A_30 = arith.constant 4096 : i32
    %add3A_31 = vector.broadcast %add3A_30 : i32 to vector<16xi32>
    %add3A_32 = arith.addi %add3A_31, %and3A_29 : vector<16xi32>
    %select_n3A_33 = arith.select %gt3A_22, %add3A_26, %add3A_32 : vector<16xi1>, vector<16xi32>
    %swap3A_34 = arith.constant 0 : index
    %swap3A_35 = tpu.vector_load %arg11[%swap3A_34] {strides = array<i32>} : memref<128xi32, #tpu.memory_space<vmem>>, vector<16xi32>,
    tpu.vector_store %arg11[%swap3A_34], %select_n3A_33 {strides = array<i32>} : memref<128xi32, #tpu.memory_space<vmem>>, vector<16xi32>,
    %get3A_36 = arith.constant 16 : index
    %get3A_37 = tpu.vector_load %arg9[%get3A_36] {strides = array<i32>} : memref<128xi32, #tpu.memory_space<vmem>>, vector<16xi32>,
    %add3A_38 = arith.constant 16 : i32
    %add3A_39 = vector.broadcast %add3A_38 : i32 to vector<16xi32>
    %add3A_40 = arith.addi %iota3A, %add3A_39 : vector<16xi32>
    %gt3A_41 = arith.constant 0 : i32
    %gt3A_42 = vector.broadcast %gt3A_41 : i32 to vector<16xi32>
    %gt3A_43 = arith.cmpi sgt, %get3A_37, %gt3A_42 : vector<16xi32>
    %sub3A_44 = arith.constant 1 : i32
    %sub3A_45 = vector.broadcast %sub3A_44 : i32 to vector<16xi32>
    %sub3A_46 = arith.subi %get3A_37, %sub3A_45 : vector<16xi32>
    %and3A_47 = arith.constant 63 : i32
    %and3A_48 = vector.broadcast %and3A_47 : i32 to vector<16xi32>
    %and3A_49 = arith.andi %add3A_40, %and3A_48 : vector<16xi32>
    %select_n3A_50 = arith.select %gt3A_43, %sub3A_46, %and3A_49 : vector<16xi1>, vector<16xi32>
    %swap3A_51 = arith.constant 16 : index
    %swap3A_52 = tpu.vector_load %arg10[%swap3A_51] {strides = array<i32>} : memref<128xi32, #tpu.memory_space<vmem>>, vector<16xi32>,
    tpu.vector_store %arg10[%swap3A_51], %select_n3A_50 {strides = array<i32>} : memref<128xi32, #tpu.memory_space<vmem>>, vector<16xi32>,
    %gt3A_53 = arith.constant 0 : i32
    %gt3A_54 = vector.broadcast %gt3A_53 : i32 to vector<16xi32>
    %gt3A_55 = arith.cmpi sgt, %get3A_37, %gt3A_54 : vector<16xi32>
    %mul3A_56 = arith.constant 128 : i32
    %mul3A_57 = arith.muli %add3A, %mul3A_56 : i32
    %add3A_58 = vector.broadcast %mul3A_57 : i32 to vector<16xi32>
    %add3A_59 = arith.addi %add3A_58, %add3A_40 : vector<16xi32>
    %and3A_60 = arith.constant 63 : i32
    %and3A_61 = vector.broadcast %and3A_60 : i32 to vector<16xi32>
    %and3A_62 = arith.andi %add3A_40, %and3A_61 : vector<16xi32>
    %add3A_63 = arith.constant 4096 : i32
    %add3A_64 = vector.broadcast %add3A_63 : i32 to vector<16xi32>
    %add3A_65 = arith.addi %add3A_64, %and3A_62 : vector<16xi32>
    %select_n3A_66 = arith.select %gt3A_55, %add3A_59, %add3A_65 : vector<16xi1>, vector<16xi32>
    %swap3A_67 = arith.constant 16 : index
    %swap3A_68 = tpu.vector_load %arg11[%swap3A_67] {strides = array<i32>} : memref<128xi32, #tpu.memory_space<vmem>>, vector<16xi32>,
    tpu.vector_store %arg11[%swap3A_67], %select_n3A_66 {strides = array<i32>} : memref<128xi32, #tpu.memory_space<vmem>>, vector<16xi32>,
    %get3A_69 = arith.constant 32 : index
    %get3A_70 = tpu.vector_load %arg9[%get3A_69] {strides = array<i32>} : memref<128xi32, #tpu.memory_space<vmem>>, vector<16xi32>,
    %add3A_71 = arith.constant 32 : i32
    %add3A_72 = vector.broadcast %add3A_71 : i32 to vector<16xi32>
    %add3A_73 = arith.addi %iota3A, %add3A_72 : vector<16xi32>
    %gt3A_74 = arith.constant 0 : i32
    %gt3A_75 = vector.broadcast %gt3A_74 : i32 to vector<16xi32>
    %gt3A_76 = arith.cmpi sgt, %get3A_70, %gt3A_75 : vector<16xi32>
    %sub3A_77 = arith.constant 1 : i32
    %sub3A_78 = vector.broadcast %sub3A_77 : i32 to vector<16xi32>
    %sub3A_79 = arith.subi %get3A_70, %sub3A_78 : vector<16xi32>
    %and3A_80 = arith.constant 63 : i32
    %and3A_81 = vector.broadcast %and3A_80 : i32 to vector<16xi32>
    %and3A_82 = arith.andi %add3A_73, %and3A_81 : vector<16xi32>
    %select_n3A_83 = arith.select %gt3A_76, %sub3A_79, %and3A_82 : vector<16xi1>, vector<16xi32>
    %swap3A_84 = arith.constant 32 : index
    %swap3A_85 = tpu.vector_load %arg10[%swap3A_84] {strides = array<i32>} : memref<128xi32, #tpu.memory_space<vmem>>, vector<16xi32>,
    tpu.vector_store %arg10[%swap3A_84], %select_n3A_83 {strides = array<i32>} : memref<128xi32, #tpu.memory_space<vmem>>, vector<16xi32>,
    %gt3A_86 = arith.constant 0 : i32
    %gt3A_87 = vector.broadcast %gt3A_86 : i32 to vector<16xi32>
    %gt3A_88 = arith.cmpi sgt, %get3A_70, %gt3A_87 : vector<16xi32>
    %mul3A_89 = arith.constant 128 : i32
    %mul3A_90 = arith.muli %add3A, %mul3A_89 : i32
    %add3A_91 = vector.broadcast %mul3A_90 : i32 to vector<16xi32>
    %add3A_92 = arith.addi %add3A_91, %add3A_73 : vector<16xi32>
    %and3A_93 = arith.constant 63 : i32
    %and3A_94 = vector.broadcast %and3A_93 : i32 to vector<16xi32>
    %and3A_95 = arith.andi %add3A_73, %and3A_94 : vector<16xi32>
    %add3A_96 = arith.constant 4096 : i32
    %add3A_97 = vector.broadcast %add3A_96 : i32 to vector<16xi32>
    %add3A_98 = arith.addi %add3A_97, %and3A_95 : vector<16xi32>
    %select_n3A_99 = arith.select %gt3A_88, %add3A_92, %add3A_98 : vector<16xi1>, vector<16xi32>
    %swap3A_100 = arith.constant 32 : index
    %swap3A_101 = tpu.vector_load %arg11[%swap3A_100] {strides = array<i32>} : memref<128xi32, #tpu.memory_space<vmem>>, vector<16xi32>,
    tpu.vector_store %arg11[%swap3A_100], %select_n3A_99 {strides = array<i32>} : memref<128xi32, #tpu.memory_space<vmem>>, vector<16xi32>,
    %get3A_102 = arith.constant 48 : index
    %get3A_103 = tpu.vector_load %arg9[%get3A_102] {strides = array<i32>} : memref<128xi32, #tpu.memory_space<vmem>>, vector<16xi32>,
    %add3A_104 = arith.constant 48 : i32
    %add3A_105 = vector.broadcast %add3A_104 : i32 to vector<16xi32>
    %add3A_106 = arith.addi %iota3A, %add3A_105 : vector<16xi32>
    %gt3A_107 = arith.constant 0 : i32
    %gt3A_108 = vector.broadcast %gt3A_107 : i32 to vector<16xi32>
    %gt3A_109 = arith.cmpi sgt, %get3A_103, %gt3A_108 : vector<16xi32>
    %sub3A_110 = arith.constant 1 : i32
    %sub3A_111 = vector.broadcast %sub3A_110 : i32 to vector<16xi32>
    %sub3A_112 = arith.subi %get3A_103, %sub3A_111 : vector<16xi32>
    %and3A_113 = arith.constant 63 : i32
    %and3A_114 = vector.broadcast %and3A_113 : i32 to vector<16xi32>
    %and3A_115 = arith.andi %add3A_106, %and3A_114 : vector<16xi32>
    %select_n3A_116 = arith.select %gt3A_109, %sub3A_112, %and3A_115 : vector<16xi1>, vector<16xi32>
    %swap3A_117 = arith.constant 48 : index
    %swap3A_118 = tpu.vector_load %arg10[%swap3A_117] {strides = array<i32>} : memref<128xi32, #tpu.memory_space<vmem>>, vector<16xi32>,
    tpu.vector_store %arg10[%swap3A_117], %select_n3A_116 {strides = array<i32>} : memref<128xi32, #tpu.memory_space<vmem>>, vector<16xi32>,
    %gt3A_119 = arith.constant 0 : i32
    %gt3A_120 = vector.broadcast %gt3A_119 : i32 to vector<16xi32>
    %gt3A_121 = arith.cmpi sgt, %get3A_103, %gt3A_120 : vector<16xi32>
    %mul3A_122 = arith.constant 128 : i32
    %mul3A_123 = arith.muli %add3A, %mul3A_122 : i32
    %add3A_124 = vector.broadcast %mul3A_123 : i32 to vector<16xi32>
    %add3A_125 = arith.addi %add3A_124, %add3A_106 : vector<16xi32>
    %and3A_126 = arith.constant 63 : i32
    %and3A_127 = vector.broadcast %and3A_126 : i32 to vector<16xi32>
    %and3A_128 = arith.andi %add3A_106, %and3A_127 : vector<16xi32>
    %add3A_129 = arith.constant 4096 : i32
    %add3A_130 = vector.broadcast %add3A_129 : i32 to vector<16xi32>
    %add3A_131 = arith.addi %add3A_130, %and3A_128 : vector<16xi32>
    %select_n3A_132 = arith.select %gt3A_121, %add3A_125, %add3A_131 : vector<16xi1>, vector<16xi32>
    %swap3A_133 = arith.constant 48 : index
    %swap3A_134 = tpu.vector_load %arg11[%swap3A_133] {strides = array<i32>} : memref<128xi32, #tpu.memory_space<vmem>>, vector<16xi32>,
    tpu.vector_store %arg11[%swap3A_133], %select_n3A_132 {strides = array<i32>} : memref<128xi32, #tpu.memory_space<vmem>>, vector<16xi32>,
    %get3A_135 = arith.constant 64 : index
    %get3A_136 = tpu.vector_load %arg9[%get3A_135] {strides = array<i32>} : memref<128xi32, #tpu.memory_space<vmem>>, vector<16xi32>,
    %add3A_137 = arith.constant 64 : i32
    %add3A_138 = vector.broadcast %add3A_137 : i32 to vector<16xi32>
    %add3A_139 = arith.addi %iota3A, %add3A_138 : vector<16xi32>
    %gt3A_140 = arith.constant 0 : i32
    %gt3A_141 = vector.broadcast %gt3A_140 : i32 to vector<16xi32>
    %gt3A_142 = arith.cmpi sgt, %get3A_136, %gt3A_141 : vector<16xi32>
    %sub3A_143 = arith.constant 1 : i32
    %sub3A_144 = vector.broadcast %sub3A_143 : i32 to vector<16xi32>
    %sub3A_145 = arith.subi %get3A_136, %sub3A_144 : vector<16xi32>
    %and3A_146 = arith.constant 63 : i32
    %and3A_147 = vector.broadcast %and3A_146 : i32 to vector<16xi32>
    %and3A_148 = arith.andi %add3A_139, %and3A_147 : vector<16xi32>
    %select_n3A_149 = arith.select %gt3A_142, %sub3A_145, %and3A_148 : vector<16xi1>, vector<16xi32>
    %swap3A_150 = arith.constant 64 : index
    %swap3A_151 = tpu.vector_load %arg10[%swap3A_150] {strides = array<i32>} : memref<128xi32, #tpu.memory_space<vmem>>, vector<16xi32>,
    tpu.vector_store %arg10[%swap3A_150], %select_n3A_149 {strides = array<i32>} : memref<128xi32, #tpu.memory_space<vmem>>, vector<16xi32>,
    %gt3A_152 = arith.constant 0 : i32
    %gt3A_153 = vector.broadcast %gt3A_152 : i32 to vector<16xi32>
    %gt3A_154 = arith.cmpi sgt, %get3A_136, %gt3A_153 : vector<16xi32>
    %mul3A_155 = arith.constant 128 : i32
    %mul3A_156 = arith.muli %add3A, %mul3A_155 : i32
    %add3A_157 = vector.broadcast %mul3A_156 : i32 to vector<16xi32>
    %add3A_158 = arith.addi %add3A_157, %add3A_139 : vector<16xi32>
    %and3A_159 = arith.constant 63 : i32
    %and3A_160 = vector.broadcast %and3A_159 : i32 to vector<16xi32>
    %and3A_161 = arith.andi %add3A_139, %and3A_160 : vector<16xi32>
    %add3A_162 = arith.constant 4096 : i32
    %add3A_163 = vector.broadcast %add3A_162 : i32 to vector<16xi32>
    %add3A_164 = arith.addi %add3A_163, %and3A_161 : vector<16xi32>
    %select_n3A_165 = arith.select %gt3A_154, %add3A_158, %add3A_164 : vector<16xi1>, vector<16xi32>
    %swap3A_166 = arith.constant 64 : index
    %swap3A_167 = tpu.vector_load %arg11[%swap3A_166] {strides = array<i32>} : memref<128xi32, #tpu.memory_space<vmem>>, vector<16xi32>,
    tpu.vector_store %arg11[%swap3A_166], %select_n3A_165 {strides = array<i32>} : memref<128xi32, #tpu.memory_space<vmem>>, vector<16xi32>,
    %get3A_168 = arith.constant 80 : index
    %get3A_169 = tpu.vector_load %arg9[%get3A_168] {strides = array<i32>} : memref<128xi32, #tpu.memory_space<vmem>>, vector<16xi32>,
    %add3A_170 = arith.constant 80 : i32
    %add3A_171 = vector.broadcast %add3A_170 : i32 to vector<16xi32>
    %add3A_172 = arith.addi %iota3A, %add3A_171 : vector<16xi32>
    %gt3A_173 = arith.constant 0 : i32
    %gt3A_174 = vector.broadcast %gt3A_173 : i32 to vector<16xi32>
    %gt3A_175 = arith.cmpi sgt, %get3A_169, %gt3A_174 : vector<16xi32>
    %sub3A_176 = arith.constant 1 : i32
    %sub3A_177 = vector.broadcast %sub3A_176 : i32 to vector<16xi32>
    %sub3A_178 = arith.subi %get3A_169, %sub3A_177 : vector<16xi32>
    %and3A_179 = arith.constant 63 : i32
    %and3A_180 = vector.broadcast %and3A_179 : i32 to vector<16xi32>
    %and3A_181 = arith.andi %add3A_172, %and3A_180 : vector<16xi32>
    %select_n3A_182 = arith.select %gt3A_175, %sub3A_178, %and3A_181 : vector<16xi1>, vector<16xi32>
    %swap3A_183 = arith.constant 80 : index
    %swap3A_184 = tpu.vector_load %arg10[%swap3A_183] {strides = array<i32>} : memref<128xi32, #tpu.memory_space<vmem>>, vector<16xi32>,
    tpu.vector_store %arg10[%swap3A_183], %select_n3A_182 {strides = array<i32>} : memref<128xi32, #tpu.memory_space<vmem>>, vector<16xi32>,
    %gt3A_185 = arith.constant 0 : i32
    %gt3A_186 = vector.broadcast %gt3A_185 : i32 to vector<16xi32>
    %gt3A_187 = arith.cmpi sgt, %get3A_169, %gt3A_186 : vector<16xi32>
    %mul3A_188 = arith.constant 128 : i32
    %mul3A_189 = arith.muli %add3A, %mul3A_188 : i32
    %add3A_190 = vector.broadcast %mul3A_189 : i32 to vector<16xi32>
    %add3A_191 = arith.addi %add3A_190, %add3A_172 : vector<16xi32>
    %and3A_192 = arith.constant 63 : i32
    %and3A_193 = vector.broadcast %and3A_192 : i32 to vector<16xi32>
    %and3A_194 = arith.andi %add3A_172, %and3A_193 : vector<16xi32>
    %add3A_195 = arith.constant 4096 : i32
    %add3A_196 = vector.broadcast %add3A_195 : i32 to vector<16xi32>
    %add3A_197 = arith.addi %add3A_196, %and3A_194 : vector<16xi32>
    %select_n3A_198 = arith.select %gt3A_187, %add3A_191, %add3A_197 : vector<16xi1>, vector<16xi32>
    %swap3A_199 = arith.constant 80 : index
    %swap3A_200 = tpu.vector_load %arg11[%swap3A_199] {strides = array<i32>} : memref<128xi32, #tpu.memory_space<vmem>>, vector<16xi32>,
    tpu.vector_store %arg11[%swap3A_199], %select_n3A_198 {strides = array<i32>} : memref<128xi32, #tpu.memory_space<vmem>>, vector<16xi32>,
    %get3A_201 = arith.constant 96 : index
    %get3A_202 = tpu.vector_load %arg9[%get3A_201] {strides = array<i32>} : memref<128xi32, #tpu.memory_space<vmem>>, vector<16xi32>,
    %add3A_203 = arith.constant 96 : i32
    %add3A_204 = vector.broadcast %add3A_203 : i32 to vector<16xi32>
    %add3A_205 = arith.addi %iota3A, %add3A_204 : vector<16xi32>
    %gt3A_206 = arith.constant 0 : i32
    %gt3A_207 = vector.broadcast %gt3A_206 : i32 to vector<16xi32>
    %gt3A_208 = arith.cmpi sgt, %get3A_202, %gt3A_207 : vector<16xi32>
    %sub3A_209 = arith.constant 1 : i32
    %sub3A_210 = vector.broadcast %sub3A_209 : i32 to vector<16xi32>
    %sub3A_211 = arith.subi %get3A_202, %sub3A_210 : vector<16xi32>
    %and3A_212 = arith.constant 63 : i32
    %and3A_213 = vector.broadcast %and3A_212 : i32 to vector<16xi32>
    %and3A_214 = arith.andi %add3A_205, %and3A_213 : vector<16xi32>
    %select_n3A_215 = arith.select %gt3A_208, %sub3A_211, %and3A_214 : vector<16xi1>, vector<16xi32>
    %swap3A_216 = arith.constant 96 : index
    %swap3A_217 = tpu.vector_load %arg10[%swap3A_216] {strides = array<i32>} : memref<128xi32, #tpu.memory_space<vmem>>, vector<16xi32>,
    tpu.vector_store %arg10[%swap3A_216], %select_n3A_215 {strides = array<i32>} : memref<128xi32, #tpu.memory_space<vmem>>, vector<16xi32>,
    %gt3A_218 = arith.constant 0 : i32
    %gt3A_219 = vector.broadcast %gt3A_218 : i32 to vector<16xi32>
    %gt3A_220 = arith.cmpi sgt, %get3A_202, %gt3A_219 : vector<16xi32>
    %mul3A_221 = arith.constant 128 : i32
    %mul3A_222 = arith.muli %add3A, %mul3A_221 : i32
    %add3A_223 = vector.broadcast %mul3A_222 : i32 to vector<16xi32>
    %add3A_224 = arith.addi %add3A_223, %add3A_205 : vector<16xi32>
    %and3A_225 = arith.constant 63 : i32
    %and3A_226 = vector.broadcast %and3A_225 : i32 to vector<16xi32>
    %and3A_227 = arith.andi %add3A_205, %and3A_226 : vector<16xi32>
    %add3A_228 = arith.constant 4096 : i32
    %add3A_229 = vector.broadcast %add3A_228 : i32 to vector<16xi32>
    %add3A_230 = arith.addi %add3A_229, %and3A_227 : vector<16xi32>
    %select_n3A_231 = arith.select %gt3A_220, %add3A_224, %add3A_230 : vector<16xi1>, vector<16xi32>
    %swap3A_232 = arith.constant 96 : index
    %swap3A_233 = tpu.vector_load %arg11[%swap3A_232] {strides = array<i32>} : memref<128xi32, #tpu.memory_space<vmem>>, vector<16xi32>,
    tpu.vector_store %arg11[%swap3A_232], %select_n3A_231 {strides = array<i32>} : memref<128xi32, #tpu.memory_space<vmem>>, vector<16xi32>,
    %get3A_234 = arith.constant 112 : index
    %get3A_235 = tpu.vector_load %arg9[%get3A_234] {strides = array<i32>} : memref<128xi32, #tpu.memory_space<vmem>>, vector<16xi32>,
    %add3A_236 = arith.constant 112 : i32
    %add3A_237 = vector.broadcast %add3A_236 : i32 to vector<16xi32>
    %add3A_238 = arith.addi %iota3A, %add3A_237 : vector<16xi32>
    %gt3A_239 = arith.constant 0 : i32
    %gt3A_240 = vector.broadcast %gt3A_239 : i32 to vector<16xi32>
    %gt3A_241 = arith.cmpi sgt, %get3A_235, %gt3A_240 : vector<16xi32>
    %sub3A_242 = arith.constant 1 : i32
    %sub3A_243 = vector.broadcast %sub3A_242 : i32 to vector<16xi32>
    %sub3A_244 = arith.subi %get3A_235, %sub3A_243 : vector<16xi32>
    %and3A_245 = arith.constant 63 : i32
    %and3A_246 = vector.broadcast %and3A_245 : i32 to vector<16xi32>
    %and3A_247 = arith.andi %add3A_238, %and3A_246 : vector<16xi32>
    %select_n3A_248 = arith.select %gt3A_241, %sub3A_244, %and3A_247 : vector<16xi1>, vector<16xi32>
    %swap3A_249 = arith.constant 112 : index
    %swap3A_250 = tpu.vector_load %arg10[%swap3A_249] {strides = array<i32>} : memref<128xi32, #tpu.memory_space<vmem>>, vector<16xi32>,
    tpu.vector_store %arg10[%swap3A_249], %select_n3A_248 {strides = array<i32>} : memref<128xi32, #tpu.memory_space<vmem>>, vector<16xi32>,
    %gt3A_251 = arith.constant 0 : i32
    %gt3A_252 = vector.broadcast %gt3A_251 : i32 to vector<16xi32>
    %gt3A_253 = arith.cmpi sgt, %get3A_235, %gt3A_252 : vector<16xi32>
    %mul3A_254 = arith.constant 128 : i32
    %mul3A_255 = arith.muli %add3A, %mul3A_254 : i32
    %add3A_256 = vector.broadcast %mul3A_255 : i32 to vector<16xi32>
    %add3A_257 = arith.addi %add3A_256, %add3A_238 : vector<16xi32>
    %and3A_258 = arith.constant 63 : i32
    %and3A_259 = vector.broadcast %and3A_258 : i32 to vector<16xi32>
    %and3A_260 = arith.andi %add3A_238, %and3A_259 : vector<16xi32>
    %add3A_261 = arith.constant 4096 : i32
    %add3A_262 = vector.broadcast %add3A_261 : i32 to vector<16xi32>
    %add3A_263 = arith.addi %add3A_262, %and3A_260 : vector<16xi32>
    %select_n3A_264 = arith.select %gt3A_253, %add3A_257, %add3A_263 : vector<16xi1>, vector<16xi32>
    %swap3A_265 = arith.constant 112 : index
    %swap3A_266 = tpu.vector_load %arg11[%swap3A_265] {strides = array<i32>} : memref<128xi32, #tpu.memory_space<vmem>>, vector<16xi32>,
    tpu.vector_store %arg11[%swap3A_265], %select_n3A_264 {strides = array<i32>} : memref<128xi32, #tpu.memory_space<vmem>>, vector<16xi32>,
    %mul3A_267 = arith.constant 128 : i32
    %mul3A_268 = arith.muli %add3A, %mul3A_267 : i32
    %dma_start3A = arith.constant 0 : i32
    %dma_start3A_269 = tpu.memref_slice %arg6[%mul3A_268, %dma_start3A] : memref<4160x32xf32, #tpu.memory_space<hbm>> -> memref<128x32xf32, #tpu.memory_space<hbm>>
    %dma_start3A_270 = arith.constant 0 : i32
    %dma_start3A_271 = tpu.memref_slice %arg6[%mul3A_268, %dma_start3A_270] : memref<4160x32xf32, #tpu.memory_space<hbm>> -> memref<128x32xf32, #tpu.memory_space<hbm>>
    tpu.enqueue_dma source(%arg15 : memref<128x32xf32, #tpu.memory_space<vmem>>) target(%dma_start3A_271 : memref<128x32xf32, #tpu.memory_space<hbm>>) target_semaphore(%arg17 : memref<!tpu.dma_semaphore, #tpu.memory_space<semaphore_mem>>)
    %mul3A_272 = arith.constant 128 : i32
    %mul3A_273 = arith.muli %add3A, %mul3A_272 : i32
    %dma_start3A_274 = arith.constant 0 : i32
    %dma_start3A_275 = tpu.memref_slice %arg7[%mul3A_273, %dma_start3A_274] : memref<4160x32xf32, #tpu.memory_space<hbm>> -> memref<128x32xf32, #tpu.memory_space<hbm>>
    %dma_start3A_276 = arith.constant 0 : i32
    %dma_start3A_277 = tpu.memref_slice %arg7[%mul3A_273, %dma_start3A_276] : memref<4160x32xf32, #tpu.memory_space<hbm>> -> memref<128x32xf32, #tpu.memory_space<hbm>>
    tpu.enqueue_dma source(%arg15 : memref<128x32xf32, #tpu.memory_space<vmem>>) target(%dma_start3A_277 : memref<128x32xf32, #tpu.memory_space<hbm>>) target_semaphore(%arg17 : memref<!tpu.dma_semaphore, #tpu.memory_space<semaphore_mem>>)
    %mul3A_278 = arith.constant 128 : i32
    %mul3A_279 = arith.muli %add3A, %mul3A_278 : i32
    %dma_start3A_280 = arith.constant 0 : i32
    %dma_start3A_281 = tpu.memref_slice %arg8[%mul3A_279, %dma_start3A_280] : memref<4160x16xf32, #tpu.memory_space<hbm>> -> memref<128x16xf32, #tpu.memory_space<hbm>>
    %dma_start3A_282 = arith.constant 0 : i32
    %dma_start3A_283 = tpu.memref_slice %arg8[%mul3A_279, %dma_start3A_282] : memref<4160x16xf32, #tpu.memory_space<hbm>> -> memref<128x16xf32, #tpu.memory_space<hbm>>
    tpu.enqueue_dma source(%arg16 : memref<128x16xf32, #tpu.memory_space<vmem>>) target(%dma_start3A_283 : memref<128x16xf32, #tpu.memory_space<hbm>>) target_semaphore(%arg17 : memref<!tpu.dma_semaphore, #tpu.memory_space<semaphore_mem>>)
    %dma_start3A_284 = arith.constant 0 : i32
    %dma_start3A_285 = arith.constant 0 : i32
    %dma_start3A_286 = tpu.memref_slice %arg3[%dma_start3A_284, %dma_start3A_285] : memref<16384x32xf32, #tpu.memory_space<hbm>> -> memref<16384x32xf32, #tpu.memory_space<hbm>>
    tpu.enqueue_indirect_dma source(%dma_start3A_286 : memref<16384x32xf32, #tpu.memory_space<hbm>>) target(%arg12 : memref<128x32xf32, #tpu.memory_space<vmem>>) offsets(%arg10 : memref<128xi32, #tpu.memory_space<vmem>>) semaphore(%arg17 : memref<!tpu.dma_semaphore, #tpu.memory_space<semaphore_mem>>)
    %dma_start3A_287 = arith.constant 0 : i32
    %dma_start3A_288 = arith.constant 0 : i32
    %dma_start3A_289 = tpu.memref_slice %arg4[%dma_start3A_287, %dma_start3A_288] : memref<16384x32xf32, #tpu.memory_space<hbm>> -> memref<16384x32xf32, #tpu.memory_space<hbm>>
    tpu.enqueue_indirect_dma source(%dma_start3A_289 : memref<16384x32xf32, #tpu.memory_space<hbm>>) target(%arg13 : memref<128x32xf32, #tpu.memory_space<vmem>>) offsets(%arg10 : memref<128xi32, #tpu.memory_space<vmem>>) semaphore(%arg17 : memref<!tpu.dma_semaphore, #tpu.memory_space<semaphore_mem>>)
    %dma_start3A_290 = arith.constant 0 : i32
    %dma_start3A_291 = arith.constant 0 : i32
    %dma_start3A_292 = tpu.memref_slice %arg5[%dma_start3A_290, %dma_start3A_291] : memref<16384x16xf32, #tpu.memory_space<hbm>> -> memref<16384x16xf32, #tpu.memory_space<hbm>>
    tpu.enqueue_indirect_dma source(%dma_start3A_292 : memref<16384x16xf32, #tpu.memory_space<hbm>>) target(%arg14 : memref<128x16xf32, #tpu.memory_space<vmem>>) offsets(%arg10 : memref<128xi32, #tpu.memory_space<vmem>>) semaphore(%arg17 : memref<!tpu.dma_semaphore, #tpu.memory_space<semaphore_mem>>)
    %dma_wait3A = arith.constant 0 : i32
    %dma_wait3A_293 = tpu.memref_slice %arg6[%mul3A_268, %dma_wait3A] : memref<4160x32xf32, #tpu.memory_space<hbm>> -> memref<128x32xf32, #tpu.memory_space<hbm>>
    %dma_wait3A_294 = arith.constant 0 : i32
    %dma_wait3A_295 = tpu.memref_slice %arg6[%mul3A_268, %dma_wait3A_294] : memref<4160x32xf32, #tpu.memory_space<hbm>> -> memref<128x32xf32, #tpu.memory_space<hbm>>
    tpu.wait_dma2 semaphore(%arg17 : memref<!tpu.dma_semaphore, #tpu.memory_space<semaphore_mem>>) src(%arg15 : memref<128x32xf32, #tpu.memory_space<vmem>>) dst(%dma_wait3A_295 : memref<128x32xf32, #tpu.memory_space<hbm>>)
    %dma_wait3A_296 = arith.constant 0 : i32
    %dma_wait3A_297 = tpu.memref_slice %arg7[%mul3A_273, %dma_wait3A_296] : memref<4160x32xf32, #tpu.memory_space<hbm>> -> memref<128x32xf32, #tpu.memory_space<hbm>>
    %dma_wait3A_298 = arith.constant 0 : i32
    %dma_wait3A_299 = tpu.memref_slice %arg7[%mul3A_273, %dma_wait3A_298] : memref<4160x32xf32, #tpu.memory_space<hbm>> -> memref<128x32xf32, #tpu.memory_space<hbm>>
    tpu.wait_dma2 semaphore(%arg17 : memref<!tpu.dma_semaphore, #tpu.memory_space<semaphore_mem>>) src(%arg15 : memref<128x32xf32, #tpu.memory_space<vmem>>) dst(%dma_wait3A_299 : memref<128x32xf32, #tpu.memory_space<hbm>>)
    %dma_wait3A_300 = arith.constant 0 : i32
    %dma_wait3A_301 = tpu.memref_slice %arg8[%mul3A_279, %dma_wait3A_300] : memref<4160x16xf32, #tpu.memory_space<hbm>> -> memref<128x16xf32, #tpu.memory_space<hbm>>
    %dma_wait3A_302 = arith.constant 0 : i32
    %dma_wait3A_303 = tpu.memref_slice %arg8[%mul3A_279, %dma_wait3A_302] : memref<4160x16xf32, #tpu.memory_space<hbm>> -> memref<128x16xf32, #tpu.memory_space<hbm>>
    tpu.wait_dma2 semaphore(%arg17 : memref<!tpu.dma_semaphore, #tpu.memory_space<semaphore_mem>>) src(%arg16 : memref<128x16xf32, #tpu.memory_space<vmem>>) dst(%dma_wait3A_303 : memref<128x16xf32, #tpu.memory_space<hbm>>)
    %dma_wait3A_304 = arith.constant 0 : i32
    %dma_wait3A_305 = arith.constant 0 : i32
    %dma_wait3A_306 = tpu.memref_slice %arg3[%dma_wait3A_304, %dma_wait3A_305] : memref<16384x32xf32, #tpu.memory_space<hbm>> -> memref<16384x32xf32, #tpu.memory_space<hbm>>
    tpu.wait_indirect_dma semaphore(%arg17 : memref<!tpu.dma_semaphore, #tpu.memory_space<semaphore_mem>>) src(%dma_wait3A_306 : memref<16384x32xf32, #tpu.memory_space<hbm>>) dst(%arg12 : memref<128x32xf32, #tpu.memory_space<vmem>>)
    %dma_wait3A_307 = arith.constant 0 : i32
    %dma_wait3A_308 = arith.constant 0 : i32
    %dma_wait3A_309 = tpu.memref_slice %arg4[%dma_wait3A_307, %dma_wait3A_308] : memref<16384x32xf32, #tpu.memory_space<hbm>> -> memref<16384x32xf32, #tpu.memory_space<hbm>>
    tpu.wait_indirect_dma semaphore(%arg17 : memref<!tpu.dma_semaphore, #tpu.memory_space<semaphore_mem>>) src(%dma_wait3A_309 : memref<16384x32xf32, #tpu.memory_space<hbm>>) dst(%arg13 : memref<128x32xf32, #tpu.memory_space<vmem>>)
    %dma_wait3A_310 = arith.constant 0 : i32
    %dma_wait3A_311 = arith.constant 0 : i32
    %dma_wait3A_312 = tpu.memref_slice %arg5[%dma_wait3A_310, %dma_wait3A_311] : memref<16384x16xf32, #tpu.memory_space<hbm>> -> memref<16384x16xf32, #tpu.memory_space<hbm>>
    tpu.wait_indirect_dma semaphore(%arg17 : memref<!tpu.dma_semaphore, #tpu.memory_space<semaphore_mem>>) src(%dma_wait3A_312 : memref<16384x16xf32, #tpu.memory_space<hbm>>) dst(%arg14 : memref<128x16xf32, #tpu.memory_space<vmem>>)
    %dma_start3A_313 = arith.constant 0 : i32
    %dma_start3A_314 = arith.constant 0 : i32
    %dma_start3A_315 = tpu.memref_slice %arg6[%dma_start3A_313, %dma_start3A_314] : memref<4160x32xf32, #tpu.memory_space<hbm>> -> memref<4160x32xf32, #tpu.memory_space<hbm>>
    tpu.enqueue_indirect_dma source(%arg12 : memref<128x32xf32, #tpu.memory_space<vmem>>) target(%dma_start3A_315 : memref<4160x32xf32, #tpu.memory_space<hbm>>) offsets(%arg11 : memref<128xi32, #tpu.memory_space<vmem>>) semaphore(%arg17 : memref<!tpu.dma_semaphore, #tpu.memory_space<semaphore_mem>>)
    %dma_start3A_316 = arith.constant 0 : i32
    %dma_start3A_317 = arith.constant 0 : i32
    %dma_start3A_318 = tpu.memref_slice %arg7[%dma_start3A_316, %dma_start3A_317] : memref<4160x32xf32, #tpu.memory_space<hbm>> -> memref<4160x32xf32, #tpu.memory_space<hbm>>
    tpu.enqueue_indirect_dma source(%arg13 : memref<128x32xf32, #tpu.memory_space<vmem>>) target(%dma_start3A_318 : memref<4160x32xf32, #tpu.memory_space<hbm>>) offsets(%arg11 : memref<128xi32, #tpu.memory_space<vmem>>) semaphore(%arg17 : memref<!tpu.dma_semaphore, #tpu.memory_space<semaphore_mem>>)
    %dma_start3A_319 = arith.constant 0 : i32
    %dma_start3A_320 = arith.constant 0 : i32
    %dma_start3A_321 = tpu.memref_slice %arg8[%dma_start3A_319, %dma_start3A_320] : memref<4160x16xf32, #tpu.memory_space<hbm>> -> memref<4160x16xf32, #tpu.memory_space<hbm>>
    tpu.enqueue_indirect_dma source(%arg14 : memref<128x16xf32, #tpu.memory_space<vmem>>) target(%dma_start3A_321 : memref<4160x16xf32, #tpu.memory_space<hbm>>) offsets(%arg11 : memref<128xi32, #tpu.memory_space<vmem>>) semaphore(%arg17 : memref<!tpu.dma_semaphore, #tpu.memory_space<semaphore_mem>>)
    %dma_wait3A_322 = arith.constant 0 : i32
    %dma_wait3A_323 = arith.constant 0 : i32
    %dma_wait3A_324 = tpu.memref_slice %arg6[%dma_wait3A_322, %dma_wait3A_323] : memref<4160x32xf32, #tpu.memory_space<hbm>> -> memref<4160x32xf32, #tpu.memory_space<hbm>>
    tpu.wait_indirect_dma semaphore(%arg17 : memref<!tpu.dma_semaphore, #tpu.memory_space<semaphore_mem>>) src(%arg12 : memref<128x32xf32, #tpu.memory_space<vmem>>) dst(%dma_wait3A_324 : memref<4160x32xf32, #tpu.memory_space<hbm>>)
    %dma_wait3A_325 = arith.constant 0 : i32
    %dma_wait3A_326 = arith.constant 0 : i32
    %dma_wait3A_327 = tpu.memref_slice %arg7[%dma_wait3A_325, %dma_wait3A_326] : memref<4160x32xf32, #tpu.memory_space<hbm>> -> memref<4160x32xf32, #tpu.memory_space<hbm>>
    tpu.wait_indirect_dma semaphore(%arg17 : memref<!tpu.dma_semaphore, #tpu.memory_space<semaphore_mem>>) src(%arg13 : memref<128x32xf32, #tpu.memory_space<vmem>>) dst(%dma_wait3A_327 : memref<4160x32xf32, #tpu.memory_space<hbm>>)
    %dma_wait3A_328 = arith.constant 0 : i32
    %dma_wait3A_329 = arith.constant 0 : i32
    %dma_wait3A_330 = tpu.memref_slice %arg8[%dma_wait3A_328, %dma_wait3A_329] : memref<4160x16xf32, #tpu.memory_space<hbm>> -> memref<4160x16xf32, #tpu.memory_space<hbm>>
    tpu.wait_indirect_dma semaphore(%arg17 : memref<!tpu.dma_semaphore, #tpu.memory_space<semaphore_mem>>) src(%arg14 : memref<128x16xf32, #tpu.memory_space<vmem>>) dst(%dma_wait3A_330 : memref<4160x16xf32, #tpu.memory_space<hbm>>)
    return
  }
}

</mosaic_0001>

<sc_bundles>
// kernel: _sc_call.4.cloned.1.call-start
scs
__scs_entry_jumppad:
0x0: {  	(pc) =	sbr.rel $0x88, $3  }
0x1: {  	(tag) =	ssettag $0x0;
	lr =	simm.s32 $0x1  }
0x2: {  	[smem:$0x3F9C] =	sst lr;
	_ =	strace $0xD0000000  }
0x3: {  	_ = 	snop  }
0x4: {  	_ = 	snop  }
0x5: {  	_ = 	snop  }
0x6: {  	_ = 	snop  }
0x7: {  	_ = 	snop  }
__scs_overlays_trampoline_lowered:
0x8: {  	[smem:$0x3FAB] =	sst s0  }
0x9: {  	[smem:$0x3FAC] =	sst s1  }
0xa: {  	[smem:$0x3FAD] =	sst s2  }
0xb: {  	[smem:$0x3FAE] =	sst s3  }
0xc: {  	[smem:$0x3FAF] =	sst s4  }
0xd: {  	[smem:$0x3FB0] =	sst s5  }
0xe: {  	[smem:$0x3FB1] =	sst s6  }
0xf: {  	[smem:$0x3FB2] =	sst s7  }
0x10: {  	[smem:$0x3FB3] =	sst s8  }
0x11: {  	[smem:$0x3FB4] =	sst s9;
	s0 =	simm.s32 @!p0 $0x0  }
0x12: {  	s1 =	sld [smem:$0x3F9A];
	s0 =	simm.s32 @p0 $0x1  }
0x13: {  	[smem:$0x3FB5] =	sst s0;
	s0 =	simm.s32 @!p1 $0x0  }
0x14: {  	s2 =	sld [smem:$0x3F99];
	s0 =	simm.s32 @p1 $0x1  }
0x15: {  	[smem:$0x3FB6] =	sst s0;
	s0 =	simm.s32 @!p2 $0x0  }
0x16: {  	s3 =	sld [smem:$0x3FDB];
	s0 =	simm.s32 @p2 $0x1  }
0x17: {  	s4 =	simm.s32 $0x1BF5;
	[smem:$0x3FB8] =	sst s0  }
0x18: {  	s0 =	sld [smem:$0x3F9B];
	_ =	swait.ge [sflag:s4], $0x0  }
0x19: {  	s7 =	sld [smem:$0x3F9C]  }
0x1a: {  	s8 =	sadd.s32 $0xFFFFE003, lr  }
0x1b: {  	s9 =	sadd.s32 $0xFFFFFEF7, lr;
	s5 =	simm.s32 $0xFFFFFFFF;
	p2 =	slt.u32 s8, $0xFFFFF086  }
0x1c: {  	p1 =	slt.u32 s9, $0xF7A;
	s5 =	simm.s32 @!p2 $0x0  }
0x1d: {  	s5 =	simm.s32 @p1 $0x1;
	p0 =	seq.s32 s7, s2  }
0x1e: {  	s7 =	smul.u32 @!p0 $0xF7A, s2;
	p2 =	seq.s32 @!p0 s5, $0x0  }
0x1f: {  	s9 =	smul.u32 $0xF7A, s1;
	s8 =	simm.s32 @!p0 $0x1BF5;
	p2 =	por !p2, p0  }
0x20: {  	[sflag:s8] =	ssyncset.s32 @!p0 $0xFFFFF086;
	s6 =	sadd.s32 @!p0 s3, s7;
	s7 =	simm.s32 @!p0 $0x108  }
0x21: {  	s3 =	sadd.s32 s3, s9;
	s6 =	sadd.s32 @!p0 $0x88, s6;
	s7 =	simm.s32 @p2 $0x1082  }
0x22: {  	[simem:s7], [sflag:s8] =	dma.local @!p0 [hbm:s6], $0xF7A  }
0x23: {  	s9 =	sor.u32 $0xD0000000, s2;
	s6 =	simm.s32 $0x108;
	_ =	swait.ge @!p0 [sflag:s8], $0x0  }
0x24: {  	s3 =	sadd.s32 $0x88, s3;
	s6 =	simm.s32 @!p1 $0x1082;
	[sflag:s4] =	ssyncset.s32 $0xFFFFF086  }
0x25: {  	[simem:s6], [sflag:s4] =	dma.local [hbm:s3], $0xF7A  }
0x26: {  	[smem:$0x3F9C] =	sst s1;
	(tag) =	ssettag s2;
	_ =	strace s9  }
0x27: {  	s1 =	sld [smem:$0x3FAC]  }
0x28: {  	s2 =	sld [smem:$0x3FAD]  }
0x29: {  	s4 =	sld [smem:$0x3FAF]  }
0x2a: {  	p0 =	seq.s32 s5, $0x0;
	s5 =	sld [smem:$0x3FB0]  }
0x2b: {  	s6 =	sld [smem:$0x3FB1]  }
0x2c: {  	s7 =	sld [smem:$0x3FB2]  }
0x2d: {  	s3 =	simm.s32 $0x108;
	s8 =	sld [smem:$0x3FB3]  }
0x2e: {  	s3 =	simm.s32 @!p0 $0x1082;
	s9 =	sld [smem:$0x3FB4]  }
0x2f: {  	lr =	sadd.s32 s0, s3;
	s0 =	sld [smem:$0x3FAB]  }
0x30: {  	s3 =	sld [smem:$0x3FAE]  }
0x31: {  	[smem:$0x3FB7] =	sst s10  }
0x32: {  	s10 =	sld [smem:$0x3FB5];
	_ =	sdelay $0x3  }
0x33: {  	p0 =	seq.s32 s10, $0x1;
	s10 =	sld [smem:$0x3FB7];
	_ =	sdelay $0x3  }
0x34: {  	[smem:$0x3FB7] =	sst s10  }
0x35: {  	s10 =	sld [smem:$0x3FB6];
	_ =	sdelay $0x3  }
0x36: {  	p1 =	seq.s32 s10, $0x1;
	s10 =	sld [smem:$0x3FB7];
	_ =	sdelay $0x3  }
0x37: {  	[smem:$0x3FB7] =	sst s10  }
0x38: {  	s10 =	sld [smem:$0x3FB8]  }
0x39: {  	_ = 	snop;
	(pc) =	sbr.ind lr, $3  }
0x3a: {  	_ = 	snop  }
0x3b: {  	_ = 	snop  }
0x3c: {  	p2 =	seq.s32 s10, $0x1;
	s10 =	sld [smem:$0x3FB7]  }
0x3d: {  	_ =	shalt  }
0x3e: {  	_ =	shalt  }
0x3f: {  	_ =	shalt  }
0x40: {  	_ =	shalt  }
0x41: {  	_ =	shalt  }
0x42: {  	_ =	shalt  }
0x43: {  	_ =	shalt  }
0x44: {  	_ =	shalt  }
0x45: {  	_ =	shalt  }
0x46: {  	_ =	shalt  }
0x47: {  	_ =	shalt  }
0x48: {  	_ =	shalt  }
0x49: {  	_ =	shalt  }
0x4a: {  	_ =	shalt  }
0x4b: {  	_ =	shalt  }
0x4c: {  	_ =	shalt  }
0x4d: {  	_ =	shalt  }
0x4e: {  	_ =	shalt  }
0x4f: {  	_ =	shalt  }
0x50: {  	_ =	shalt  }
0x51: {  	_ =	shalt  }
0x52: {  	_ =	shalt  }
0x53: {  	_ =	shalt  }
0x54: {  	_ =	shalt  }
0x55: {  	_ =	shalt  }
0x56: {  	_ =	shalt  }
0x57: {  	_ =	shalt  }
0x58: {  	_ =	shalt  }
0x59: {  	_ =	shalt  }
0x5a: {  	_ =	shalt  }
0x5b: {  	_ =	shalt  }
0x5c: {  	_ =	shalt  }
0x5d: {  	_ =	shalt  }
0x5e: {  	_ =	shalt  }
0x5f: {  	_ =	shalt  }
0x60: {  	_ =	shalt  }
0x61: {  	_ =	shalt  }
0x62: {  	_ =	shalt  }
0x63: {  	_ =	shalt  }
0x64: {  	_ =	shalt  }
0x65: {  	_ =	shalt  }
0x66: {  	_ =	shalt  }
0x67: {  	_ =	shalt  }
0x68: {  	_ =	shalt  }
0x69: {  	_ =	shalt  }
0x6a: {  	_ =	shalt  }
0x6b: {  	_ =	shalt  }
0x6c: {  	_ =	shalt  }
0x6d: {  	_ =	shalt  }
0x6e: {  	_ =	shalt  }
0x6f: {  	_ =	shalt  }
0x70: {  	_ =	shalt  }
0x71: {  	_ =	shalt  }
0x72: {  	_ =	shalt  }
0x73: {  	_ =	shalt  }
0x74: {  	_ =	shalt  }
0x75: {  	_ =	shalt  }
0x76: {  	_ =	shalt  }
0x77: {  	_ =	shalt  }
0x78: {  	_ =	shalt  }
0x79: {  	_ =	shalt  }
0x7a: {  	_ =	shalt  }
0x7b: {  	_ =	shalt  }
0x7c: {  	_ =	shalt  }
0x7d: {  	_ =	shalt  }
0x7e: {  	_ =	shalt  }
0x7f: {  	_ =	shalt  }
0x80: {  	_ =	shalt  }
0x81: {  	_ =	shalt  }
0x82: {  	_ =	shalt  }
0x83: {  	_ =	shalt  }
0x84: {  	_ =	shalt  }
0x85: {  	_ =	shalt  }
0x86: {  	_ =	shalt  }
0x87: {  	_ =	shalt  }
.Lfunc_end0:
.L_simem_size_0:
called_computation_lowered:
.L_overlay_start_0:
0x88: {  	s2 =	sld [smem:$0x3FD9]  }
0x89: {  	s3 =	sld [smem:$0x3FFE];
	_ =	sdelay $0x1  }
0x8a: {  	s1 =	srdreg.scid  }
0x8b: {  	s0 =	sand.u32 $0x1, s1  }
0x8c: {  	s15 =	sshll.u32 s0, $0xA;
	s2 =	sadd.s32 s3, s2  }
0x8d: {  	s2 =	sadd.s32 s2, s15  }
0x8e: {  	[smem:$0x3FC3] =	sst s2  }
0x8f: {  	_ = 	snop  }
0x90: {  	s2 =	sld [smem:$0x3FD0];
	_ =	sdelay $0x1  }
0x91: {  	s16 =	sld [smem:$0x3FC9]  }
0x92: {  	s5 =	simm.s32 $0xA;
	s6 =	simm.s32 $0x10;
	s4 =	sld [smem:$0x3FC8]  }
0x93: {  	[smem:s6], [sflag:s5] =	dma.local [hbm:s2], $0x1  }
0x94: {  	_ =	swait.eq [sflag:s5], $0x1  }
0x95: {  	[sflag:s5] =	ssyncset.done $0x0  }
0x96: {  	[sflag:s5] =	ssyncadd.s32 $0xFFFFFFFF  }
0x97: {  	s17 =	sld [smem:$0x10];
	(tm) =	ssettm $0x1  }
0x98: {  	s18 =	sld [smem:$0x3FFB];
	_ =	sdelay $0x3  }
0x99: {  	_ =	strace s18  }
0x9a: {  	s5 =	sld [smem:$0x3FFC];
	_ =	sdelay $0x3  }
0x9b: {  	_ =	strace s5  }
0x9c: {  	s5 =	sld [smem:$0x3FFD];
	_ =	sdelay $0x3  }
0x9d: {  	_ =	strace s5  }
0x9e: {  	_ =	strace $0x8FFFFFFF  }
0x9f: {  	s19 =	sld [smem:$0x3FDB];
	_ =	sdelay $0x1  }
0xa0: {  	s20 =	simm.s32 $_scs_section_size  }
0xa1: {  	s7 =	simm.s32 $_size__tile_overlayer_lowered;
	s8 =	simm.s32 $_tile_overlayer_lowered  }
0xa2: {  	s23 =	simm.s32 $0x1BFF;
	s22 =	sshll.u32 s8, $0x1;
	s5 =	sadd.s32 s20, s19  }
0xa3: {  	s9 =	simm.s32 $0x0;
	s21 =	sshll.u32 s7, $0x1;
	s7 =	sadd.s32 s22, s5  }
0xa4: {  	[timem:s9], [sflag:s23] =	dma.local [hbm:s7], s21  }
0xa5: {  	_ =	swait.ge [sflag:s23], s21  }
0xa6: {  	s6 =	ssub.s32 $0x0, s21;
	[sflag:s23] =	ssyncset.done $0x0  }
0xa7: {  	[sflag:s23] =	ssyncadd.s32 s6;
	_ =	sdelay $0x1  }
0xa8: {  	s24 =	simm.s32 $0x1B8B  }
0xa9: {  	_ =	swait.ge [sflag:s24], $0x1  }
0xaa: {  	[sflag:s24] =	ssyncset.done $0x0  }
0xab: {  	s25 =	simm.s32 $0x1B8E;
	[sflag:s24] =	ssyncadd.s32 $0xFFFFFFFF  }
0xac: {  	s26 =	simm.s32 $execute0_lowered;
	[smem:$0x3FD2] =	sst s25  }
0xad: {  	s6 =	sshll.u32 s26, $0x1;
	_ =	strace $0x80000046;
	[dreg:$0x1] =	wrdreg $0xFFFFFFFF  }
0xae: {  	s28 =	simm.s32 $_size_execute0_lowered;
	s5 =	sadd.s32 s5, s6;
	[dreg:$0x0] =	wrdreg $0x0  }
0xaf: {  	s6 =	sshll.u32 s28, $0x1;
	[dreg:$0x2] =	wrdreg s5  }
0xb0: {  	[dreg:$0x3] =	wrdreg s6  }
0xb1: {  	[dreg:$0x4] =	wrdreg $0xC0  }
0xb2: {  	_ =	task [dreg:s9], $0x5FFFF  }
0xb3: {  	[dreg:$0x1] =	wrdreg $0xFFFFFFFF  }
0xb4: {  	[dreg:$0x0] =	wrdreg $0x60  }
0xb5: {  	[dreg:$0x2] =	wrdreg s16  }
0xb6: {  	[dreg:$0x3] =	wrdreg s4  }
0xb7: {  	[dreg:$0x4] =	wrdreg s17  }
0xb8: {  	[dreg:$0x5] =	wrdreg $0x0  }
0xb9: {  	[dreg:$0x6] =	wrdreg $0x9  }
0xba: {  	_ =	task.clear_ibuf [dreg:s9], $0x7FFFF;
	_ =	strace $0x90000046  }
0xbb: {  	s29 =	simm.s32 $0x9;
	_ =	strace $0x80000048  }
0xbc: {  	_ =	swait.ge [sflag:s29], $0x1  }
0xbd: {  	[sflag:s29] =	ssyncadd.s32 $0xFFFFFFFF  }
0xbe: {  	_ =	strace $0x90000048  }
0xbf: {  	_ =	sfence  }
0xc0: {  	s30 =	sld [smem:$0x0];
	_ =	sdelay $0x2  }
0xc1: {  	s31 =	sshll.u32 s1, $0xD;
	s1 =	sshrl.u32 s1, $0x2  }
0xc2: {  	s3 =	sand.u32 $0x4000, s31;
	s1 =	sadd.s32 s1, s30  }
0xc3: {  	s0 =	sor.u32 s3, s0;
	s1 =	sshll.u32 s1, $0x11  }
0xc4: {  	s0 =	sor.u32 s1, s0  }
0xc5: {  	s0 =	sadd.s32 $0x8F2B, s0  }
0xc6: {  	[sflag:s0] =	ssyncadd.remote.s32 $0x1  }
0xc7: {  	_ =	sfence.sel $0xFFFF  }
0xc8: {  	[dreg:$0x0] =	wrdreg $0xFFFFFFFF;
	(pc) =	sbr.abs _section_cstart, $3  }
0xc9: {  	[dreg:$0x1] =	wrdreg $0xFFFFFFFF  }
0xca: {  	_ =	task.clear_ibuf [dreg:s9], $0x2FFFF;
	_ =	strace $0x9FFFFFFF  }
0xcb: {  	(tm) =	ssettm $0x7FFFFFFF  }
tec
execute0_lowered:
.L_overlay_start_1:
0x0: {  	(tag) =	ssettag $0x1  }
0x1: {  	s9 =	rddreg [dreg:$0x0]  }
0x2: {  	s4 =	rddreg [dreg:$0x1]  }
0x3: {  	s6 =	rddreg [dreg:$0x2]  }
0x4: {  	s2 =	rddreg [dreg:$0x3]  }
0x5: {  	s3 =	simm.s32 $0x0;
	s0 =	srdreg.scid;
	s10 =	stileid.u32  }
0x6: {  	[smem:$0x7FF] =	sst s3;
	s0 =	sand.u32 $0x1, s0;
	s7 =	sshll.u32 s10, $0x5  }
0x7: {  	_ =	strace $0x80000047;
	s1 =	ssub.s32 $0x2, s0;
	s8 =	sshll.u32 s0, $0x4  }
0x8: {  	s0 =	sshll.u32 s10, $0x7;
	s5 =	sshrl.u32 s1, $0x1;
	s7 =	sor.u32 s8, s7  }
0x9: {  	s31 =	ssub.s32 s1, s5;
	s1 =	sshll.u32 s10, $0xA;
	s5 =	sadd.s32 s9, s0  }
0xa: {  	s4 =	sadd.s32 s4, s7;
	s7 =	sadd.s32 s6, s7;
	[dreg:$0x8] =	wrdreg s31  }
0xb: {  	[dreg:$0x5] =	wrdreg s4;
	s4 =	sor.u32 $0x10000, s1;
	s8 =	sor.u32 $0x10010, s1  }
0xc: {  	s9 =	sor.u32 $0x10020, s1;
	s10 =	sor.u32 $0x10030, s1;
	s11 =	sor.u32 $0x10040, s1  }
0xd: {  	s12 =	sor.u32 $0x10050, s1;
	s13 =	sor.u32 $0x10060, s1;
	s14 =	sor.u32 $0x10070, s1  }
0xe: {  	s15 =	sor.u32 $0x10080, s1;
	[dreg:$0x6] =	wrdreg s7;
	s0 =	sor.u32 $0x101A0, s1  }
0xf: {  	v0 =	vlaneseq.u32;
	s17 =	sor.u32 $0x100A0, s1;
	[dreg:$0x1a] =	wrdreg s0;
	s0 =	sor.u32 $0x101B0, s1  }
0x10: {  	s20 =	sor.u32 $0x100D0, s1;
	v11 =	vor.u32 s17, v0;
	s17 =	sor.u32 $0x102E0, s1;
	[dreg:$0x17] =	wrdreg s0  }
0x11: {  	s22 =	sor.u32 $0x10110, s1;
	v14 =	vor.u32 s20, v0;
	s20 =	sor.u32 $0x10300, s1;
	[dreg:$0xf] =	wrdreg s17  }
0x12: {  	s23 =	sor.u32 $0x10120, s1;
	v18 =	vor.u32 s22, v0;
	s22 =	sor.u32 $0x10310, s1;
	[dreg:$0x10] =	wrdreg s20  }
0x13: {  	s7 =	sor.u32 $0x10100, s1;
	v19 =	vor.u32 s23, v0;
	s23 =	sor.u32 $0x10340, s1;
	[dreg:$0x11] =	wrdreg s22  }
0x14: {  	s16 =	sor.u32 $0x10090, s1;
	v17 =	vor.u32 s7, v0;
	s7 =	sor.u32 $0x10360, s1;
	[dreg:$0x12] =	wrdreg s23  }
0x15: {  	s18 =	sor.u32 $0x100B0, s1;
	v1 =	vor.u32 s4, v0;
	s0 =	sor.u32 $0x101C0, s1;
	[dreg:$0x13] =	wrdreg s7  }
0x16: {  	s19 =	sor.u32 $0x100C0, s1;
	[tilespmem:$0x1FF80] =	vst v1;
	v1 =	vor.u32 s8, v0;
	s8 =	sor.u32 $0x10220, s1;
	[dreg:$0x18] =	wrdreg s0  }
0x17: {  	s21 =	sor.u32 $0x100E0, s1;
	s22 =	sor.u32 $0x103C0, s1;
	[dreg:$0xb] =	wrdreg s8  }
0x18: {  	s25 =	sor.u32 $0x10140, s1;
	s23 =	sor.u32 $0x103D0, s1;
	[dreg:$0x15] =	wrdreg s22  }
0x19: {  	s6 =	sor.u32 $0x100F0, s1;
	v21 =	vor.u32 s25, v0;
	s25 =	sor.u32 $0x10330, s1;
	[dreg:$0x16] =	wrdreg s23  }
0x1a: {  	s24 =	sor.u32 $0x10130, s1;
	v52 =	vor.u32 s25, v0;
	s0 =	sor.u32 $0x101D0, s1;
	s25 =	rddreg [dreg:$0x13]  }
0x1b: {  	s26 =	sor.u32 $0x10150, s1;
	s8 =	sor.u32 $0x10250, s1;
	[dreg:$0x19] =	wrdreg s0  }
0x1c: {  	s28 =	sor.u32 $0x10160, s1;
	s29 =	sor.u32 $0x10170, s1;
	[dreg:$0xc] =	wrdreg s8  }
0x1d: {  	s30 =	sor.u32 $0x10180, s1;
	s31 =	sor.u32 $0x10190, s1;
	s17 =	rddreg [dreg:$0x18]  }
0x1e: {  	s4 =	sor.u32 $0x10200, s1;
	v26 =	vor.u32 s31, v0;
	s31 =	sor.u32 $0x103A0, s1;
	v55 =	vor.u32 s25, v0;
	s25 =	rddreg [dreg:$0x15]  }
0x1f: {  	v9 =	vor.u32 s15, v0;
	s15 =	sor.u32 $0x10270, s1;
	v59 =	vor.u32 s31, v0;
	s0 =	sor.u32 $0x101E0, s1;
	s31 =	rddreg [dreg:$0x16]  }
0x20: {  	v10 =	vor.u32 s16, v0;
	s16 =	sor.u32 $0x10290, s1;
	s8 =	sor.u32 $0x10370, s1;
	[dreg:$0x9] =	wrdreg s0  }
0x21: {  	v12 =	vor.u32 s18, v0;
	s18 =	sor.u32 $0x102A0, s1;
	v13 =	vor.u32 s19, v0;
	s19 =	sor.u32 $0x102C0, s1;
	[dreg:$0x14] =	wrdreg s8  }
0x22: {  	v15 =	vor.u32 s21, v0;
	s21 =	sor.u32 $0x102D0, s1;
	v16 =	vor.u32 s6, v0;
	s6 =	sor.u32 $0x102F0, s1;
	[tilespmem:$0x1FF90] =	vst v1;
	v1 =	vor.u32 s9, v0;
	s20 =	rddreg [dreg:$0x19]  }
0x23: {  	v20 =	vor.u32 s24, v0;
	s24 =	sor.u32 $0x10320, s1;
	[tilespmem:$0x1FFA0] =	vst v1;
	v1 =	vor.u32 s10, v0;
	s0 =	sor.u32 $0x101F0, s1;
	v29 =	vor.u32 s17, v0;
	s17 =	rddreg [dreg:$0xb]  }
0x24: {  	v23 =	vor.u32 s28, v0;
	s28 =	sor.u32 $0x10350, s1;
	[tilespmem:$0x1FFB0] =	vst v1;
	v1 =	vor.u32 s11, v0;
	s11 =	sor.u32 $0x10280, s1;
	[dreg:$0xa] =	wrdreg s0  }
0x25: {  	v24 =	vor.u32 s29, v0;
	v25 =	vor.u32 s30, v0;
	s30 =	sor.u32 $0x10390, s1;
	s29 =	simm.s32 $0x13EC8;
	[dreg:$0xd] =	wrdreg s11  }
0x26: {  	s7 =	sor.u32 $0x103B0, s1;
	v33 =	vor.u32 s4, v0;
	s4 =	sor.u32 $0x103E0, s1;
	s11 =	rddreg [dreg:$0x1a]  }
0x27: {  	v22 =	vor.u32 s26, v0;
	v40 =	vor.u32 s15, v0;
	v42 =	vor.u32 s16, v0;
	s15 =	sadd.s32 $0x70, s5;
	s16 =	simm.s32 $0xF428;
	s26 =	rddreg [dreg:$0x9]  }
0x28: {  	v43 =	vor.u32 s18, v0;
	v45 =	vor.u32 s19, v0;
	s18 =	simm.s32 $0xF4A8;
	s19 =	simm.s32 $0xF528;
	v30 =	vor.u32 s20, v0;
	s20 =	rddreg [dreg:$0xc]  }
0x29: {  	v46 =	vor.u32 s21, v0;
	s21 =	simm.s32 $0xF628;
	v51 =	vor.u32 s24, v0;
	s24 =	simm.s32 $0xF7A8;
	v27 =	vor.u32 s11, v0;
	s11 =	rddreg [dreg:$0xa]  }
0x2a: {  	v54 =	vor.u32 s28, v0;
	s28 =	simm.s32 $0x80;
	v58 =	vor.u32 s30, v0;
	s30 =	simm.s32 $0x0;
	[tilespmem:$0x1FFC0] =	vst v1;
	v1 =	vor.u32 s12, v0;
	s22 =	rddreg [dreg:$0xd]  }
0x2b: {  	s9 =	sor.u32 $0x10210, s1;
	v63 =	vor.u32 s4, v0;
	s4 =	simm.s32 $0x13DA8;
	[tilespmem:$0x1FFD0] =	vst v1;
	v1 =	vor.u32 s13, v0;
	v31 =	vor.u32 s26, v0;
	s26 =	rddreg [dreg:$0xf]  }
0x2c: {  	s10 =	sor.u32 $0x10230, s1;
	[tilespmem:$0x1FFE0] =	vst v1;
	v1 =	vor.u32 s14, v0;
	s14 =	sor.u32 $0x102B0, s1;
	v47 =	vor.u32 s26, v0;
	s26 =	rddreg [dreg:$0x11]  }
0x2d: {  	v34 =	vor.u32 s9, v0;
	s9 =	sadd.s32 $0x10, s5;
	v36 =	vor.u32 s10, v0;
	s10 =	sadd.s32 $0x20, s5;
	[dreg:$0xe] =	wrdreg s14  }
0x2e: {  	v61 =	vor.u32 s25, v0;
	s25 =	simm.s32 $0x13D28;
	s12 =	sor.u32 $0x10240, s1;
	s14 =	rddreg [dreg:$0x17]  }
0x2f: {  	s0 =	sor.u32 $0x10380, s1;
	v35 =	vor.u32 s17, v0;
	s17 =	simm.s32 $0x1;
	v28 =	vor.u32 s14, v0;
	s14 =	rddreg [dreg:$0x8]  }
0x30: {  	vm0 =	vmmov $0x1;
	v2 =	vimm.s32 $0x0;
	s13 =	sor.u32 $0x10260, s1;
	s23 =	rddreg [dreg:$0xe];
	s8 =	smax.u32 s14, $0x1  }
.Ltmp0:
0x31: {  	v48 =	vor.u32 s6, v0;
	v60 =	vor.u32 s7, v0;
	v37 =	vor.u32 s12, v0;
	s12 =	sadd.s32 $0x40, s5;
	[dreg:$0x7] =	wrdreg s8;
	(pc) =	sbr.rel .LBB2_1-.Ltmp0, $4  }
0x32: {  	v62 =	vor.u32 s31, v0;
	v38 =	vor.u32 s20, v0;
	s20 =	simm.s32 $0xF5A8;
	v57 =	vor.u32 s0, v0;
	s1 =	sor.u32 $0x103F0, s1;
	s8 =	rddreg [dreg:$0x10]  }
0x33: {  	v32 =	vor.u32 s11, v0;
	s11 =	sadd.s32 $0x30, s5;
	v39 =	vor.u32 s13, v0;
	s13 =	sadd.s32 $0x50, s5;
	v49 =	vor.u32 s8, v0;
	s8 =	rddreg [dreg:$0x12]  }
0x34: {  	v41 =	vor.u32 s22, v0;
	s22 =	simm.s32 $0xF6A8;
	v50 =	vor.u32 s26, v0;
	s26 =	simm.s32 $0x13C28;
	v53 =	vor.u32 s8, v0;
	s8 =	rddreg [dreg:$0x14]  }
0x35: {  	[tilespmem:$0x1FFF0] =	vst v1;
	v1 =	vor.u32 s1, v0;
	s1 =	simm.s32 $0x13E38;
	s14 =	sadd.s32 $0x60, s5;
	v44 =	vor.u32 s23, v0;
	s23 =	simm.s32 $0xF728;
	v56 =	vor.u32 s8, v0  }
.LBB2_5:
0x36: {  	s0 =	rddreg [dreg:$0x6]  }
0x37: {  	[hbm4b:s0+s3] =	stream.linear.scatter [tilespmem:s25], [sflag:$0x1], $0x80, $0x38;
	[tilespmem:$0x13F48] =	vst v63  }
0x38: {  	_ =	swait.ge [sflag:s17], $0x80  }
0x39: {  	s30 =	sadd.s32 $0x1, s30;
	s31 =	rddreg [dreg:$0x7]  }
0x3a: {  	p0 =	sne.s32 s30, s31  }
.Ltmp1:
0x3b: {  	_ = 	snop;
	(pc) =	sbr.rel @!p0 .LBB2_6-.Ltmp1, $3  }
0x3c: {  	_ =	sdelay $0x1  }
0x3d: {  	[sflag:s17] =	ssyncset.done $0x0  }
0x3e: {  	[sflag:s17] =	ssyncadd.s32 $0xFFFFFF80  }
.LBB2_1:
0x3f: {  	[tilespmem:s16], [sflag:$0x1] =	stream.linear.gather [hbm4b:s5+s3], $0x80, $0x38;
	[tilespmem:$0x13F48] =	vst v63  }
0x40: {  	_ =	swait.ge [sflag:s17], $0x80  }
0x41: {  	[sflag:s17] =	ssyncset.done $0x0  }
0x42: {  	[sflag:s17] =	ssyncadd.s32 $0xFFFFFF80  }
0x43: {  	[tilespmem:s18], [sflag:$0x1] =	stream.linear.gather [hbm4b:s9+s3], $0x80, $0x38;
	[tilespmem:$0x13F48] =	vst v63  }
0x44: {  	_ =	swait.ge [sflag:s17], $0x80  }
0x45: {  	[sflag:s17] =	ssyncset.done $0x0  }
0x46: {  	[sflag:s17] =	ssyncadd.s32 $0xFFFFFF80  }
0x47: {  	[tilespmem:s19], [sflag:$0x1] =	stream.linear.gather [hbm4b:s10+s3], $0x80, $0x38;
	[tilespmem:$0x13F48] =	vst v63  }
0x48: {  	_ =	swait.ge [sflag:s17], $0x80  }
0x49: {  	[sflag:s17] =	ssyncset.done $0x0  }
0x4a: {  	[sflag:s17] =	ssyncadd.s32 $0xFFFFFF80  }
0x4b: {  	[tilespmem:s20], [sflag:$0x1] =	stream.linear.gather [hbm4b:s11+s3], $0x80, $0x38;
	[tilespmem:$0x13F48] =	vst v63  }
0x4c: {  	_ =	swait.ge [sflag:s17], $0x80  }
0x4d: {  	[sflag:s17] =	ssyncset.done $0x0  }
0x4e: {  	[sflag:s17] =	ssyncadd.s32 $0xFFFFFF80  }
0x4f: {  	[tilespmem:s21], [sflag:$0x1] =	stream.linear.gather [hbm4b:s12+s3], $0x80, $0x38;
	[tilespmem:$0x13F48] =	vst v63  }
0x50: {  	_ =	swait.ge [sflag:s17], $0x80  }
0x51: {  	[sflag:s17] =	ssyncset.done $0x0  }
0x52: {  	[sflag:s17] =	ssyncadd.s32 $0xFFFFFF80  }
0x53: {  	[tilespmem:s22], [sflag:$0x1] =	stream.linear.gather [hbm4b:s13+s3], $0x80, $0x38;
	[tilespmem:$0x13F48] =	vst v63  }
0x54: {  	_ =	swait.ge [sflag:s17], $0x80  }
0x55: {  	[sflag:s17] =	ssyncset.done $0x0  }
0x56: {  	[sflag:s17] =	ssyncadd.s32 $0xFFFFFF80  }
0x57: {  	[tilespmem:s23], [sflag:$0x1] =	stream.linear.gather [hbm4b:s14+s3], $0x80, $0x38;
	[tilespmem:$0x13F48] =	vst v63  }
0x58: {  	_ =	swait.ge [sflag:s17], $0x80  }
0x59: {  	[sflag:s17] =	ssyncset.done $0x0  }
0x5a: {  	[sflag:s17] =	ssyncadd.s32 $0xFFFFFF80  }
0x5b: {  	[tilespmem:s24], [sflag:$0x1] =	stream.linear.gather [hbm4b:s15+s3], $0x80, $0x38;
	[tilespmem:$0x13F48] =	vst v63  }
0x5c: {  	_ =	swait.ge [sflag:s17], $0x80  }
0x5d: {  	[sflag:s17] =	ssyncset.done $0x0  }
0x5e: {  	[sflag:s17] =	ssyncadd.s32 $0xFFFFFF80  }
0x5f: {  	s6 =	simm.s32 $0xFC28;
	s0 =	rddreg [dreg:$0x0]  }
0x60: {  	[tilespmem:s6], [sflag:$0x1] =	stream.linear.gather [hbm4b:s0+s3], $0x4000, $0x38;
	[tilespmem:$0x13F48] =	vst v63  }
0x61: {  	_ =	swait.ge [sflag:s17], $0x4000  }
0x62: {  	[sflag:s17] =	ssyncset.done $0x0  }
0x63: {  	s6 =	rddreg [dreg:$0x5];
	[sflag:s17] =	ssyncadd.s32 $0xFFFFC000  }
0x64: {  	[tilespmem:s26], [sflag:$0x1] =	stream.linear.gather [hbm4b:s6+s3], $0x80, $0x38;
	[tilespmem:$0x13F48] =	vst v63  }
0x65: {  	_ =	swait.ge [sflag:s17], $0x80  }
0x66: {  	[sflag:s17] =	ssyncset.done $0x0  }
0x67: {  	[sflag:s17] =	ssyncadd.s32 $0xFFFFFF80  }
0x68: {  	[tilespmem:$0xF8A8] =	vst v9  }
0x69: {  	[tilespmem:$0xF8B8] =	vst v10  }
0x6a: {  	[tilespmem:$0xF8C8] =	vst v11  }
0x6b: {  	[tilespmem:$0xF8D8] =	vst v12  }
0x6c: {  	[tilespmem:$0xF8E8] =	vst v13  }
0x6d: {  	[tilespmem:$0xF8F8] =	vst v14  }
0x6e: {  	[tilespmem:$0xF908] =	vst v15  }
0x6f: {  	[tilespmem:$0xF918] =	vst v16  }
0x70: {  	[tilespmem:$0xF928] =	vst v17  }
0x71: {  	[tilespmem:$0xF938] =	vst v18  }
0x72: {  	[tilespmem:$0xF948] =	vst v19  }
0x73: {  	[tilespmem:$0xF958] =	vst v20  }
0x74: {  	[tilespmem:$0xF968] =	vst v21  }
0x75: {  	[tilespmem:$0xF978] =	vst v22  }
0x76: {  	[tilespmem:$0xF988] =	vst v23  }
0x77: {  	[tilespmem:$0xF998] =	vst v24  }
0x78: {  	[tilespmem:$0xF9A8] =	vst v25  }
0x79: {  	[tilespmem:$0xF9B8] =	vst v26  }
0x7a: {  	[tilespmem:$0xF9C8] =	vst v27  }
0x7b: {  	[tilespmem:$0xF9D8] =	vst v28  }
0x7c: {  	[tilespmem:$0xF9E8] =	vst v29  }
0x7d: {  	[tilespmem:$0xF9F8] =	vst v30  }
0x7e: {  	[tilespmem:$0xFA08] =	vst v31  }
0x7f: {  	[tilespmem:$0xFA18] =	vst v32  }
0x80: {  	[tilespmem:$0xFA28] =	vst v33  }
0x81: {  	[tilespmem:$0xFA38] =	vst v34  }
0x82: {  	[tilespmem:$0xFA48] =	vst v35  }
0x83: {  	[tilespmem:$0xFA58] =	vst v36  }
0x84: {  	[tilespmem:$0xFA68] =	vst v37  }
0x85: {  	[tilespmem:$0xFA78] =	vst v38  }
0x86: {  	[tilespmem:$0xFA88] =	vst v39  }
0x87: {  	v3 =	vld [tilespmem:$0x1FF80];
	[tilespmem:$0xFA98] =	vst v40  }
0x88: {  	[tilespmem:$0xFAA8] =	vst v41  }
0x89: {  	[tilespmem:$0xFAB8] =	vst v42  }
0x8a: {  	[tilespmem:$0xFAC8] =	vst v43  }
0x8b: {  	[tilespmem:$0xFAD8] =	vst v44  }
0x8c: {  	[tilespmem:$0xF828] =	vst v3;
	v3 =	vld [tilespmem:$0x1FF90]  }
0x8d: {  	[tilespmem:$0xFAE8] =	vst v45  }
0x8e: {  	[tilespmem:$0xFAF8] =	vst v46  }
0x8f: {  	[tilespmem:$0xFB08] =	vst v47  }
0x90: {  	[tilespmem:$0xFB18] =	vst v48  }
0x91: {  	[tilespmem:$0xF838] =	vst v3;
	v3 =	vld [tilespmem:$0x1FFA0]  }
0x92: {  	[tilespmem:$0xFB28] =	vst v49  }
0x93: {  	[tilespmem:$0xFB38] =	vst v50  }
0x94: {  	[tilespmem:$0xFB48] =	vst v51  }
0x95: {  	[tilespmem:$0xFB58] =	vst v52  }
0x96: {  	[tilespmem:$0xF848] =	vst v3;
	v3 =	vld [tilespmem:$0x1FFB0]  }
0x97: {  	[tilespmem:$0xFB68] =	vst v53  }
0x98: {  	[tilespmem:$0xFB78] =	vst v54  }
0x99: {  	[tilespmem:$0xFB88] =	vst v55  }
0x9a: {  	[tilespmem:$0xFB98] =	vst v56  }
0x9b: {  	[tilespmem:$0xF858] =	vst v3;
	v3 =	vld [tilespmem:$0x1FFC0]  }
0x9c: {  	[tilespmem:$0xFBA8] =	vst v57  }
0x9d: {  	[tilespmem:$0xFBB8] =	vst v58  }
0x9e: {  	[tilespmem:$0xFBC8] =	vst v59  }
0x9f: {  	[tilespmem:$0xFBD8] =	vst v60  }
0xa0: {  	[tilespmem:$0xF868] =	vst v3;
	v3 =	vld [tilespmem:$0x1FFD0]  }
0xa1: {  	[tilespmem:$0xFBE8] =	vst v61  }
0xa2: {  	[tilespmem:$0xFBF8] =	vst v62  }
0xa3: {  	[tilespmem:$0xFC08] =	vst v63  }
0xa4: {  	[tilespmem:$0xFC18] =	vst v1  }
0xa5: {  	[tilespmem:$0xF878] =	vst v3;
	v3 =	vld [tilespmem:$0x1FFE0]  }
0xa6: {  	[tilespmem:$0x13EC8] =	vst v2  }
0xa7: {  	[tilespmem:$0x13ED8] =	vst v2  }
0xa8: {  	[tilespmem:$0x13EE8] =	vst v2  }
0xa9: {  	[tilespmem:$0x13EF8] =	vst v2  }
0xaa: {  	[tilespmem:$0xF888] =	vst v3;
	v3 =	vld [tilespmem:$0x1FFF0]  }
0xab: {  	[tilespmem:$0x13F08] =	vst v2  }
0xac: {  	[tilespmem:$0x13F18] =	vst v2  }
0xad: {  	[tilespmem:$0x13F28] =	vst v2  }
0xae: {  	[tilespmem:$0x13F38] =	vst v2  }
0xaf: {  	[tilespmem:$0xF898] =	vst v3  }
0xb0: {  	[spmem:s2] =	stream.indirect.scatter [tilespmem:s29], [sflag:$0x1], $0x1, s16, s28, $0xb8;
	[tilespmem:$0x13F48] =	vst v63  }
0xb1: {  	_ =	swait.ge [sflag:s17], $0x80  }
0xb2: {  	[sflag:s17] =	ssyncset.done $0x0  }
0xb3: {  	[sflag:s17] =	ssyncadd.s32 $0xFFFFFF80  }
0xb4: {  	[spmem:s2] =	stream.indirect.scatter [tilespmem:s29], [sflag:$0x1], $0x1, s18, s28, $0xb8;
	[tilespmem:$0x13F48] =	vst v63  }
0xb5: {  	_ =	swait.ge [sflag:s17], $0x80  }
0xb6: {  	[sflag:s17] =	ssyncset.done $0x0  }
0xb7: {  	[sflag:s17] =	ssyncadd.s32 $0xFFFFFF80  }
0xb8: {  	[spmem:s2] =	stream.indirect.scatter [tilespmem:s29], [sflag:$0x1], $0x1, s19, s28, $0xb8;
	[tilespmem:$0x13F48] =	vst v63  }
0xb9: {  	_ =	swait.ge [sflag:s17], $0x80  }
0xba: {  	[sflag:s17] =	ssyncset.done $0x0  }
0xbb: {  	[sflag:s17] =	ssyncadd.s32 $0xFFFFFF80  }
0xbc: {  	[spmem:s2] =	stream.indirect.scatter [tilespmem:s29], [sflag:$0x1], $0x1, s20, s28, $0xb8;
	[tilespmem:$0x13F48] =	vst v63  }
0xbd: {  	_ =	swait.ge [sflag:s17], $0x80  }
0xbe: {  	[sflag:s17] =	ssyncset.done $0x0  }
0xbf: {  	[sflag:s17] =	ssyncadd.s32 $0xFFFFFF80  }
0xc0: {  	[spmem:s2] =	stream.indirect.scatter [tilespmem:s29], [sflag:$0x1], $0x1, s21, s28, $0xb8;
	[tilespmem:$0x13F48] =	vst v63  }
0xc1: {  	_ =	swait.ge [sflag:s17], $0x80  }
0xc2: {  	[sflag:s17] =	ssyncset.done $0x0  }
0xc3: {  	[sflag:s17] =	ssyncadd.s32 $0xFFFFFF80  }
0xc4: {  	[spmem:s2] =	stream.indirect.scatter [tilespmem:s29], [sflag:$0x1], $0x1, s22, s28, $0xb8;
	[tilespmem:$0x13F48] =	vst v63  }
0xc5: {  	_ =	swait.ge [sflag:s17], $0x80  }
0xc6: {  	[sflag:s17] =	ssyncset.done $0x0  }
0xc7: {  	[sflag:s17] =	ssyncadd.s32 $0xFFFFFF80  }
0xc8: {  	[spmem:s2] =	stream.indirect.scatter [tilespmem:s29], [sflag:$0x1], $0x1, s23, s28, $0xb8;
	[tilespmem:$0x13F48] =	vst v63  }
0xc9: {  	_ =	swait.ge [sflag:s17], $0x80  }
0xca: {  	[sflag:s17] =	ssyncset.done $0x0  }
0xcb: {  	[sflag:s17] =	ssyncadd.s32 $0xFFFFFF80  }
0xcc: {  	[spmem:s2] =	stream.indirect.scatter [tilespmem:s29], [sflag:$0x1], $0x1, s24, s28, $0xb8;
	[tilespmem:$0x13F48] =	vst v63  }
0xcd: {  	_ =	swait.ge [sflag:s17], $0x80  }
0xce: {  	[sflag:s17] =	ssyncset.done $0x0  }
0xcf: {  	[sflag:s17] =	ssyncadd.s32 $0xFFFFFF80  }
0xd0: {  	[spmem:s2] =	stream.indirect.scatter [tilespmem:s29], [sflag:$0x1], $0x1, s26, s28, $0xb8;
	[tilespmem:$0x13F48] =	vst v63  }
0xd1: {  	_ =	swait.ge [sflag:s17], $0x80  }
0xd2: {  	[sflag:s17] =	ssyncset.done $0x0  }
0xd3: {  	[sflag:s17] =	ssyncadd.s32 $0xFFFFFF80  }
0xd4: {  	s7 =	simm.s32 $0xF828;
	[bflag:$0x0] =	sbarrier.arrive $0xFFFF  }
0xd5: {  	[spmem:s2] =	stream.indirect.scatter.add.s32 [tilespmem:s7], [sflag:$0x1], $0x1, s16, s28, $0xb8;
	[tilespmem:$0x13F48] =	vst v63  }
0xd6: {  	_ =	swait.ge [sflag:s17], $0x80  }
0xd7: {  	[sflag:s17] =	ssyncset.done $0x0  }
0xd8: {  	s8 =	simm.s32 $0xF8A8;
	[sflag:s17] =	ssyncadd.s32 $0xFFFFFF80  }
0xd9: {  	[spmem:s2] =	stream.indirect.scatter.add.s32 [tilespmem:s8], [sflag:$0x1], $0x1, s18, s28, $0xb8;
	[tilespmem:$0x13F48] =	vst v63  }
0xda: {  	_ =	swait.ge [sflag:s17], $0x80  }
0xdb: {  	[sflag:s17] =	ssyncset.done $0x0  }
0xdc: {  	s6 =	simm.s32 $0xF928;
	[sflag:s17] =	ssyncadd.s32 $0xFFFFFF80  }
0xdd: {  	[spmem:s2] =	stream.indirect.scatter.add.s32 [tilespmem:s6], [sflag:$0x1], $0x1, s19, s28, $0xb8;
	[tilespmem:$0x13F48] =	vst v63  }
0xde: {  	_ =	swait.ge [sflag:s17], $0x80  }
0xdf: {  	[sflag:s17] =	ssyncset.done $0x0  }
0xe0: {  	s7 =	simm.s32 $0xF9A8;
	[sflag:s17] =	ssyncadd.s32 $0xFFFFFF80  }
0xe1: {  	[spmem:s2] =	stream.indirect.scatter.add.s32 [tilespmem:s7], [sflag:$0x1], $0x1, s20, s28, $0xb8;
	[tilespmem:$0x13F48] =	vst v63  }
0xe2: {  	_ =	swait.ge [sflag:s17], $0x80  }
0xe3: {  	[sflag:s17] =	ssyncset.done $0x0  }
0xe4: {  	s8 =	simm.s32 $0xFA28;
	[sflag:s17] =	ssyncadd.s32 $0xFFFFFF80  }
0xe5: {  	[spmem:s2] =	stream.indirect.scatter.add.s32 [tilespmem:s8], [sflag:$0x1], $0x1, s21, s28, $0xb8;
	[tilespmem:$0x13F48] =	vst v63  }
0xe6: {  	_ =	swait.ge [sflag:s17], $0x80  }
0xe7: {  	[sflag:s17] =	ssyncset.done $0x0  }
0xe8: {  	s6 =	simm.s32 $0xFAA8;
	[sflag:s17] =	ssyncadd.s32 $0xFFFFFF80  }
0xe9: {  	[spmem:s2] =	stream.indirect.scatter.add.s32 [tilespmem:s6], [sflag:$0x1], $0x1, s22, s28, $0xb8;
	[tilespmem:$0x13F48] =	vst v63  }
0xea: {  	_ =	swait.ge [sflag:s17], $0x80  }
0xeb: {  	[sflag:s17] =	ssyncset.done $0x0  }
0xec: {  	s7 =	simm.s32 $0xFB28;
	[sflag:s17] =	ssyncadd.s32 $0xFFFFFF80  }
0xed: {  	[spmem:s2] =	stream.indirect.scatter.add.s32 [tilespmem:s7], [sflag:$0x1], $0x1, s23, s28, $0xb8;
	[tilespmem:$0x13F48] =	vst v63  }
0xee: {  	_ =	swait.ge [sflag:s17], $0x80  }
0xef: {  	[sflag:s17] =	ssyncset.done $0x0  }
0xf0: {  	s8 =	simm.s32 $0xFBA8;
	[sflag:s17] =	ssyncadd.s32 $0xFFFFFF80  }
0xf1: {  	[spmem:s2] =	stream.indirect.scatter.add.s32 [tilespmem:s8], [sflag:$0x1], $0x1, s24, s28, $0xb8;
	[tilespmem:$0x13F48] =	vst v63  }
0xf2: {  	_ =	swait.ge [sflag:s17], $0x80  }
0xf3: {  	[sflag:s17] =	ssyncset.done $0x0  }
0xf4: {  	[sflag:s17] =	ssyncadd.s32 $0xFFFFFF80  }
0xf5: {  	s6 =	simm.s32 $0x13CA8;
	[bflag:$0x0] =	sbarrier.arrive $0xFFFF  }
0xf6: {  	[tilespmem:s6], [sflag:$0x1] =	stream.indirect.gather [spmem:s2], $0x1, s26, s28, $0xb8;
	[tilespmem:$0x13F48] =	vst v63  }
0xf7: {  	_ =	swait.ge [sflag:s17], $0x80  }
0xf8: {  	[sflag:s17] =	ssyncset.done $0x0  }
0xf9: {  	[sflag:s17] =	ssyncadd.s32 $0xFFFFFF80  }
0xfa: {  	v3 =	vld [tilespmem:$0x13CA8];
	_ =	sdelay $0x4  }
0xfb: {  	v4 =	vshra.s32 v3, $0x10  }
0xfc: {  	vm1 =	vgt.s32 v4, $0x1  }
0xfd: {  	v5 =	vsel vm1, $0x1, v2  }
0xfe: {  	(xrf0) =	vadd.scan.msk.s32 $0xffff, v5;
	_ =	sdelay $0x5  }
0xff: {  	v6, _, _ =	vpop (xrf0)  }
0x100: {  	v7 =	vld [tilespmem:$0x13C28];
	v5 =	vsub.s32 v6, v5  }
0x101: {  	v3 =	vand.u32 $0xFFFF, v3  }
0x102: {  	vm2 =	veq.s32 v4, $0x1;
	v3 =	vadd.s32 $0x1, v3  }
0x103: {  	v3 =	vnsel vm2, $0x0, v3  }
0x104: {  	[tilespmem:$0x13D28] =	vst v3  }
0x105: {  	[tilespmem:v5+s4+$0x0] =	vst.idx.msk vm1, v7  }
0x106: {  	[tilespmem:v5+s1+$0x0] =	vst.idx.msk vm1, v0  }
0x107: {  	v3 =	vld [tilespmem:$0x13CB8];
	_ =	sdelay $0x4  }
0x108: {  	v4 =	vshra.s32 v3, $0x10  }
0x109: {  	vm1 =	vgt.s32 v4, $0x1  }
0x10a: {  	v5 =	vsel vm1, $0x1, v2  }
0x10b: {  	(xrf0) =	vadd.scan.msk.s32 $0xffff, v5;
	_ =	sdelay $0x3  }
0x10c: {  	v5 =	vbroadcast v6, $0xF  }
0x10d: {  	v7 =	vsel vm1, $0xFFFFFFFF, v2  }
0x10e: {  	v5 =	vadd.s32 v7, v5;
	v8, _, _ =	vpop (xrf0)  }
0x10f: {  	v7 =	vld [tilespmem:$0x13C38];
	v5 =	vadd.s32 v8, v5  }
0x110: {  	v3 =	vand.u32 $0xFFFF, v3  }
0x111: {  	vm2 =	veq.s32 v4, $0x1;
	v3 =	vadd.s32 $0x1, v3  }
0x112: {  	(v2sf) =	vpush v6, $0xF;
	v3 =	vnsel vm2, $0x0, v3  }
0x113: {  	[tilespmem:$0x13D38] =	vst v3;
	(v2sf) =	vpush v8, $0xF  }
0x114: {  	v3 =	vor.u32 $0x10, v0;
	[tilespmem:v5+s4+$0x0] =	vst.idx.msk vm1, v7  }
0x115: {  	[tilespmem:v5+s1+$0x0] =	vst.idx.msk vm1, v3  }
0x116: {  	v3 =	vld [tilespmem:$0x13CC8];
	_ =	sdelay $0x4  }
0x117: {  	v4 =	vshra.s32 v3, $0x10  }
0x118: {  	vm1 =	vgt.s32 v4, $0x1  }
0x119: {  	v5 =	vsel vm1, $0x1, v2  }
0x11a: {  	(xrf0) =	vadd.scan.msk.s32 $0xffff, v5;
	_ =	sdelay $0x2  }
0x11b: {  	s7 =	spop (v2sf)  }
0x11c: {  	s8 =	spop (v2sf)  }
0x11d: {  	v5 =	vsel vm1, $0xFFFFFFFF, v2;
	s0 =	sadd.s32 s7, s8  }
0x11e: {  	v5 =	vadd.s32 s0, v5;
	v6, _, _ =	vpop (xrf0)  }
0x11f: {  	v7 =	vld [tilespmem:$0x13C48];
	v5 =	vadd.s32 v6, v5  }
0x120: {  	v3 =	vand.u32 $0xFFFF, v3  }
0x121: {  	vm2 =	veq.s32 v4, $0x1;
	v3 =	vadd.s32 $0x1, v3  }
0x122: {  	v3 =	vnsel vm2, $0x0, v3  }
0x123: {  	[tilespmem:$0x13D48] =	vst v3;
	(v2sf) =	vpush v6, $0xF  }
0x124: {  	v3 =	vor.u32 $0x20, v0;
	[tilespmem:v5+s4+$0x0] =	vst.idx.msk vm1, v7  }
0x125: {  	[tilespmem:v5+s1+$0x0] =	vst.idx.msk vm1, v3  }
0x126: {  	v3 =	vld [tilespmem:$0x13CD8];
	_ =	sdelay $0x4  }
0x127: {  	v4 =	vshra.s32 v3, $0x10  }
0x128: {  	vm1 =	vgt.s32 v4, $0x1  }
0x129: {  	v5 =	vsel vm1, $0x1, v2  }
0x12a: {  	(xrf0) =	vadd.scan.msk.s32 $0xffff, v5;
	_ =	sdelay $0x3  }
0x12b: {  	s7 =	spop (v2sf)  }
0x12c: {  	v5 =	vsel vm1, $0xFFFFFFFF, v2;
	s0 =	sadd.s32 s0, s7  }
0x12d: {  	v5 =	vadd.s32 s0, v5;
	v6, _, _ =	vpop (xrf0)  }
0x12e: {  	v7 =	vld [tilespmem:$0x13C58];
	v5 =	vadd.s32 v6, v5  }
0x12f: {  	v3 =	vand.u32 $0xFFFF, v3  }
0x130: {  	vm2 =	veq.s32 v4, $0x1;
	v3 =	vadd.s32 $0x1, v3  }
0x131: {  	v3 =	vnsel vm2, $0x0, v3  }
0x132: {  	[tilespmem:$0x13D58] =	vst v3;
	(v2sf) =	vpush v6, $0xF  }
0x133: {  	v3 =	vor.u32 $0x30, v0;
	[tilespmem:v5+s4+$0x0] =	vst.idx.msk vm1, v7  }
0x134: {  	[tilespmem:v5+s1+$0x0] =	vst.idx.msk vm1, v3  }
0x135: {  	v3 =	vld [tilespmem:$0x13CE8];
	_ =	sdelay $0x4  }
0x136: {  	v4 =	vshra.s32 v3, $0x10  }
0x137: {  	vm1 =	vgt.s32 v4, $0x1  }
0x138: {  	v5 =	vsel vm1, $0x1, v2  }
0x139: {  	(xrf0) =	vadd.scan.msk.s32 $0xffff, v5;
	_ =	sdelay $0x3  }
0x13a: {  	s8 =	spop (v2sf)  }
0x13b: {  	v5 =	vsel vm1, $0xFFFFFFFF, v2;
	s0 =	sadd.s32 s0, s8  }
0x13c: {  	v5 =	vadd.s32 s0, v5;
	v6, _, _ =	vpop (xrf0)  }
0x13d: {  	v7 =	vld [tilespmem:$0x13C68];
	v5 =	vadd.s32 v6, v5  }
0x13e: {  	v3 =	vand.u32 $0xFFFF, v3  }
0x13f: {  	vm2 =	veq.s32 v4, $0x1;
	v3 =	vadd.s32 $0x1, v3  }
0x140: {  	v3 =	vnsel vm2, $0x0, v3  }
0x141: {  	[tilespmem:$0x13D68] =	vst v3;
	(v2sf) =	vpush v6, $0xF  }
0x142: {  	v3 =	vor.u32 $0x40, v0;
	[tilespmem:v5+s4+$0x0] =	vst.idx.msk vm1, v7  }
0x143: {  	[tilespmem:v5+s1+$0x0] =	vst.idx.msk vm1, v3  }
0x144: {  	v3 =	vld [tilespmem:$0x13CF8];
	_ =	sdelay $0x4  }
0x145: {  	v4 =	vshra.s32 v3, $0x10  }
0x146: {  	vm1 =	vgt.s32 v4, $0x1  }
0x147: {  	v5 =	vsel vm1, $0x1, v2  }
0x148: {  	(xrf0) =	vadd.scan.msk.s32 $0xffff, v5;
	_ =	sdelay $0x3  }
0x149: {  	s7 =	spop (v2sf)  }
0x14a: {  	v5 =	vsel vm1, $0xFFFFFFFF, v2;
	s0 =	sadd.s32 s0, s7  }
0x14b: {  	v5 =	vadd.s32 s0, v5;
	v6, _, _ =	vpop (xrf0)  }
0x14c: {  	v7 =	vld [tilespmem:$0x13C78];
	v5 =	vadd.s32 v6, v5  }
0x14d: {  	v3 =	vand.u32 $0xFFFF, v3  }
0x14e: {  	vm2 =	veq.s32 v4, $0x1;
	v3 =	vadd.s32 $0x1, v3  }
0x14f: {  	v3 =	vnsel vm2, $0x0, v3  }
0x150: {  	[tilespmem:$0x13D78] =	vst v3;
	(v2sf) =	vpush v6, $0xF  }
0x151: {  	v3 =	vor.u32 $0x50, v0;
	[tilespmem:v5+s4+$0x0] =	vst.idx.msk vm1, v7  }
0x152: {  	[tilespmem:v5+s1+$0x0] =	vst.idx.msk vm1, v3  }
0x153: {  	v3 =	vld [tilespmem:$0x13D08];
	_ =	sdelay $0x4  }
0x154: {  	v4 =	vshra.s32 v3, $0x10  }
0x155: {  	vm1 =	vgt.s32 v4, $0x1  }
0x156: {  	v5 =	vsel vm1, $0x1, v2  }
0x157: {  	(xrf0) =	vadd.scan.msk.s32 $0xffff, v5;
	_ =	sdelay $0x3  }
0x158: {  	s8 =	spop (v2sf)  }
0x159: {  	v5 =	vsel vm1, $0xFFFFFFFF, v2;
	s0 =	sadd.s32 s0, s8  }
0x15a: {  	v5 =	vadd.s32 s0, v5;
	v6, _, _ =	vpop (xrf0)  }
0x15b: {  	v7 =	vld [tilespmem:$0x13C88];
	v5 =	vadd.s32 v6, v5  }
0x15c: {  	v3 =	vand.u32 $0xFFFF, v3  }
0x15d: {  	vm2 =	veq.s32 v4, $0x1;
	v3 =	vadd.s32 $0x1, v3  }
0x15e: {  	v3 =	vnsel vm2, $0x0, v3  }
0x15f: {  	[tilespmem:$0x13D88] =	vst v3  }
0x160: {  	v3 =	vor.u32 $0x60, v0;
	[tilespmem:v5+s4+$0x0] =	vst.idx.msk vm1, v7  }
0x161: {  	[tilespmem:v5+s1+$0x0] =	vst.idx.msk vm1, v3  }
0x162: {  	v3 =	vld [tilespmem:$0x13D18];
	_ =	sdelay $0x4  }
0x163: {  	v4 =	vshra.s32 v3, $0x10  }
0x164: {  	vm1 =	vgt.s32 v4, $0x1  }
0x165: {  	v5 =	vsel vm1, $0x1, v2  }
0x166: {  	(xrf0) =	vadd.scan.msk.s32 $0xffff, v5;
	_ =	sdelay $0x4  }
0x167: {  	(v2sf) =	vpush v6, $0xF  }
0x168: {  	v5, _, _ =	vpop (xrf0)  }
0x169: {  	(v2sf) =	vpush v5, $0xF;
	_ =	sdelay $0xc  }
0x16a: {  	s7 =	spop (v2sf)  }
0x16b: {  	v6 =	vsel vm1, $0xFFFFFFFF, v2;
	s0 =	sadd.s32 s0, s7  }
0x16c: {  	v6 =	vadd.s32 s0, v6;
	s8 =	spop (v2sf)  }
0x16d: {  	v5 =	vadd.s32 v5, v6;
	v6 =	vld [tilespmem:$0x13C98];
	s31 =	sadd.s32 s0, s8  }
0x16e: {  	v3 =	vand.u32 $0xFFFF, v3;
	p0 =	slt.s32 s31, $0x1  }
.Ltmp2:
0x16f: {  	vm2 =	veq.s32 v4, $0x1;
	v3 =	vadd.s32 $0x1, v3;
	(pc) =	sbr.rel @p0 .LBB2_5-.Ltmp2, $4  }
0x170: {  	v3 =	vnsel vm2, $0x0, v3  }
0x171: {  	[tilespmem:$0x13D98] =	vst v3  }
0x172: {  	v3 =	vor.u32 $0x70, v0;
	[tilespmem:v5+s4+$0x0] =	vst.idx.msk vm1, v6  }
0x173: {  	[tilespmem:v5+s1+$0x0] =	vst.idx.msk vm1, v3;
	s0 =	simm.s32 $0x0  }
.LBB2_2:
0x174: {  	v3 =	vld [tilespmem:s0+$0x13DA8];
	_ =	sdelay $0x4  }
0x175: {  	v3 =	vnsel vm0, $0x0, v3  }
0x176: {  	(xrf0) =	vadd.scan.msk.s32 $0xffff, v3;
	_ =	sdelay $0x2  }
0x177: {  	s6 =	simm.s32 $0xFC28  }
0x178: {  	v7 =	vld [tilespmem:s6+$0x0];
	_ =	sdelay $0x1  }
0x179: {  	v3, _, _ =	vpop (xrf0)  }
0x17a: {  	v5 =	vbroadcast v3, $0xF  }
0x17b: {  	s7 =	simm.s32 $0x1  }
0x17c: {  	v4 =	vimm.s32 $0x0;
	s6 =	simm.s32 $0x11;
	v6 =	vadd.s32 s7, v0;
	s7 =	simm.s32 $0xFC38;
	v3 =	vld [tilespmem:s0+$0x13E38];
	vm1 =	veq.s32 v7, v5  }
.LBB2_3:
0x17d: {  	v7 =	vld [tilespmem:s7+$0x0];
	p0 =	sne.s32 s6, $0x3FF1;
	v6 =	vnsel vm1, $0x0, v6;
	s8 =	smov.u32 s6;
	s6 =	sadd.s32 $0x10, s6  }
.Ltmp3:
0x17e: {  	vm1 =	vgt.s32 v4, v6;
	(pc) =	sbr.rel @p0 .LBB2_3-.Ltmp3, $2  }
0x17f: {  	v4 =	vsel vm1, v4, v6;
	_ =	sdelay $0x2  }
0x180: {  	s7 =	sadd.s32 $0x10, s7;
	v6 =	vadd.s32 s8, v0;
	vm1 =	veq.s32 v7, v5  }
0x181: {  	v5 =	vnsel vm1, $0x0, v6  }
0x182: {  	vm1 =	vgt.s32 v4, v5  }
0x183: {  	v3 =	vnsel vm0, $0x0, v3;
	v4 =	vsel vm1, v4, v5  }
0x184: {  	(xrf0) =	vadd.scan.msk.s32 $0xffff, v3;
	v3 =	vxor.u32 $0x80000000, v4  }
0x185: {  	(xrf0) =	vmax.scan.msk.u32 $0xffff, v3;
	_ =	sdelay $0x4  }
0x186: {  	v3, _, _ =	vpop (xrf0)  }
0x187: {  	v4, _, _ =	vpop (xrf0)  }
0x188: {  	(v2sf) =	vpush v4, $0xF;
	_ =	sdelay $0xb  }
0x189: {  	s0 =	sadd.s32 $0x1, s0;
	v3 =	vbroadcast v3, $0xF  }
0x18a: {  	p0 =	slt.s32 s0, s31  }
.Ltmp4:
0x18b: {  	_ = 	snop;
	(pc) =	sbr.rel @p0 .LBB2_2-.Ltmp4, $4  }
.Ltmp5:
0x18c: {  	s6 =	spop (v2sf);
	(pc) =	sbr.rel @!p0 .LBB2_5-.Ltmp5, $4  }
0x18d: {  	s6 =	sxor.u32 $0x80000000, s6  }
0x18e: {  	v4 =	vmov s6  }
0x18f: {  	[tilespmem:v3+s25+$0x0] =	vst.idx.msk $0x1, v4  }
0x190: {  	_ = 	snop  }
.LBB2_6:
0x191: {  	_ =	sfence.sel $0x180000  }
0x192: {  	[bflag:$0x0] =	sbarrier.arrive $0xFFFF  }
0x193: {  	_ =	strace $0x90000047  }
0x194: {  	s0 =	stileid.u32;
	[bflag:$0x2] =	sbarrier.arrive $0xFFFF  }
0x195: {  	p0 =	sne.s32 s0, $0x0;
	s0 =	rddreg [dreg:$0x4]  }
0x196: {  	s0 =	sadd.s32 @!p0 $0x100000, s0  }
0x197: {  	[sflag:s0] =	ssyncadd.tile.s32 @!p0 $0x1;
	_ =	shalt  }
.Lfunc_end2:
_tile_overlayer_lowered:
.L_overlay_start_2:
0x198: {  	(tag) =	ssettag $0x2  }
0x199: {  	s0 =	rddreg [dreg:$0x0];
	s2 =	stileid.u32  }
0x19a: {  	s1 =	rddreg [dreg:$0x1];
	p0 =	sne.s32 s2, $0x0  }
0x19b: {  	s3 =	rddreg [dreg:$0x2];
	[bflag:$0x3] =	sbarrier.arrive $0xFFFF;
	s2 =	simm.s32 @!p0 $0x1C01  }
0x19c: {  	[timem:s3], [sflag:s2] =	dma.local @!p0 [hbm:s0], s1  }
0x19d: {  	s0 =	simm.s32 @!p0 $0x1  }
0x19e: {  	_ =	swait.ge @!p0 [sflag:s0], s1  }
0x19f: {  	s1 =	ssub.s32 @!p0 $0x0, s1;
	[sflag:s0] =	ssyncset.done @!p0 $0x0  }
0x1a0: {  	[sflag:s0] =	ssyncadd.s32 @!p0 s1  }
0x1a1: {  	[bflag:$0x3] =	sbarrier.arrive $0xFFFF  }
0x1a2: {  	_ =	shalt  }

// kernel: _sc_call.7.cloned.1.call-start
scs
__scs_entry_jumppad:
0x0: {  	(pc) =	sbr.rel $0x88, $3  }
0x1: {  	(tag) =	ssettag $0x0;
	lr =	simm.s32 $0x1  }
0x2: {  	[smem:$0x3F9C] =	sst lr;
	_ =	strace $0xD0000000  }
0x3: {  	_ = 	snop  }
0x4: {  	_ = 	snop  }
0x5: {  	_ = 	snop  }
0x6: {  	_ = 	snop  }
0x7: {  	_ = 	snop  }
__scs_overlays_trampoline_lowered:
0x8: {  	[smem:$0x3FAB] =	sst s0  }
0x9: {  	[smem:$0x3FAC] =	sst s1  }
0xa: {  	[smem:$0x3FAD] =	sst s2  }
0xb: {  	[smem:$0x3FAE] =	sst s3  }
0xc: {  	[smem:$0x3FAF] =	sst s4  }
0xd: {  	[smem:$0x3FB0] =	sst s5  }
0xe: {  	[smem:$0x3FB1] =	sst s6  }
0xf: {  	[smem:$0x3FB2] =	sst s7  }
0x10: {  	[smem:$0x3FB3] =	sst s8  }
0x11: {  	[smem:$0x3FB4] =	sst s9;
	s0 =	simm.s32 @!p0 $0x0  }
0x12: {  	s1 =	sld [smem:$0x3F9A];
	s0 =	simm.s32 @p0 $0x1  }
0x13: {  	[smem:$0x3FB5] =	sst s0;
	s0 =	simm.s32 @!p1 $0x0  }
0x14: {  	s2 =	sld [smem:$0x3F99];
	s0 =	simm.s32 @p1 $0x1  }
0x15: {  	[smem:$0x3FB6] =	sst s0;
	s0 =	simm.s32 @!p2 $0x0  }
0x16: {  	s3 =	sld [smem:$0x3FDB];
	s0 =	simm.s32 @p2 $0x1  }
0x17: {  	s4 =	simm.s32 $0x1BF5;
	[smem:$0x3FB8] =	sst s0  }
0x18: {  	s0 =	sld [smem:$0x3F9B];
	_ =	swait.ge [sflag:s4], $0x0  }
0x19: {  	s7 =	sld [smem:$0x3F9C]  }
0x1a: {  	s8 =	sadd.s32 $0xFFFFE003, lr  }
0x1b: {  	s9 =	sadd.s32 $0xFFFFFEF7, lr;
	s5 =	simm.s32 $0xFFFFFFFF;
	p2 =	slt.u32 s8, $0xFFFFF086  }
0x1c: {  	p1 =	slt.u32 s9, $0xF7A;
	s5 =	simm.s32 @!p2 $0x0  }
0x1d: {  	s5 =	simm.s32 @p1 $0x1;
	p0 =	seq.s32 s7, s2  }
0x1e: {  	s7 =	smul.u32 @!p0 $0xF7A, s2;
	p2 =	seq.s32 @!p0 s5, $0x0  }
0x1f: {  	s9 =	smul.u32 $0xF7A, s1;
	s8 =	simm.s32 @!p0 $0x1BF5;
	p2 =	por !p2, p0  }
0x20: {  	[sflag:s8] =	ssyncset.s32 @!p0 $0xFFFFF086;
	s6 =	sadd.s32 @!p0 s3, s7;
	s7 =	simm.s32 @!p0 $0x108  }
0x21: {  	s3 =	sadd.s32 s3, s9;
	s6 =	sadd.s32 @!p0 $0x88, s6;
	s7 =	simm.s32 @p2 $0x1082  }
0x22: {  	[simem:s7], [sflag:s8] =	dma.local @!p0 [hbm:s6], $0xF7A  }
0x23: {  	s9 =	sor.u32 $0xD0000000, s2;
	s6 =	simm.s32 $0x108;
	_ =	swait.ge @!p0 [sflag:s8], $0x0  }
0x24: {  	s3 =	sadd.s32 $0x88, s3;
	s6 =	simm.s32 @!p1 $0x1082;
	[sflag:s4] =	ssyncset.s32 $0xFFFFF086  }
0x25: {  	[simem:s6], [sflag:s4] =	dma.local [hbm:s3], $0xF7A  }
0x26: {  	[smem:$0x3F9C] =	sst s1;
	(tag) =	ssettag s2;
	_ =	strace s9  }
0x27: {  	s1 =	sld [smem:$0x3FAC]  }
0x28: {  	s2 =	sld [smem:$0x3FAD]  }
0x29: {  	s4 =	sld [smem:$0x3FAF]  }
0x2a: {  	p0 =	seq.s32 s5, $0x0;
	s5 =	sld [smem:$0x3FB0]  }
0x2b: {  	s6 =	sld [smem:$0x3FB1]  }
0x2c: {  	s7 =	sld [smem:$0x3FB2]  }
0x2d: {  	s3 =	simm.s32 $0x108;
	s8 =	sld [smem:$0x3FB3]  }
0x2e: {  	s3 =	simm.s32 @!p0 $0x1082;
	s9 =	sld [smem:$0x3FB4]  }
0x2f: {  	lr =	sadd.s32 s0, s3;
	s0 =	sld [smem:$0x3FAB]  }
0x30: {  	s3 =	sld [smem:$0x3FAE]  }
0x31: {  	[smem:$0x3FB7] =	sst s10  }
0x32: {  	s10 =	sld [smem:$0x3FB5];
	_ =	sdelay $0x3  }
0x33: {  	p0 =	seq.s32 s10, $0x1;
	s10 =	sld [smem:$0x3FB7];
	_ =	sdelay $0x3  }
0x34: {  	[smem:$0x3FB7] =	sst s10  }
0x35: {  	s10 =	sld [smem:$0x3FB6];
	_ =	sdelay $0x3  }
0x36: {  	p1 =	seq.s32 s10, $0x1;
	s10 =	sld [smem:$0x3FB7];
	_ =	sdelay $0x3  }
0x37: {  	[smem:$0x3FB7] =	sst s10  }
0x38: {  	s10 =	sld [smem:$0x3FB8]  }
0x39: {  	_ = 	snop;
	(pc) =	sbr.ind lr, $3  }
0x3a: {  	_ = 	snop  }
0x3b: {  	_ = 	snop  }
0x3c: {  	p2 =	seq.s32 s10, $0x1;
	s10 =	sld [smem:$0x3FB7]  }
0x3d: {  	_ =	shalt  }
0x3e: {  	_ =	shalt  }
0x3f: {  	_ =	shalt  }
0x40: {  	_ =	shalt  }
0x41: {  	_ =	shalt  }
0x42: {  	_ =	shalt  }
0x43: {  	_ =	shalt  }
0x44: {  	_ =	shalt  }
0x45: {  	_ =	shalt  }
0x46: {  	_ =	shalt  }
0x47: {  	_ =	shalt  }
0x48: {  	_ =	shalt  }
0x49: {  	_ =	shalt  }
0x4a: {  	_ =	shalt  }
0x4b: {  	_ =	shalt  }
0x4c: {  	_ =	shalt  }
0x4d: {  	_ =	shalt  }
0x4e: {  	_ =	shalt  }
0x4f: {  	_ =	shalt  }
0x50: {  	_ =	shalt  }
0x51: {  	_ =	shalt  }
0x52: {  	_ =	shalt  }
0x53: {  	_ =	shalt  }
0x54: {  	_ =	shalt  }
0x55: {  	_ =	shalt  }
0x56: {  	_ =	shalt  }
0x57: {  	_ =	shalt  }
0x58: {  	_ =	shalt  }
0x59: {  	_ =	shalt  }
0x5a: {  	_ =	shalt  }
0x5b: {  	_ =	shalt  }
0x5c: {  	_ =	shalt  }
0x5d: {  	_ =	shalt  }
0x5e: {  	_ =	shalt  }
0x5f: {  	_ =	shalt  }
0x60: {  	_ =	shalt  }
0x61: {  	_ =	shalt  }
0x62: {  	_ =	shalt  }
0x63: {  	_ =	shalt  }
0x64: {  	_ =	shalt  }
0x65: {  	_ =	shalt  }
0x66: {  	_ =	shalt  }
0x67: {  	_ =	shalt  }
0x68: {  	_ =	shalt  }
0x69: {  	_ =	shalt  }
0x6a: {  	_ =	shalt  }
0x6b: {  	_ =	shalt  }
0x6c: {  	_ =	shalt  }
0x6d: {  	_ =	shalt  }
0x6e: {  	_ =	shalt  }
0x6f: {  	_ =	shalt  }
0x70: {  	_ =	shalt  }
0x71: {  	_ =	shalt  }
0x72: {  	_ =	shalt  }
0x73: {  	_ =	shalt  }
0x74: {  	_ =	shalt  }
0x75: {  	_ =	shalt  }
0x76: {  	_ =	shalt  }
0x77: {  	_ =	shalt  }
0x78: {  	_ =	shalt  }
0x79: {  	_ =	shalt  }
0x7a: {  	_ =	shalt  }
0x7b: {  	_ =	shalt  }
0x7c: {  	_ =	shalt  }
0x7d: {  	_ =	shalt  }
0x7e: {  	_ =	shalt  }
0x7f: {  	_ =	shalt  }
0x80: {  	_ =	shalt  }
0x81: {  	_ =	shalt  }
0x82: {  	_ =	shalt  }
0x83: {  	_ =	shalt  }
0x84: {  	_ =	shalt  }
0x85: {  	_ =	shalt  }
0x86: {  	_ =	shalt  }
0x87: {  	_ =	shalt  }
.Lfunc_end0:
.L_simem_size_0:
called_computation.1_lowered:
.L_overlay_start_0:
0x88: {  	s2 =	sld [smem:$0x3FD9]  }
0x89: {  	s3 =	sld [smem:$0x3FFE];
	_ =	sdelay $0x1  }
0x8a: {  	s1 =	srdreg.scid  }
0x8b: {  	s0 =	sand.u32 $0x1, s1  }
0x8c: {  	s14 =	sshll.u32 s0, $0xA;
	s2 =	sadd.s32 s3, s2  }
0x8d: {  	s2 =	sadd.s32 s2, s14  }
0x8e: {  	[smem:$0x3FC3] =	sst s2  }
0x8f: {  	_ = 	snop  }
0x90: {  	s2 =	sld [smem:$0x3FD0];
	_ =	sdelay $0x2  }
0x91: {  	s15 =	simm.s32 $0xA;
	s4 =	simm.s32 $0x10  }
0x92: {  	[smem:s4], [sflag:s15] =	dma.local [hbm:s2], $0x1  }
0x93: {  	_ =	swait.eq [sflag:s15], $0x1  }
0x94: {  	s16 =	sld [smem:$0x10];
	[sflag:s15] =	ssyncset.done $0x0  }
0x95: {  	s17 =	sld [smem:$0x11];
	[sflag:s15] =	ssyncadd.s32 $0xFFFFFFFF  }
0x96: {  	s18 =	sld [smem:$0x12];
	(tm) =	ssettm $0x1  }
0x97: {  	s5 =	sld [smem:$0x3FFB];
	_ =	sdelay $0x3  }
0x98: {  	_ =	strace s5  }
0x99: {  	s5 =	sld [smem:$0x3FFC];
	_ =	sdelay $0x3  }
0x9a: {  	_ =	strace s5  }
0x9b: {  	s5 =	sld [smem:$0x3FFD];
	_ =	sdelay $0x3  }
0x9c: {  	_ =	strace s5  }
0x9d: {  	_ =	strace $0x8FFFFFFF  }
0x9e: {  	s19 =	sld [smem:$0x3FDB];
	_ =	sdelay $0x1  }
0x9f: {  	s6 =	simm.s32 $_scs_section_size  }
0xa0: {  	s7 =	simm.s32 $_size__tile_overlayer_lowered;
	s8 =	simm.s32 $_tile_overlayer_lowered  }
0xa1: {  	s22 =	simm.s32 $0x1BFF;
	s21 =	sshll.u32 s8, $0x1;
	s5 =	sadd.s32 s6, s19  }
0xa2: {  	s9 =	simm.s32 $0x0;
	s20 =	sshll.u32 s7, $0x1;
	s7 =	sadd.s32 s21, s5  }
0xa3: {  	[timem:s9], [sflag:s22] =	dma.local [hbm:s7], s20  }
0xa4: {  	_ =	swait.ge [sflag:s22], s20  }
0xa5: {  	s6 =	ssub.s32 $0x0, s20;
	[sflag:s22] =	ssyncset.done $0x0  }
0xa6: {  	[sflag:s22] =	ssyncadd.s32 s6;
	_ =	sdelay $0x1  }
0xa7: {  	s23 =	simm.s32 $0x1B8B  }
0xa8: {  	_ =	swait.ge [sflag:s23], $0x1  }
0xa9: {  	[sflag:s23] =	ssyncset.done $0x0  }
0xaa: {  	s25 =	simm.s32 $0x1B8E;
	s24 =	sld [smem:$0x3FFE];
	[sflag:s23] =	ssyncadd.s32 $0xFFFFFFFF  }
0xab: {  	s26 =	simm.s32 $execute0_lowered;
	[smem:$0x3FD2] =	sst s25  }
0xac: {  	s7 =	sshll.u32 s26, $0x1;
	_ =	strace $0x80000049;
	[dreg:$0x1] =	wrdreg $0xFFFFFFFF  }
0xad: {  	s28 =	simm.s32 $_size_execute0_lowered;
	s5 =	sadd.s32 s5, s7;
	[dreg:$0x0] =	wrdreg $0x0  }
0xae: {  	s7 =	sshll.u32 s28, $0x1;
	[dreg:$0x2] =	wrdreg s5  }
0xaf: {  	[dreg:$0x3] =	wrdreg s7  }
0xb0: {  	[dreg:$0x4] =	wrdreg $0xC0  }
0xb1: {  	_ =	task [dreg:s9], $0x5FFFF  }
0xb2: {  	[dreg:$0x1] =	wrdreg $0xFFFFFFFF  }
0xb3: {  	[dreg:$0x0] =	wrdreg $0x60  }
0xb4: {  	[dreg:$0x2] =	wrdreg s16  }
0xb5: {  	[dreg:$0x3] =	wrdreg s24  }
0xb6: {  	[dreg:$0x4] =	wrdreg s17  }
0xb7: {  	[dreg:$0x5] =	wrdreg s18  }
0xb8: {  	[dreg:$0x6] =	wrdreg $0x9  }
0xb9: {  	_ =	task.clear_ibuf [dreg:s9], $0x7FFFF;
	_ =	strace $0x90000049  }
0xba: {  	s29 =	simm.s32 $0x9;
	_ =	strace $0x8000004B  }
0xbb: {  	_ =	swait.ge [sflag:s29], $0x1  }
0xbc: {  	[sflag:s29] =	ssyncadd.s32 $0xFFFFFFFF  }
0xbd: {  	_ =	strace $0x9000004B  }
0xbe: {  	_ =	sfence  }
0xbf: {  	s30 =	sld [smem:$0x0];
	_ =	sdelay $0x2  }
0xc0: {  	s31 =	sshll.u32 s1, $0xD;
	s1 =	sshrl.u32 s1, $0x2  }
0xc1: {  	s3 =	sand.u32 $0x4000, s31;
	s1 =	sadd.s32 s1, s30  }
0xc2: {  	s0 =	sor.u32 s3, s0;
	s1 =	sshll.u32 s1, $0x11  }
0xc3: {  	s0 =	sor.u32 s1, s0  }
0xc4: {  	s0 =	sadd.s32 $0x8F2B, s0  }
0xc5: {  	[sflag:s0] =	ssyncadd.remote.s32 $0x1  }
0xc6: {  	_ =	sfence.sel $0xFFFF  }
0xc7: {  	[dreg:$0x0] =	wrdreg $0xFFFFFFFF;
	(pc) =	sbr.abs _section_cstart, $3  }
0xc8: {  	[dreg:$0x1] =	wrdreg $0xFFFFFFFF  }
0xc9: {  	_ =	task.clear_ibuf [dreg:s9], $0x2FFFF;
	_ =	strace $0x9FFFFFFF  }
0xca: {  	(tm) =	ssettm $0x7FFFFFFF  }
0xcb: {  	_ =	shalt  }
tec
execute0_lowered:
.L_overlay_start_1:
0x0: {  	(tag) =	ssettag $0x1  }
0x1: {  	s9 =	rddreg [dreg:$0x0]  }
0x2: {  	s8 =	rddreg [dreg:$0x1]  }
0x3: {  	s1 =	rddreg [dreg:$0x2]  }
0x4: {  	s2 =	rddreg [dreg:$0x3]  }
0x5: {  	s0 =	rddreg [dreg:$0x4];
	s3 =	simm.s32 $0x0  }
0x6: {  	s6 =	srdreg.scid;
	s4 =	stileid.u32;
	s14 =	simm.s32 $0x2  }
0x7: {  	s15 =	simm.s32 $0x2980;
	s16 =	simm.s32 $0x3980;
	s17 =	simm.s32 $0x80  }
0x8: {  	s19 =	simm.s32 $0x1180;
	s20 =	simm.s32 $0x2180;
	s21 =	simm.s32 $0x1  }
0x9: {  	v0 =	vlaneseq.u32;
	s22 =	simm.s32 $0x100;
	s23 =	simm.s32 $0x0;
	[smem:$0x7FF] =	sst s3  }
0xa: {  	v12 =	vimm.f32 $0.0e+00;
	s5 =	sadd.s32 $0x11400, s8;
	s10 =	sand.u32 $0x1, s6;
	s6 =	sadd.s32 $0x1400, s8;
	v2 =	vor.u32 $0x10, v0  }
0xb: {  	s11 =	sshll.u32 s4, $0x8;
	s7 =	sadd.s32 $0x21400, s8;
	v4 =	vor.u32 $0x20, v0;
	v5 =	vor.u32 $0x30, v0;
	v8 =	vor.u32 $0x40, v0;
	s12 =	sshll.u32 s10, $0x7  }
0xc: {  	s8 =	sadd.s32 $0x29400, s8;
	v9 =	vor.u32 $0x50, v0;
	v10 =	vor.u32 $0x60, v0;
	v11 =	vor.u32 $0x70, v0;
	s10 =	ssub.s32 $0x2, s10;
	s18 =	sor.u32 s12, s11  }
0xd: {  	v13 =	vor.u32 $0x1000, v0;
	_ =	strace $0x8000004A;
	s29 =	sshrl.u32 s10, $0x1;
	s12 =	sshrl.u32 s18, $0x3;
	v1 =	vor.u32 s18, v0;
	v3 =	vor.u32 s18, v2  }
0xe: {  	s13 =	ssub.s32 s10, s29;
	s30 =	sshll.u32 s18, $0x2;
	v6 =	vor.u32 s18, v4;
	v7 =	vor.u32 s18, v5;
	s31 =	sshll.u32 s18, $0x1;
	v8 =	vor.u32 s18, v8  }
0xf: {  	v9 =	vor.u32 s18, v9;
	v10 =	vor.u32 s18, v10;
	v11 =	vor.u32 s18, v11;
	s18 =	simm.s32 $0x180;
	s9 =	sadd.s32 s9, s12;
	s10 =	sadd.s32 s1, s30  }
0x10: {  	v14 =	vor.u32 $0x1010, v0;
	v15 =	vor.u32 $0x1020, v0;
	v16 =	vor.u32 $0x1030, v0;
	s11 =	sadd.s32 s8, s30;
	s12 =	sadd.s32 s2, s31;
	s13 =	smax.u32 s13, $0x1  }
.LBB2_1:
0x11: {  	[tilespmem:s3], [sflag:$0x2] =	stream.linear.gather [hbm4b:s9+s3], $0x80, $0x38;
	[tilespmem:$0x4180] =	vst v63  }
0x12: {  	_ =	swait.ge [sflag:s14], $0x80  }
0x13: {  	[sflag:s14] =	ssyncset.done $0x0  }
0x14: {  	s24 =	simm.s32 $0x2990;
	[sflag:s14] =	ssyncadd.s32 $0xFFFFFF80  }
0x15: {  	[tilespmem:s24+$0xFFFFFFF0] =	vst v12  }
0x16: {  	s25 =	simm.s32 $0x40;
	s26 =	simm.s32 $0x0;
	[tilespmem:s24+$0x0] =	vst v12  }
.LBB2_2:
0x17: {  	p0 =	sne.s32 s25, $0x1FC0  }
0x18: {  	[tilespmem:s26+$0x3980] =	vst v12;
	s24 =	sadd.s32 $0x20, s24;
	s26 =	smov.u32 s25;
	s25 =	sadd.s32 $0x40, s25  }
.Ltmp0:
0x19: {  	[tilespmem:s24+$0xFFFFFFF0] =	vst v12;
	(pc) =	sbr.rel @p0 .LBB2_2-.Ltmp0, $2  }
0x1a: {  	_ =	sdelay $0x2  }
0x1b: {  	s26 =	sshra.s32 s26, $0x2;
	[tilespmem:s24+$0x0] =	vst v12  }
0x1c: {  	[tilespmem:s26+$0x3980] =	vst v12  }
0x1d: {  	v17 =	vld [tilespmem:$0x0];
	_ =	sdelay $0x1  }
0x1e: {  	v18 =	vld [tilespmem:$0x10];
	_ =	sdelay $0x1  }
0x1f: {  	v19 =	vld [tilespmem:$0x20]  }
0x20: {  	vm0 =	vgt.s32 v17, $0x0;
	v17 =	vadd.s32 $0xFFFFFFFF, v17  }
0x21: {  	v20 =	vld [tilespmem:$0x30];
	v17 =	vsel vm0, v17, v0  }
0x22: {  	vm9 =	vgt.s32 v18, $0x0;
	v18 =	vadd.s32 $0xFFFFFFFF, v18;
	[tilespmem:$0x80] =	vst v17;
	v17 =	vsel vm0, v1, v13  }
0x23: {  	[tilespmem:$0x100] =	vst v17;
	v17 =	vsel vm9, v18, v2;
	v18 =	vld [tilespmem:$0x40]  }
0x24: {  	vm10 =	vgt.s32 v19, $0x0;
	v19 =	vadd.s32 $0xFFFFFFFF, v19;
	[tilespmem:$0x90] =	vst v17;
	v17 =	vsel vm9, v3, v14  }
0x25: {  	[tilespmem:$0x110] =	vst v17;
	v17 =	vsel vm10, v19, v4;
	v19 =	vld [tilespmem:$0x50]  }
0x26: {  	vm11 =	vgt.s32 v20, $0x0;
	v20 =	vadd.s32 $0xFFFFFFFF, v20;
	[tilespmem:$0xA0] =	vst v17;
	v17 =	vsel vm10, v6, v15  }
0x27: {  	v63 =	vld [tilespmem:$0x60];
	[tilespmem:$0x120] =	vst v17;
	v17 =	vsel vm11, v20, v5  }
0x28: {  	[tilespmem:$0xB0] =	vst v17;
	v17 =	vsel vm11, v7, v16;
	vm12 =	vgt.s32 v18, $0x0;
	v18 =	vadd.s32 $0xFFFFFFFF, v18  }
0x29: {  	[tilespmem:$0x130] =	vst v17;
	v17 =	vsel vm12, v18, v0;
	v18 =	vld [tilespmem:$0x70]  }
0x2a: {  	[tilespmem:$0xC0] =	vst v17;
	v17 =	vsel vm12, v8, v13;
	vm13 =	vgt.s32 v19, $0x0;
	v19 =	vadd.s32 $0xFFFFFFFF, v19  }
0x2b: {  	[tilespmem:$0x140] =	vst v17;
	v17 =	vsel vm13, v19, v2  }
0x2c: {  	vm14 =	vgt.s32 v63, $0x0;
	v19 =	vadd.s32 $0xFFFFFFFF, v63;
	[tilespmem:$0xD0] =	vst v17;
	v17 =	vsel vm13, v9, v14  }
0x2d: {  	[tilespmem:$0x150] =	vst v17;
	v17 =	vsel vm14, v19, v4  }
0x2e: {  	[tilespmem:$0xE0] =	vst v17;
	v17 =	vsel vm14, v10, v15;
	vm15 =	vgt.s32 v18, $0x0;
	v18 =	vadd.s32 $0xFFFFFFFF, v18  }
0x2f: {  	[tilespmem:$0x160] =	vst v17;
	v17 =	vsel vm15, v18, v5  }
0x30: {  	[tilespmem:$0xF0] =	vst v17;
	v17 =	vsel vm15, v11, v16  }
0x31: {  	[tilespmem:$0x170] =	vst v17  }
0x32: {  	[hbm4b:s10+s3] =	stream.linear.scatter [tilespmem:s15], [sflag:$0x1], $0x1000, $0x38;
	[tilespmem:$0x4180] =	vst v63  }
0x33: {  	_ = 	snop  }
0x34: {  	[hbm4b:s11+s3] =	stream.linear.scatter [tilespmem:s15], [sflag:$0x1], $0x1000, $0x38;
	[tilespmem:$0x4180] =	vst v63  }
0x35: {  	_ = 	snop  }
0x36: {  	[hbm4b:s12+s3] =	stream.linear.scatter [tilespmem:s16], [sflag:$0x1], $0x800, $0x38;
	[tilespmem:$0x4180] =	vst v63  }
0x37: {  	_ = 	snop  }
0x38: {  	[tilespmem:s18], [sflag:$0x1] =	stream.indirect.gather [hbm4b:s5+s17], $0x20, s17, s17, $0xb8;
	[tilespmem:$0x4180] =	vst v63  }
0x39: {  	_ = 	snop  }
0x3a: {  	[tilespmem:s19], [sflag:$0x1] =	stream.indirect.gather [hbm4b:s6+s17], $0x20, s17, s17, $0xb8;
	[tilespmem:$0x4180] =	vst v63  }
0x3b: {  	_ = 	snop  }
0x3c: {  	[tilespmem:s20], [sflag:$0x1] =	stream.indirect.gather [hbm4b:s7+s17], $0x10, s17, s17, $0xb8;
	[tilespmem:$0x4180] =	vst v63  }
0x3d: {  	_ =	swait.ge [sflag:s21], $0x1000  }
0x3e: {  	[sflag:s21] =	ssyncset.done $0x0  }
0x3f: {  	[sflag:s21] =	ssyncadd.s32 $0xFFFFF000  }
0x40: {  	_ =	swait.ge [sflag:s21], $0x1000  }
0x41: {  	[sflag:s21] =	ssyncset.done $0x0  }
0x42: {  	[sflag:s21] =	ssyncadd.s32 $0xFFFFF000  }
0x43: {  	_ =	swait.ge [sflag:s21], $0x800  }
0x44: {  	[sflag:s21] =	ssyncset.done $0x0  }
0x45: {  	[sflag:s21] =	ssyncadd.s32 $0xFFFFF800  }
0x46: {  	_ =	swait.ge [sflag:s21], $0x1000  }
0x47: {  	[sflag:s21] =	ssyncset.done $0x0  }
0x48: {  	[sflag:s21] =	ssyncadd.s32 $0xFFFFF000  }
0x49: {  	_ =	swait.ge [sflag:s21], $0x1000  }
0x4a: {  	[sflag:s21] =	ssyncset.done $0x0  }
0x4b: {  	[sflag:s21] =	ssyncadd.s32 $0xFFFFF000  }
0x4c: {  	_ =	swait.ge [sflag:s21], $0x800  }
0x4d: {  	[sflag:s21] =	ssyncset.done $0x0  }
0x4e: {  	[sflag:s21] =	ssyncadd.s32 $0xFFFFF800  }
0x4f: {  	[hbm4b:s1+s17] =	stream.indirect.scatter [tilespmem:s18], [sflag:$0x1], $0x20, s22, s17, $0xb8;
	[tilespmem:$0x4180] =	vst v63  }
0x50: {  	_ = 	snop  }
0x51: {  	[hbm4b:s8+s17] =	stream.indirect.scatter [tilespmem:s19], [sflag:$0x1], $0x20, s22, s17, $0xb8;
	[tilespmem:$0x4180] =	vst v63  }
0x52: {  	_ = 	snop  }
0x53: {  	[hbm4b:s2+s17] =	stream.indirect.scatter [tilespmem:s20], [sflag:$0x1], $0x10, s22, s17, $0xb8;
	[tilespmem:$0x4180] =	vst v63  }
0x54: {  	_ =	swait.ge [sflag:s21], $0x1000  }
0x55: {  	[sflag:s21] =	ssyncset.done $0x0  }
0x56: {  	s23 =	sadd.s32 $0x1, s23;
	[sflag:s21] =	ssyncadd.s32 $0xFFFFF000  }
0x57: {  	p0 =	sne.s32 s23, s13;
	_ =	swait.ge [sflag:s21], $0x1000  }
.Ltmp1:
0x58: {  	[sflag:s21] =	ssyncset.done $0x0;
	(pc) =	sbr.rel @p0 .LBB2_1-.Ltmp1, $4  }
0x59: {  	[sflag:s21] =	ssyncadd.s32 $0xFFFFF000  }
0x5a: {  	_ =	swait.ge [sflag:s21], $0x800  }
0x5b: {  	[sflag:s21] =	ssyncset.done $0x0  }
0x5c: {  	[sflag:s21] =	ssyncadd.s32 $0xFFFFF800  }
0x5d: {  	_ =	sfence.sel $0x180000  }
0x5e: {  	[bflag:$0x0] =	sbarrier.arrive $0xFFFF  }
0x5f: {  	p0 =	sne.s32 s4, $0x0;
	_ =	strace $0x9000004A  }
0x60: {  	s0 =	sadd.s32 @!p0 $0x100000, s0;
	[bflag:$0x2] =	sbarrier.arrive $0xFFFF  }
0x61: {  	[sflag:s0] =	ssyncadd.tile.s32 @!p0 $0x1;
	_ =	shalt  }
.Lfunc_end2:
_tile_overlayer_lowered:
.L_overlay_start_2:
0x62: {  	(tag) =	ssettag $0x2  }
0x63: {  	s0 =	rddreg [dreg:$0x0];
	s2 =	stileid.u32  }
0x64: {  	s1 =	rddreg [dreg:$0x1];
	p0 =	sne.s32 s2, $0x0  }
0x65: {  	s3 =	rddreg [dreg:$0x2];
	[bflag:$0x3] =	sbarrier.arrive $0xFFFF;
	s2 =	simm.s32 @!p0 $0x1C02  }
0x66: {  	[timem:s3], [sflag:s2] =	dma.local @!p0 [hbm:s0], s1  }
0x67: {  	s0 =	simm.s32 @!p0 $0x2  }
0x68: {  	_ =	swait.ge @!p0 [sflag:s0], s1  }
0x69: {  	s1 =	ssub.s32 @!p0 $0x0, s1;
	[sflag:s0] =	ssyncset.done @!p0 $0x0  }
0x6a: {  	[sflag:s0] =	ssyncadd.s32 @!p0 s1  }
0x6b: {  	[bflag:$0x3] =	sbarrier.arrive $0xFFFF  }
0x6c: {  	_ =	shalt  }

</sc_bundles>
